<compile_context>
chip_gen: v7x
topology: tpu7x:2x2x1
jax: 0.10.2.dev20260603
libtpu: 0.0.44.dev20260713+nightly
codegen_flags: <defaults>
</compile_context>

<pallas_src>
import functools

import jax
import jax.numpy as jnp
from jax import lax
from jax.experimental import pallas as pl
from jax.experimental.pallas import tpu as pltpu
from jax.experimental.pallas import tpu_sc as plsc

DIM = 64
PDIM = 128
N = 4096 * 200
NC = 2
NS = 16
NW = NC * NS
PER_W = N // NW
C = 200
CHUNKS = PER_W // C
NBUF = 8
STEPS = CHUNKS // NBUF


def _emb_lookup(table, idx):
    mesh = plsc.VectorSubcoreMesh(core_axis_name="c", subcore_axis_name="s")

    @functools.partial(
        pl.kernel,
        mesh=mesh,
        out_type=jax.ShapeDtypeStruct((N, PDIM), jnp.float32),
        scratch_types=[
            pltpu.VMEM((PER_W,), jnp.int32),
            pltpu.VMEM((NBUF, C, DIM), jnp.float32),
            pltpu.SemaphoreType.DMA((NBUF,)),
            pltpu.SemaphoreType.DMA((NBUF,)),
        ],
        compiler_params=pltpu.CompilerParams(use_tc_tiling_on_sc=False),
    )
    def k(table_hbm, idx_hbm, out_hbm, idx_all, rows_v, gsem, ssem):
        wid = lax.axis_index("s") * NC + lax.axis_index("c")
        base = wid * PER_W
        pltpu.sync_copy(idx_hbm.at[pl.ds(base, PER_W)], idx_all)

        def fire(g, b):
            pltpu.async_copy(
                table_hbm.at[idx_all.at[pl.ds(g * C, C)]],
                rows_v.at[b], gsem.at[b])

        def wait_g(b):
            pltpu.make_async_copy(
                table_hbm.at[idx_all.at[pl.ds(0, C)]],
                rows_v.at[b], gsem.at[b]).wait()

        def store(g, b):
            pltpu.async_copy(
                rows_v.at[b],
                out_hbm.at[pl.ds(base + g * C, C), pl.ds(0, DIM)],
                ssem.at[b])

        def wait_s(b):
            pltpu.make_async_copy(
                rows_v.at[b],
                out_hbm.at[pl.ds(0, C), pl.ds(0, DIM)],
                ssem.at[b]).wait()

        for b in range(NBUF - 1):
            fire(b, b)

        def group(s, is_first, is_last):
            for bi in range(NBUF):
                g = s * NBUF + bi
                wait_g(bi)
                store(g, bi)
                bp = (bi - 1) % NBUF
                nxt = g + NBUF - 1
                if is_first and bi == 0:
                    fire(nxt, bp)
                elif is_last and bi > 0:
                    pass
                else:
                    wait_s(bp)
                    fire(nxt, bp)

        group(0, True, False)

        def body(s, carry):
            group(s, False, False)
            return carry

        lax.fori_loop(1, STEPS - 1, body, 0)
        group(STEPS - 1, False, True)

        for b in range(NBUF):
            wait_s(b)

    return k(table, idx)


def kernel(inputs, table):
    idx = inputs.reshape(-1).astype(jnp.int32)
    out_p = _emb_lookup(table, idx)
    return out_p[:, :DIM].reshape(inputs.shape + (DIM,))

# --- scband reference (transcript-rebuilt; emitter-appended) ---
"""Pipeline reference for scband-vocab-embedding-52398601011390 (READ-ONLY COPY).

The authoritative reference and input builder live on the scoring server;
editing this copy changes nothing except your own understanding.
"""

import jax, jax.numpy as jnp
import numpy as np

VOCAB = 1000000
DIM = 64
B = 4096
L = 200


def setup_inputs(seed: int = 0) -> dict:
    key = jax.random.key(seed)
    k1, k2 = jax.random.split(key)
    inputs = jax.random.randint(k1, (B, L), 0, VOCAB)
    table = jax.random.normal(k2, (VOCAB, DIM), dtype=jnp.float32) * 0.02
    return {"inputs": inputs, "table": table}


def reference(inputs, table):
    # VocabEmbedding.forward: nn.Embedding lookup -> row gather from table
    return jnp.take(table, inputs, axis=0)

if __name__ == "__main__":
    import jax
    _d = setup_inputs()
    print(jax.jit(kernel)(*tuple(_d.values())))

</pallas_src>

<mosaic_0001>
#map = affine_map<(d0, d1) -> (0, 0)>
#map1 = affine_map<(d0, d1) -> (0)>
module attributes {stable_mosaic.version = 14 : i64} {
  func.func @k(%arg0: i32, %arg1: i32, %arg2: memref<1000000x64xf32, #tpu.memory_space<hbm>>, %arg3: memref<819200xi32, #tpu.memory_space<hbm>>, %arg4: memref<819200x128xf32, #tpu.memory_space<hbm>>, %arg5: memref<25600xi32, #tpu.memory_space<vmem>>, %arg6: memref<8x200x64xf32, #tpu.memory_space<vmem>>, %arg7: memref<8x!tpu.dma_semaphore, #tpu.memory_space<semaphore_mem>>, %arg8: memref<8x!tpu.dma_semaphore, #tpu.memory_space<semaphore_mem>>) attributes {dimension_semantics = [#tpu.dimension_semantics<core_parallel>, #tpu.dimension_semantics<subcore_parallel>], iteration_bounds = array<i64: 2, 16>, scalar_prefetch = 0 : i64, scratch_operands = 4 : i64, tpu.core_type = #tpu.core_type<sc_vector_subcore>, window_params = [{transform_indices = #map}, {transform_indices = #map1}, {transform_indices = #map}]} {
    %mul3A = arith.constant 2 : i32
    %mul3A_0 = arith.muli %arg1, %mul3A : i32
    %add3A = arith.addi %mul3A_0, %arg0 : i32
    %mul3A_1 = arith.constant 25600 : i32
    %mul3A_2 = arith.muli %add3A, %mul3A_1 : i32
    "tpu.region"() ({
      %run_scoped3A = tpu.sem_alloc : memref<!tpu.dma_semaphore, #tpu.memory_space<semaphore_mem>>
      %dma_start3A_998 = tpu.memref_slice %arg3[%mul3A_2] : memref<819200xi32, #tpu.memory_space<hbm>> -> memref<25600xi32, #tpu.memory_space<hbm>>
      %dma_start3A_999 = tpu.memref_slice %arg3[%mul3A_2] : memref<819200xi32, #tpu.memory_space<hbm>> -> memref<25600xi32, #tpu.memory_space<hbm>>
      tpu.enqueue_dma source(%dma_start3A_999 : memref<25600xi32, #tpu.memory_space<hbm>>) target(%arg5 : memref<25600xi32, #tpu.memory_space<vmem>>) target_semaphore(%run_scoped3A : memref<!tpu.dma_semaphore, #tpu.memory_space<semaphore_mem>>)
      %dma_wait3A_1000 = tpu.memref_slice %arg3[%mul3A_2] : memref<819200xi32, #tpu.memory_space<hbm>> -> memref<25600xi32, #tpu.memory_space<hbm>>
      %dma_wait3A_1001 = tpu.memref_slice %arg3[%mul3A_2] : memref<819200xi32, #tpu.memory_space<hbm>> -> memref<25600xi32, #tpu.memory_space<hbm>>
      tpu.wait_dma2 semaphore(%run_scoped3A : memref<!tpu.dma_semaphore, #tpu.memory_space<semaphore_mem>>) src(%dma_wait3A_1001 : memref<25600xi32, #tpu.memory_space<hbm>>) dst(%arg5 : memref<25600xi32, #tpu.memory_space<vmem>>)
      tpu.yield
    }) : () -> ()
    %dma_start3A = arith.constant 0 : i32
    %dma_start3A_3 = arith.constant 0 : i32
    %dma_start3A_4 = arith.constant 0 : i32
    %dma_start3A_5 = arith.constant 0 : i32
    %dma_start3A_6 = tpu.memref_slice %arg6[%dma_start3A, %dma_start3A_4, %dma_start3A_5] : memref<8x200x64xf32, #tpu.memory_space<vmem>> -> memref<1x200x64xf32, #tpu.memory_space<vmem>>
    %dma_start3A_7 = tpu.memref_squeeze %dma_start3A_6 : memref<1x200x64xf32, #tpu.memory_space<vmem>> -> memref<200x64xf32, #tpu.memory_space<vmem>>
    %dma_start3A_8 = arith.constant 0 : i32
    %dma_start3A_9 = tpu.memref_slice %arg5[%dma_start3A_8] : memref<25600xi32, #tpu.memory_space<vmem>> -> memref<200xi32, #tpu.memory_space<vmem>>
    %dma_start3A_10 = arith.constant 0 : i32
    %dma_start3A_11 = arith.constant 0 : i32
    %dma_start3A_12 = tpu.memref_slice %arg2[%dma_start3A_10, %dma_start3A_11] : memref<1000000x64xf32, #tpu.memory_space<hbm>> -> memref<1000000x64xf32, #tpu.memory_space<hbm>>
    %dma_start3A_13 = tpu.memref_slice %arg7[%dma_start3A_3] : memref<8x!tpu.dma_semaphore, #tpu.memory_space<semaphore_mem>> -> memref<1x!tpu.dma_semaphore, #tpu.memory_space<semaphore_mem>>
    %dma_start3A_14 = tpu.memref_squeeze %dma_start3A_13 : memref<1x!tpu.dma_semaphore, #tpu.memory_space<semaphore_mem>> -> memref<!tpu.dma_semaphore, #tpu.memory_space<semaphore_mem>>
    tpu.enqueue_indirect_dma source(%dma_start3A_12 : memref<1000000x64xf32, #tpu.memory_space<hbm>>) target(%dma_start3A_7 : memref<200x64xf32, #tpu.memory_space<vmem>>) offsets(%dma_start3A_9 : memref<200xi32, #tpu.memory_space<vmem>>) semaphore(%dma_start3A_14 : memref<!tpu.dma_semaphore, #tpu.memory_space<semaphore_mem>>)
    %dma_start3A_15 = arith.constant 1 : i32
    %dma_start3A_16 = arith.constant 1 : i32
    %dma_start3A_17 = arith.constant 0 : i32
    %dma_start3A_18 = arith.constant 0 : i32
    %dma_start3A_19 = tpu.memref_slice %arg6[%dma_start3A_15, %dma_start3A_17, %dma_start3A_18] : memref<8x200x64xf32, #tpu.memory_space<vmem>> -> memref<1x200x64xf32, #tpu.memory_space<vmem>>
    %dma_start3A_20 = tpu.memref_squeeze %dma_start3A_19 : memref<1x200x64xf32, #tpu.memory_space<vmem>> -> memref<200x64xf32, #tpu.memory_space<vmem>>
    %dma_start3A_21 = arith.constant 200 : i32
    %dma_start3A_22 = tpu.memref_slice %arg5[%dma_start3A_21] : memref<25600xi32, #tpu.memory_space<vmem>> -> memref<200xi32, #tpu.memory_space<vmem>>
    %dma_start3A_23 = arith.constant 0 : i32
    %dma_start3A_24 = arith.constant 0 : i32
    %dma_start3A_25 = tpu.memref_slice %arg2[%dma_start3A_23, %dma_start3A_24] : memref<1000000x64xf32, #tpu.memory_space<hbm>> -> memref<1000000x64xf32, #tpu.memory_space<hbm>>
    %dma_start3A_26 = tpu.memref_slice %arg7[%dma_start3A_16] : memref<8x!tpu.dma_semaphore, #tpu.memory_space<semaphore_mem>> -> memref<1x!tpu.dma_semaphore, #tpu.memory_space<semaphore_mem>>
    %dma_start3A_27 = tpu.memref_squeeze %dma_start3A_26 : memref<1x!tpu.dma_semaphore, #tpu.memory_space<semaphore_mem>> -> memref<!tpu.dma_semaphore, #tpu.memory_space<semaphore_mem>>
    tpu.enqueue_indirect_dma source(%dma_start3A_25 : memref<1000000x64xf32, #tpu.memory_space<hbm>>) target(%dma_start3A_20 : memref<200x64xf32, #tpu.memory_space<vmem>>) offsets(%dma_start3A_22 : memref<200xi32, #tpu.memory_space<vmem>>) semaphore(%dma_start3A_27 : memref<!tpu.dma_semaphore, #tpu.memory_space<semaphore_mem>>)
    %dma_start3A_28 = arith.constant 2 : i32
    %dma_start3A_29 = arith.constant 2 : i32
    %dma_start3A_30 = arith.constant 0 : i32
    %dma_start3A_31 = arith.constant 0 : i32
    %dma_start3A_32 = tpu.memref_slice %arg6[%dma_start3A_28, %dma_start3A_30, %dma_start3A_31] : memref<8x200x64xf32, #tpu.memory_space<vmem>> -> memref<1x200x64xf32, #tpu.memory_space<vmem>>
    %dma_start3A_33 = tpu.memref_squeeze %dma_start3A_32 : memref<1x200x64xf32, #tpu.memory_space<vmem>> -> memref<200x64xf32, #tpu.memory_space<vmem>>
    %dma_start3A_34 = arith.constant 400 : i32
    %dma_start3A_35 = tpu.memref_slice %arg5[%dma_start3A_34] : memref<25600xi32, #tpu.memory_space<vmem>> -> memref<200xi32, #tpu.memory_space<vmem>>
    %dma_start3A_36 = arith.constant 0 : i32
    %dma_start3A_37 = arith.constant 0 : i32
    %dma_start3A_38 = tpu.memref_slice %arg2[%dma_start3A_36, %dma_start3A_37] : memref<1000000x64xf32, #tpu.memory_space<hbm>> -> memref<1000000x64xf32, #tpu.memory_space<hbm>>
    %dma_start3A_39 = tpu.memref_slice %arg7[%dma_start3A_29] : memref<8x!tpu.dma_semaphore, #tpu.memory_space<semaphore_mem>> -> memref<1x!tpu.dma_semaphore, #tpu.memory_space<semaphore_mem>>
    %dma_start3A_40 = tpu.memref_squeeze %dma_start3A_39 : memref<1x!tpu.dma_semaphore, #tpu.memory_space<semaphore_mem>> -> memref<!tpu.dma_semaphore, #tpu.memory_space<semaphore_mem>>
    tpu.enqueue_indirect_dma source(%dma_start3A_38 : memref<1000000x64xf32, #tpu.memory_space<hbm>>) target(%dma_start3A_33 : memref<200x64xf32, #tpu.memory_space<vmem>>) offsets(%dma_start3A_35 : memref<200xi32, #tpu.memory_space<vmem>>) semaphore(%dma_start3A_40 : memref<!tpu.dma_semaphore, #tpu.memory_space<semaphore_mem>>)
    %dma_start3A_41 = arith.constant 3 : i32
    %dma_start3A_42 = arith.constant 3 : i32
    %dma_start3A_43 = arith.constant 0 : i32
    %dma_start3A_44 = arith.constant 0 : i32
    %dma_start3A_45 = tpu.memref_slice %arg6[%dma_start3A_41, %dma_start3A_43, %dma_start3A_44] : memref<8x200x64xf32, #tpu.memory_space<vmem>> -> memref<1x200x64xf32, #tpu.memory_space<vmem>>
    %dma_start3A_46 = tpu.memref_squeeze %dma_start3A_45 : memref<1x200x64xf32, #tpu.memory_space<vmem>> -> memref<200x64xf32, #tpu.memory_space<vmem>>
    %dma_start3A_47 = arith.constant 600 : i32
    %dma_start3A_48 = tpu.memref_slice %arg5[%dma_start3A_47] : memref<25600xi32, #tpu.memory_space<vmem>> -> memref<200xi32, #tpu.memory_space<vmem>>
    %dma_start3A_49 = arith.constant 0 : i32
    %dma_start3A_50 = arith.constant 0 : i32
    %dma_start3A_51 = tpu.memref_slice %arg2[%dma_start3A_49, %dma_start3A_50] : memref<1000000x64xf32, #tpu.memory_space<hbm>> -> memref<1000000x64xf32, #tpu.memory_space<hbm>>
    %dma_start3A_52 = tpu.memref_slice %arg7[%dma_start3A_42] : memref<8x!tpu.dma_semaphore, #tpu.memory_space<semaphore_mem>> -> memref<1x!tpu.dma_semaphore, #tpu.memory_space<semaphore_mem>>
    %dma_start3A_53 = tpu.memref_squeeze %dma_start3A_52 : memref<1x!tpu.dma_semaphore, #tpu.memory_space<semaphore_mem>> -> memref<!tpu.dma_semaphore, #tpu.memory_space<semaphore_mem>>
    tpu.enqueue_indirect_dma source(%dma_start3A_51 : memref<1000000x64xf32, #tpu.memory_space<hbm>>) target(%dma_start3A_46 : memref<200x64xf32, #tpu.memory_space<vmem>>) offsets(%dma_start3A_48 : memref<200xi32, #tpu.memory_space<vmem>>) semaphore(%dma_start3A_53 : memref<!tpu.dma_semaphore, #tpu.memory_space<semaphore_mem>>)
    %dma_start3A_54 = arith.constant 4 : i32
    %dma_start3A_55 = arith.constant 4 : i32
    %dma_start3A_56 = arith.constant 0 : i32
    %dma_start3A_57 = arith.constant 0 : i32
    %dma_start3A_58 = tpu.memref_slice %arg6[%dma_start3A_54, %dma_start3A_56, %dma_start3A_57] : memref<8x200x64xf32, #tpu.memory_space<vmem>> -> memref<1x200x64xf32, #tpu.memory_space<vmem>>
    %dma_start3A_59 = tpu.memref_squeeze %dma_start3A_58 : memref<1x200x64xf32, #tpu.memory_space<vmem>> -> memref<200x64xf32, #tpu.memory_space<vmem>>
    %dma_start3A_60 = arith.constant 800 : i32
    %dma_start3A_61 = tpu.memref_slice %arg5[%dma_start3A_60] : memref<25600xi32, #tpu.memory_space<vmem>> -> memref<200xi32, #tpu.memory_space<vmem>>
    %dma_start3A_62 = arith.constant 0 : i32
    %dma_start3A_63 = arith.constant 0 : i32
    %dma_start3A_64 = tpu.memref_slice %arg2[%dma_start3A_62, %dma_start3A_63] : memref<1000000x64xf32, #tpu.memory_space<hbm>> -> memref<1000000x64xf32, #tpu.memory_space<hbm>>
    %dma_start3A_65 = tpu.memref_slice %arg7[%dma_start3A_55] : memref<8x!tpu.dma_semaphore, #tpu.memory_space<semaphore_mem>> -> memref<1x!tpu.dma_semaphore, #tpu.memory_space<semaphore_mem>>
    %dma_start3A_66 = tpu.memref_squeeze %dma_start3A_65 : memref<1x!tpu.dma_semaphore, #tpu.memory_space<semaphore_mem>> -> memref<!tpu.dma_semaphore, #tpu.memory_space<semaphore_mem>>
    tpu.enqueue_indirect_dma source(%dma_start3A_64 : memref<1000000x64xf32, #tpu.memory_space<hbm>>) target(%dma_start3A_59 : memref<200x64xf32, #tpu.memory_space<vmem>>) offsets(%dma_start3A_61 : memref<200xi32, #tpu.memory_space<vmem>>) semaphore(%dma_start3A_66 : memref<!tpu.dma_semaphore, #tpu.memory_space<semaphore_mem>>)
    %dma_start3A_67 = arith.constant 5 : i32
    %dma_start3A_68 = arith.constant 5 : i32
    %dma_start3A_69 = arith.constant 0 : i32
    %dma_start3A_70 = arith.constant 0 : i32
    %dma_start3A_71 = tpu.memref_slice %arg6[%dma_start3A_67, %dma_start3A_69, %dma_start3A_70] : memref<8x200x64xf32, #tpu.memory_space<vmem>> -> memref<1x200x64xf32, #tpu.memory_space<vmem>>
    %dma_start3A_72 = tpu.memref_squeeze %dma_start3A_71 : memref<1x200x64xf32, #tpu.memory_space<vmem>> -> memref<200x64xf32, #tpu.memory_space<vmem>>
    %dma_start3A_73 = arith.constant 1000 : i32
    %dma_start3A_74 = tpu.memref_slice %arg5[%dma_start3A_73] : memref<25600xi32, #tpu.memory_space<vmem>> -> memref<200xi32, #tpu.memory_space<vmem>>
    %dma_start3A_75 = arith.constant 0 : i32
    %dma_start3A_76 = arith.constant 0 : i32
    %dma_start3A_77 = tpu.memref_slice %arg2[%dma_start3A_75, %dma_start3A_76] : memref<1000000x64xf32, #tpu.memory_space<hbm>> -> memref<1000000x64xf32, #tpu.memory_space<hbm>>
    %dma_start3A_78 = tpu.memref_slice %arg7[%dma_start3A_68] : memref<8x!tpu.dma_semaphore, #tpu.memory_space<semaphore_mem>> -> memref<1x!tpu.dma_semaphore, #tpu.memory_space<semaphore_mem>>
    %dma_start3A_79 = tpu.memref_squeeze %dma_start3A_78 : memref<1x!tpu.dma_semaphore, #tpu.memory_space<semaphore_mem>> -> memref<!tpu.dma_semaphore, #tpu.memory_space<semaphore_mem>>
    tpu.enqueue_indirect_dma source(%dma_start3A_77 : memref<1000000x64xf32, #tpu.memory_space<hbm>>) target(%dma_start3A_72 : memref<200x64xf32, #tpu.memory_space<vmem>>) offsets(%dma_start3A_74 : memref<200xi32, #tpu.memory_space<vmem>>) semaphore(%dma_start3A_79 : memref<!tpu.dma_semaphore, #tpu.memory_space<semaphore_mem>>)
    %dma_start3A_80 = arith.constant 6 : i32
    %dma_start3A_81 = arith.constant 6 : i32
    %dma_start3A_82 = arith.constant 0 : i32
    %dma_start3A_83 = arith.constant 0 : i32
    %dma_start3A_84 = tpu.memref_slice %arg6[%dma_start3A_80, %dma_start3A_82, %dma_start3A_83] : memref<8x200x64xf32, #tpu.memory_space<vmem>> -> memref<1x200x64xf32, #tpu.memory_space<vmem>>
    %dma_start3A_85 = tpu.memref_squeeze %dma_start3A_84 : memref<1x200x64xf32, #tpu.memory_space<vmem>> -> memref<200x64xf32, #tpu.memory_space<vmem>>
    %dma_start3A_86 = arith.constant 1200 : i32
    %dma_start3A_87 = tpu.memref_slice %arg5[%dma_start3A_86] : memref<25600xi32, #tpu.memory_space<vmem>> -> memref<200xi32, #tpu.memory_space<vmem>>
    %dma_start3A_88 = arith.constant 0 : i32
    %dma_start3A_89 = arith.constant 0 : i32
    %dma_start3A_90 = tpu.memref_slice %arg2[%dma_start3A_88, %dma_start3A_89] : memref<1000000x64xf32, #tpu.memory_space<hbm>> -> memref<1000000x64xf32, #tpu.memory_space<hbm>>
    %dma_start3A_91 = tpu.memref_slice %arg7[%dma_start3A_81] : memref<8x!tpu.dma_semaphore, #tpu.memory_space<semaphore_mem>> -> memref<1x!tpu.dma_semaphore, #tpu.memory_space<semaphore_mem>>
    %dma_start3A_92 = tpu.memref_squeeze %dma_start3A_91 : memref<1x!tpu.dma_semaphore, #tpu.memory_space<semaphore_mem>> -> memref<!tpu.dma_semaphore, #tpu.memory_space<semaphore_mem>>
    tpu.enqueue_indirect_dma source(%dma_start3A_90 : memref<1000000x64xf32, #tpu.memory_space<hbm>>) target(%dma_start3A_85 : memref<200x64xf32, #tpu.memory_space<vmem>>) offsets(%dma_start3A_87 : memref<200xi32, #tpu.memory_space<vmem>>) semaphore(%dma_start3A_92 : memref<!tpu.dma_semaphore, #tpu.memory_space<semaphore_mem>>)
    %dma_wait3A = arith.constant 0 : i32
    %dma_wait3A_93 = arith.constant 0 : i32
    %dma_wait3A_94 = arith.constant 0 : i32
    %dma_wait3A_95 = arith.constant 0 : i32
    %dma_wait3A_96 = tpu.memref_slice %arg6[%dma_wait3A, %dma_wait3A_94, %dma_wait3A_95] : memref<8x200x64xf32, #tpu.memory_space<vmem>> -> memref<1x200x64xf32, #tpu.memory_space<vmem>>
    %dma_wait3A_97 = tpu.memref_squeeze %dma_wait3A_96 : memref<1x200x64xf32, #tpu.memory_space<vmem>> -> memref<200x64xf32, #tpu.memory_space<vmem>>
    %dma_wait3A_98 = arith.constant 0 : i32
    %dma_wait3A_99 = tpu.memref_slice %arg5[%dma_wait3A_98] : memref<25600xi32, #tpu.memory_space<vmem>> -> memref<200xi32, #tpu.memory_space<vmem>>
    %dma_wait3A_100 = arith.constant 0 : i32
    %dma_wait3A_101 = arith.constant 0 : i32
    %dma_wait3A_102 = tpu.memref_slice %arg2[%dma_wait3A_100, %dma_wait3A_101] : memref<1000000x64xf32, #tpu.memory_space<hbm>> -> memref<1000000x64xf32, #tpu.memory_space<hbm>>
    %dma_wait3A_103 = tpu.memref_slice %arg7[%dma_wait3A_93] : memref<8x!tpu.dma_semaphore, #tpu.memory_space<semaphore_mem>> -> memref<1x!tpu.dma_semaphore, #tpu.memory_space<semaphore_mem>>
    %dma_wait3A_104 = tpu.memref_squeeze %dma_wait3A_103 : memref<1x!tpu.dma_semaphore, #tpu.memory_space<semaphore_mem>> -> memref<!tpu.dma_semaphore, #tpu.memory_space<semaphore_mem>>
    tpu.wait_indirect_dma semaphore(%dma_wait3A_104 : memref<!tpu.dma_semaphore, #tpu.memory_space<semaphore_mem>>) src(%dma_wait3A_102 : memref<1000000x64xf32, #tpu.memory_space<hbm>>) dst(%dma_wait3A_97 : memref<200x64xf32, #tpu.memory_space<vmem>>)
    %add3A_105 = arith.constant 0 : i32
    %add3A_106 = arith.addi %mul3A_2, %add3A_105 : i32
    %dma_start3A_107 = arith.constant 0 : i32
    %dma_start3A_108 = arith.constant 0 : i32
    %dma_start3A_109 = arith.constant 0 : i32
    %dma_start3A_110 = arith.constant 0 : i32
    %dma_start3A_111 = tpu.memref_slice %arg6[%dma_start3A_107, %dma_start3A_109, %dma_start3A_110] : memref<8x200x64xf32, #tpu.memory_space<vmem>> -> memref<1x200x64xf32, #tpu.memory_space<vmem>>
    %dma_start3A_112 = tpu.memref_squeeze %dma_start3A_111 : memref<1x200x64xf32, #tpu.memory_space<vmem>> -> memref<200x64xf32, #tpu.memory_space<vmem>>
    %dma_start3A_113 = arith.constant 0 : i32
    %dma_start3A_114 = tpu.memref_slice %arg4[%add3A_106, %dma_start3A_113] : memref<819200x128xf32, #tpu.memory_space<hbm>> -> memref<200x64xf32, #tpu.memory_space<hbm>>
    %dma_start3A_115 = tpu.memref_slice %arg8[%dma_start3A_108] : memref<8x!tpu.dma_semaphore, #tpu.memory_space<semaphore_mem>> -> memref<1x!tpu.dma_semaphore, #tpu.memory_space<semaphore_mem>>
    %dma_start3A_116 = tpu.memref_squeeze %dma_start3A_115 : memref<1x!tpu.dma_semaphore, #tpu.memory_space<semaphore_mem>> -> memref<!tpu.dma_semaphore, #tpu.memory_space<semaphore_mem>>
    %dma_start3A_117 = arith.constant 0 : i32
    %dma_start3A_118 = tpu.memref_slice %arg4[%add3A_106, %dma_start3A_117] : memref<819200x128xf32, #tpu.memory_space<hbm>> -> memref<200x64xf32, #tpu.memory_space<hbm>>
    %dma_start3A_119 = arith.constant 0 : i32
    %dma_start3A_120 = arith.constant 0 : i32
    %dma_start3A_121 = tpu.memref_slice %arg6[%dma_start3A_107, %dma_start3A_119, %dma_start3A_120] : memref<8x200x64xf32, #tpu.memory_space<vmem>> -> memref<1x200x64xf32, #tpu.memory_space<vmem>>
    %dma_start3A_122 = tpu.memref_squeeze %dma_start3A_121 : memref<1x200x64xf32, #tpu.memory_space<vmem>> -> memref<200x64xf32, #tpu.memory_space<vmem>>
    tpu.enqueue_dma source(%dma_start3A_122 : memref<200x64xf32, #tpu.memory_space<vmem>>) target(%dma_start3A_118 : memref<200x64xf32, #tpu.memory_space<hbm>>) target_semaphore(%dma_start3A_116 : memref<!tpu.dma_semaphore, #tpu.memory_space<semaphore_mem>>)
    %dma_start3A_123 = arith.constant 7 : i32
    %dma_start3A_124 = arith.constant 7 : i32
    %dma_start3A_125 = arith.constant 0 : i32
    %dma_start3A_126 = arith.constant 0 : i32
    %dma_start3A_127 = tpu.memref_slice %arg6[%dma_start3A_123, %dma_start3A_125, %dma_start3A_126] : memref<8x200x64xf32, #tpu.memory_space<vmem>> -> memref<1x200x64xf32, #tpu.memory_space<vmem>>
    %dma_start3A_128 = tpu.memref_squeeze %dma_start3A_127 : memref<1x200x64xf32, #tpu.memory_space<vmem>> -> memref<200x64xf32, #tpu.memory_space<vmem>>
    %dma_start3A_129 = arith.constant 1400 : i32
    %dma_start3A_130 = tpu.memref_slice %arg5[%dma_start3A_129] : memref<25600xi32, #tpu.memory_space<vmem>> -> memref<200xi32, #tpu.memory_space<vmem>>
    %dma_start3A_131 = arith.constant 0 : i32
    %dma_start3A_132 = arith.constant 0 : i32
    %dma_start3A_133 = tpu.memref_slice %arg2[%dma_start3A_131, %dma_start3A_132] : memref<1000000x64xf32, #tpu.memory_space<hbm>> -> memref<1000000x64xf32, #tpu.memory_space<hbm>>
    %dma_start3A_134 = tpu.memref_slice %arg7[%dma_start3A_124] : memref<8x!tpu.dma_semaphore, #tpu.memory_space<semaphore_mem>> -> memref<1x!tpu.dma_semaphore, #tpu.memory_space<semaphore_mem>>
    %dma_start3A_135 = tpu.memref_squeeze %dma_start3A_134 : memref<1x!tpu.dma_semaphore, #tpu.memory_space<semaphore_mem>> -> memref<!tpu.dma_semaphore, #tpu.memory_space<semaphore_mem>>
    tpu.enqueue_indirect_dma source(%dma_start3A_133 : memref<1000000x64xf32, #tpu.memory_space<hbm>>) target(%dma_start3A_128 : memref<200x64xf32, #tpu.memory_space<vmem>>) offsets(%dma_start3A_130 : memref<200xi32, #tpu.memory_space<vmem>>) semaphore(%dma_start3A_135 : memref<!tpu.dma_semaphore, #tpu.memory_space<semaphore_mem>>)
    %dma_wait3A_136 = arith.constant 1 : i32
    %dma_wait3A_137 = arith.constant 1 : i32
    %dma_wait3A_138 = arith.constant 0 : i32
    %dma_wait3A_139 = arith.constant 0 : i32
    %dma_wait3A_140 = tpu.memref_slice %arg6[%dma_wait3A_136, %dma_wait3A_138, %dma_wait3A_139] : memref<8x200x64xf32, #tpu.memory_space<vmem>> -> memref<1x200x64xf32, #tpu.memory_space<vmem>>
    %dma_wait3A_141 = tpu.memref_squeeze %dma_wait3A_140 : memref<1x200x64xf32, #tpu.memory_space<vmem>> -> memref<200x64xf32, #tpu.memory_space<vmem>>
    %dma_wait3A_142 = arith.constant 0 : i32
    %dma_wait3A_143 = tpu.memref_slice %arg5[%dma_wait3A_142] : memref<25600xi32, #tpu.memory_space<vmem>> -> memref<200xi32, #tpu.memory_space<vmem>>
    %dma_wait3A_144 = arith.constant 0 : i32
    %dma_wait3A_145 = arith.constant 0 : i32
    %dma_wait3A_146 = tpu.memref_slice %arg2[%dma_wait3A_144, %dma_wait3A_145] : memref<1000000x64xf32, #tpu.memory_space<hbm>> -> memref<1000000x64xf32, #tpu.memory_space<hbm>>
    %dma_wait3A_147 = tpu.memref_slice %arg7[%dma_wait3A_137] : memref<8x!tpu.dma_semaphore, #tpu.memory_space<semaphore_mem>> -> memref<1x!tpu.dma_semaphore, #tpu.memory_space<semaphore_mem>>
    %dma_wait3A_148 = tpu.memref_squeeze %dma_wait3A_147 : memref<1x!tpu.dma_semaphore, #tpu.memory_space<semaphore_mem>> -> memref<!tpu.dma_semaphore, #tpu.memory_space<semaphore_mem>>
    tpu.wait_indirect_dma semaphore(%dma_wait3A_148 : memref<!tpu.dma_semaphore, #tpu.memory_space<semaphore_mem>>) src(%dma_wait3A_146 : memref<1000000x64xf32, #tpu.memory_space<hbm>>) dst(%dma_wait3A_141 : memref<200x64xf32, #tpu.memory_space<vmem>>)
    %add3A_149 = arith.constant 200 : i32
    %add3A_150 = arith.addi %mul3A_2, %add3A_149 : i32
    %dma_start3A_151 = arith.constant 1 : i32
    %dma_start3A_152 = arith.constant 1 : i32
    %dma_start3A_153 = arith.constant 0 : i32
    %dma_start3A_154 = arith.constant 0 : i32
    %dma_start3A_155 = tpu.memref_slice %arg6[%dma_start3A_151, %dma_start3A_153, %dma_start3A_154] : memref<8x200x64xf32, #tpu.memory_space<vmem>> -> memref<1x200x64xf32, #tpu.memory_space<vmem>>
    %dma_start3A_156 = tpu.memref_squeeze %dma_start3A_155 : memref<1x200x64xf32, #tpu.memory_space<vmem>> -> memref<200x64xf32, #tpu.memory_space<vmem>>
    %dma_start3A_157 = arith.constant 0 : i32
    %dma_start3A_158 = tpu.memref_slice %arg4[%add3A_150, %dma_start3A_157] : memref<819200x128xf32, #tpu.memory_space<hbm>> -> memref<200x64xf32, #tpu.memory_space<hbm>>
    %dma_start3A_159 = tpu.memref_slice %arg8[%dma_start3A_152] : memref<8x!tpu.dma_semaphore, #tpu.memory_space<semaphore_mem>> -> memref<1x!tpu.dma_semaphore, #tpu.memory_space<semaphore_mem>>
    %dma_start3A_160 = tpu.memref_squeeze %dma_start3A_159 : memref<1x!tpu.dma_semaphore, #tpu.memory_space<semaphore_mem>> -> memref<!tpu.dma_semaphore, #tpu.memory_space<semaphore_mem>>
    %dma_start3A_161 = arith.constant 0 : i32
    %dma_start3A_162 = tpu.memref_slice %arg4[%add3A_150, %dma_start3A_161] : memref<819200x128xf32, #tpu.memory_space<hbm>> -> memref<200x64xf32, #tpu.memory_space<hbm>>
    %dma_start3A_163 = arith.constant 0 : i32
    %dma_start3A_164 = arith.constant 0 : i32
    %dma_start3A_165 = tpu.memref_slice %arg6[%dma_start3A_151, %dma_start3A_163, %dma_start3A_164] : memref<8x200x64xf32, #tpu.memory_space<vmem>> -> memref<1x200x64xf32, #tpu.memory_space<vmem>>
    %dma_start3A_166 = tpu.memref_squeeze %dma_start3A_165 : memref<1x200x64xf32, #tpu.memory_space<vmem>> -> memref<200x64xf32, #tpu.memory_space<vmem>>
    tpu.enqueue_dma source(%dma_start3A_166 : memref<200x64xf32, #tpu.memory_space<vmem>>) target(%dma_start3A_162 : memref<200x64xf32, #tpu.memory_space<hbm>>) target_semaphore(%dma_start3A_160 : memref<!tpu.dma_semaphore, #tpu.memory_space<semaphore_mem>>)
    %dma_wait3A_167 = arith.constant 0 : i32
    %dma_wait3A_168 = arith.constant 0 : i32
    %dma_wait3A_169 = arith.constant 0 : i32
    %dma_wait3A_170 = arith.constant 0 : i32
    %dma_wait3A_171 = tpu.memref_slice %arg6[%dma_wait3A_167, %dma_wait3A_169, %dma_wait3A_170] : memref<8x200x64xf32, #tpu.memory_space<vmem>> -> memref<1x200x64xf32, #tpu.memory_space<vmem>>
    %dma_wait3A_172 = tpu.memref_squeeze %dma_wait3A_171 : memref<1x200x64xf32, #tpu.memory_space<vmem>> -> memref<200x64xf32, #tpu.memory_space<vmem>>
    %dma_wait3A_173 = arith.constant 0 : i32
    %dma_wait3A_174 = arith.constant 0 : i32
    %dma_wait3A_175 = tpu.memref_slice %arg4[%dma_wait3A_173, %dma_wait3A_174] : memref<819200x128xf32, #tpu.memory_space<hbm>> -> memref<200x64xf32, #tpu.memory_space<hbm>>
    %dma_wait3A_176 = tpu.memref_slice %arg8[%dma_wait3A_168] : memref<8x!tpu.dma_semaphore, #tpu.memory_space<semaphore_mem>> -> memref<1x!tpu.dma_semaphore, #tpu.memory_space<semaphore_mem>>
    %dma_wait3A_177 = tpu.memref_squeeze %dma_wait3A_176 : memref<1x!tpu.dma_semaphore, #tpu.memory_space<semaphore_mem>> -> memref<!tpu.dma_semaphore, #tpu.memory_space<semaphore_mem>>
    %dma_wait3A_178 = arith.constant 0 : i32
    %dma_wait3A_179 = arith.constant 0 : i32
    %dma_wait3A_180 = tpu.memref_slice %arg4[%dma_wait3A_178, %dma_wait3A_179] : memref<819200x128xf32, #tpu.memory_space<hbm>> -> memref<200x64xf32, #tpu.memory_space<hbm>>
    %dma_wait3A_181 = arith.constant 0 : i32
    %dma_wait3A_182 = arith.constant 0 : i32
    %dma_wait3A_183 = tpu.memref_slice %arg6[%dma_wait3A_167, %dma_wait3A_181, %dma_wait3A_182] : memref<8x200x64xf32, #tpu.memory_space<vmem>> -> memref<1x200x64xf32, #tpu.memory_space<vmem>>
    %dma_wait3A_184 = tpu.memref_squeeze %dma_wait3A_183 : memref<1x200x64xf32, #tpu.memory_space<vmem>> -> memref<200x64xf32, #tpu.memory_space<vmem>>
    tpu.wait_dma2 semaphore(%dma_wait3A_177 : memref<!tpu.dma_semaphore, #tpu.memory_space<semaphore_mem>>) src(%dma_wait3A_184 : memref<200x64xf32, #tpu.memory_space<vmem>>) dst(%dma_wait3A_180 : memref<200x64xf32, #tpu.memory_space<hbm>>)
    %dma_start3A_185 = arith.constant 0 : i32
    %dma_start3A_186 = arith.constant 0 : i32
    %dma_start3A_187 = arith.constant 0 : i32
    %dma_start3A_188 = arith.constant 0 : i32
    %dma_start3A_189 = tpu.memref_slice %arg6[%dma_start3A_185, %dma_start3A_187, %dma_start3A_188] : memref<8x200x64xf32, #tpu.memory_space<vmem>> -> memref<1x200x64xf32, #tpu.memory_space<vmem>>
    %dma_start3A_190 = tpu.memref_squeeze %dma_start3A_189 : memref<1x200x64xf32, #tpu.memory_space<vmem>> -> memref<200x64xf32, #tpu.memory_space<vmem>>
    %dma_start3A_191 = arith.constant 1600 : i32
    %dma_start3A_192 = tpu.memref_slice %arg5[%dma_start3A_191] : memref<25600xi32, #tpu.memory_space<vmem>> -> memref<200xi32, #tpu.memory_space<vmem>>
    %dma_start3A_193 = arith.constant 0 : i32
    %dma_start3A_194 = arith.constant 0 : i32
    %dma_start3A_195 = tpu.memref_slice %arg2[%dma_start3A_193, %dma_start3A_194] : memref<1000000x64xf32, #tpu.memory_space<hbm>> -> memref<1000000x64xf32, #tpu.memory_space<hbm>>
    %dma_start3A_196 = tpu.memref_slice %arg7[%dma_start3A_186] : memref<8x!tpu.dma_semaphore, #tpu.memory_space<semaphore_mem>> -> memref<1x!tpu.dma_semaphore, #tpu.memory_space<semaphore_mem>>
    %dma_start3A_197 = tpu.memref_squeeze %dma_start3A_196 : memref<1x!tpu.dma_semaphore, #tpu.memory_space<semaphore_mem>> -> memref<!tpu.dma_semaphore, #tpu.memory_space<semaphore_mem>>
    tpu.enqueue_indirect_dma source(%dma_start3A_195 : memref<1000000x64xf32, #tpu.memory_space<hbm>>) target(%dma_start3A_190 : memref<200x64xf32, #tpu.memory_space<vmem>>) offsets(%dma_start3A_192 : memref<200xi32, #tpu.memory_space<vmem>>) semaphore(%dma_start3A_197 : memref<!tpu.dma_semaphore, #tpu.memory_space<semaphore_mem>>)
    %dma_wait3A_198 = arith.constant 2 : i32
    %dma_wait3A_199 = arith.constant 2 : i32
    %dma_wait3A_200 = arith.constant 0 : i32
    %dma_wait3A_201 = arith.constant 0 : i32
    %dma_wait3A_202 = tpu.memref_slice %arg6[%dma_wait3A_198, %dma_wait3A_200, %dma_wait3A_201] : memref<8x200x64xf32, #tpu.memory_space<vmem>> -> memref<1x200x64xf32, #tpu.memory_space<vmem>>
    %dma_wait3A_203 = tpu.memref_squeeze %dma_wait3A_202 : memref<1x200x64xf32, #tpu.memory_space<vmem>> -> memref<200x64xf32, #tpu.memory_space<vmem>>
    %dma_wait3A_204 = arith.constant 0 : i32
    %dma_wait3A_205 = tpu.memref_slice %arg5[%dma_wait3A_204] : memref<25600xi32, #tpu.memory_space<vmem>> -> memref<200xi32, #tpu.memory_space<vmem>>
    %dma_wait3A_206 = arith.constant 0 : i32
    %dma_wait3A_207 = arith.constant 0 : i32
    %dma_wait3A_208 = tpu.memref_slice %arg2[%dma_wait3A_206, %dma_wait3A_207] : memref<1000000x64xf32, #tpu.memory_space<hbm>> -> memref<1000000x64xf32, #tpu.memory_space<hbm>>
    %dma_wait3A_209 = tpu.memref_slice %arg7[%dma_wait3A_199] : memref<8x!tpu.dma_semaphore, #tpu.memory_space<semaphore_mem>> -> memref<1x!tpu.dma_semaphore, #tpu.memory_space<semaphore_mem>>
    %dma_wait3A_210 = tpu.memref_squeeze %dma_wait3A_209 : memref<1x!tpu.dma_semaphore, #tpu.memory_space<semaphore_mem>> -> memref<!tpu.dma_semaphore, #tpu.memory_space<semaphore_mem>>
    tpu.wait_indirect_dma semaphore(%dma_wait3A_210 : memref<!tpu.dma_semaphore, #tpu.memory_space<semaphore_mem>>) src(%dma_wait3A_208 : memref<1000000x64xf32, #tpu.memory_space<hbm>>) dst(%dma_wait3A_203 : memref<200x64xf32, #tpu.memory_space<vmem>>)
    %add3A_211 = arith.constant 400 : i32
    %add3A_212 = arith.addi %mul3A_2, %add3A_211 : i32
    %dma_start3A_213 = arith.constant 2 : i32
    %dma_start3A_214 = arith.constant 2 : i32
    %dma_start3A_215 = arith.constant 0 : i32
    %dma_start3A_216 = arith.constant 0 : i32
    %dma_start3A_217 = tpu.memref_slice %arg6[%dma_start3A_213, %dma_start3A_215, %dma_start3A_216] : memref<8x200x64xf32, #tpu.memory_space<vmem>> -> memref<1x200x64xf32, #tpu.memory_space<vmem>>
    %dma_start3A_218 = tpu.memref_squeeze %dma_start3A_217 : memref<1x200x64xf32, #tpu.memory_space<vmem>> -> memref<200x64xf32, #tpu.memory_space<vmem>>
    %dma_start3A_219 = arith.constant 0 : i32
    %dma_start3A_220 = tpu.memref_slice %arg4[%add3A_212, %dma_start3A_219] : memref<819200x128xf32, #tpu.memory_space<hbm>> -> memref<200x64xf32, #tpu.memory_space<hbm>>
    %dma_start3A_221 = tpu.memref_slice %arg8[%dma_start3A_214] : memref<8x!tpu.dma_semaphore, #tpu.memory_space<semaphore_mem>> -> memref<1x!tpu.dma_semaphore, #tpu.memory_space<semaphore_mem>>
    %dma_start3A_222 = tpu.memref_squeeze %dma_start3A_221 : memref<1x!tpu.dma_semaphore, #tpu.memory_space<semaphore_mem>> -> memref<!tpu.dma_semaphore, #tpu.memory_space<semaphore_mem>>
    %dma_start3A_223 = arith.constant 0 : i32
    %dma_start3A_224 = tpu.memref_slice %arg4[%add3A_212, %dma_start3A_223] : memref<819200x128xf32, #tpu.memory_space<hbm>> -> memref<200x64xf32, #tpu.memory_space<hbm>>
    %dma_start3A_225 = arith.constant 0 : i32
    %dma_start3A_226 = arith.constant 0 : i32
    %dma_start3A_227 = tpu.memref_slice %arg6[%dma_start3A_213, %dma_start3A_225, %dma_start3A_226] : memref<8x200x64xf32, #tpu.memory_space<vmem>> -> memref<1x200x64xf32, #tpu.memory_space<vmem>>
    %dma_start3A_228 = tpu.memref_squeeze %dma_start3A_227 : memref<1x200x64xf32, #tpu.memory_space<vmem>> -> memref<200x64xf32, #tpu.memory_space<vmem>>
    tpu.enqueue_dma source(%dma_start3A_228 : memref<200x64xf32, #tpu.memory_space<vmem>>) target(%dma_start3A_224 : memref<200x64xf32, #tpu.memory_space<hbm>>) target_semaphore(%dma_start3A_222 : memref<!tpu.dma_semaphore, #tpu.memory_space<semaphore_mem>>)
    %dma_wait3A_229 = arith.constant 1 : i32
    %dma_wait3A_230 = arith.constant 1 : i32
    %dma_wait3A_231 = arith.constant 0 : i32
    %dma_wait3A_232 = arith.constant 0 : i32
    %dma_wait3A_233 = tpu.memref_slice %arg6[%dma_wait3A_229, %dma_wait3A_231, %dma_wait3A_232] : memref<8x200x64xf32, #tpu.memory_space<vmem>> -> memref<1x200x64xf32, #tpu.memory_space<vmem>>
    %dma_wait3A_234 = tpu.memref_squeeze %dma_wait3A_233 : memref<1x200x64xf32, #tpu.memory_space<vmem>> -> memref<200x64xf32, #tpu.memory_space<vmem>>
    %dma_wait3A_235 = arith.constant 0 : i32
    %dma_wait3A_236 = arith.constant 0 : i32
    %dma_wait3A_237 = tpu.memref_slice %arg4[%dma_wait3A_235, %dma_wait3A_236] : memref<819200x128xf32, #tpu.memory_space<hbm>> -> memref<200x64xf32, #tpu.memory_space<hbm>>
    %dma_wait3A_238 = tpu.memref_slice %arg8[%dma_wait3A_230] : memref<8x!tpu.dma_semaphore, #tpu.memory_space<semaphore_mem>> -> memref<1x!tpu.dma_semaphore, #tpu.memory_space<semaphore_mem>>
    %dma_wait3A_239 = tpu.memref_squeeze %dma_wait3A_238 : memref<1x!tpu.dma_semaphore, #tpu.memory_space<semaphore_mem>> -> memref<!tpu.dma_semaphore, #tpu.memory_space<semaphore_mem>>
    %dma_wait3A_240 = arith.constant 0 : i32
    %dma_wait3A_241 = arith.constant 0 : i32
    %dma_wait3A_242 = tpu.memref_slice %arg4[%dma_wait3A_240, %dma_wait3A_241] : memref<819200x128xf32, #tpu.memory_space<hbm>> -> memref<200x64xf32, #tpu.memory_space<hbm>>
    %dma_wait3A_243 = arith.constant 0 : i32
    %dma_wait3A_244 = arith.constant 0 : i32
    %dma_wait3A_245 = tpu.memref_slice %arg6[%dma_wait3A_229, %dma_wait3A_243, %dma_wait3A_244] : memref<8x200x64xf32, #tpu.memory_space<vmem>> -> memref<1x200x64xf32, #tpu.memory_space<vmem>>
    %dma_wait3A_246 = tpu.memref_squeeze %dma_wait3A_245 : memref<1x200x64xf32, #tpu.memory_space<vmem>> -> memref<200x64xf32, #tpu.memory_space<vmem>>
    tpu.wait_dma2 semaphore(%dma_wait3A_239 : memref<!tpu.dma_semaphore, #tpu.memory_space<semaphore_mem>>) src(%dma_wait3A_246 : memref<200x64xf32, #tpu.memory_space<vmem>>) dst(%dma_wait3A_242 : memref<200x64xf32, #tpu.memory_space<hbm>>)
    %dma_start3A_247 = arith.constant 1 : i32
    %dma_start3A_248 = arith.constant 1 : i32
    %dma_start3A_249 = arith.constant 0 : i32
    %dma_start3A_250 = arith.constant 0 : i32
    %dma_start3A_251 = tpu.memref_slice %arg6[%dma_start3A_247, %dma_start3A_249, %dma_start3A_250] : memref<8x200x64xf32, #tpu.memory_space<vmem>> -> memref<1x200x64xf32, #tpu.memory_space<vmem>>
    %dma_start3A_252 = tpu.memref_squeeze %dma_start3A_251 : memref<1x200x64xf32, #tpu.memory_space<vmem>> -> memref<200x64xf32, #tpu.memory_space<vmem>>
    %dma_start3A_253 = arith.constant 1800 : i32
    %dma_start3A_254 = tpu.memref_slice %arg5[%dma_start3A_253] : memref<25600xi32, #tpu.memory_space<vmem>> -> memref<200xi32, #tpu.memory_space<vmem>>
    %dma_start3A_255 = arith.constant 0 : i32
    %dma_start3A_256 = arith.constant 0 : i32
    %dma_start3A_257 = tpu.memref_slice %arg2[%dma_start3A_255, %dma_start3A_256] : memref<1000000x64xf32, #tpu.memory_space<hbm>> -> memref<1000000x64xf32, #tpu.memory_space<hbm>>
    %dma_start3A_258 = tpu.memref_slice %arg7[%dma_start3A_248] : memref<8x!tpu.dma_semaphore, #tpu.memory_space<semaphore_mem>> -> memref<1x!tpu.dma_semaphore, #tpu.memory_space<semaphore_mem>>
    %dma_start3A_259 = tpu.memref_squeeze %dma_start3A_258 : memref<1x!tpu.dma_semaphore, #tpu.memory_space<semaphore_mem>> -> memref<!tpu.dma_semaphore, #tpu.memory_space<semaphore_mem>>
    tpu.enqueue_indirect_dma source(%dma_start3A_257 : memref<1000000x64xf32, #tpu.memory_space<hbm>>) target(%dma_start3A_252 : memref<200x64xf32, #tpu.memory_space<vmem>>) offsets(%dma_start3A_254 : memref<200xi32, #tpu.memory_space<vmem>>) semaphore(%dma_start3A_259 : memref<!tpu.dma_semaphore, #tpu.memory_space<semaphore_mem>>)
    %dma_wait3A_260 = arith.constant 3 : i32
    %dma_wait3A_261 = arith.constant 3 : i32
    %dma_wait3A_262 = arith.constant 0 : i32
    %dma_wait3A_263 = arith.constant 0 : i32
    %dma_wait3A_264 = tpu.memref_slice %arg6[%dma_wait3A_260, %dma_wait3A_262, %dma_wait3A_263] : memref<8x200x64xf32, #tpu.memory_space<vmem>> -> memref<1x200x64xf32, #tpu.memory_space<vmem>>
    %dma_wait3A_265 = tpu.memref_squeeze %dma_wait3A_264 : memref<1x200x64xf32, #tpu.memory_space<vmem>> -> memref<200x64xf32, #tpu.memory_space<vmem>>
    %dma_wait3A_266 = arith.constant 0 : i32
    %dma_wait3A_267 = tpu.memref_slice %arg5[%dma_wait3A_266] : memref<25600xi32, #tpu.memory_space<vmem>> -> memref<200xi32, #tpu.memory_space<vmem>>
    %dma_wait3A_268 = arith.constant 0 : i32
    %dma_wait3A_269 = arith.constant 0 : i32
    %dma_wait3A_270 = tpu.memref_slice %arg2[%dma_wait3A_268, %dma_wait3A_269] : memref<1000000x64xf32, #tpu.memory_space<hbm>> -> memref<1000000x64xf32, #tpu.memory_space<hbm>>
    %dma_wait3A_271 = tpu.memref_slice %arg7[%dma_wait3A_261] : memref<8x!tpu.dma_semaphore, #tpu.memory_space<semaphore_mem>> -> memref<1x!tpu.dma_semaphore, #tpu.memory_space<semaphore_mem>>
    %dma_wait3A_272 = tpu.memref_squeeze %dma_wait3A_271 : memref<1x!tpu.dma_semaphore, #tpu.memory_space<semaphore_mem>> -> memref<!tpu.dma_semaphore, #tpu.memory_space<semaphore_mem>>
    tpu.wait_indirect_dma semaphore(%dma_wait3A_272 : memref<!tpu.dma_semaphore, #tpu.memory_space<semaphore_mem>>) src(%dma_wait3A_270 : memref<1000000x64xf32, #tpu.memory_space<hbm>>) dst(%dma_wait3A_265 : memref<200x64xf32, #tpu.memory_space<vmem>>)
    %add3A_273 = arith.constant 600 : i32
    %add3A_274 = arith.addi %mul3A_2, %add3A_273 : i32
    %dma_start3A_275 = arith.constant 3 : i32
    %dma_start3A_276 = arith.constant 3 : i32
    %dma_start3A_277 = arith.constant 0 : i32
    %dma_start3A_278 = arith.constant 0 : i32
    %dma_start3A_279 = tpu.memref_slice %arg6[%dma_start3A_275, %dma_start3A_277, %dma_start3A_278] : memref<8x200x64xf32, #tpu.memory_space<vmem>> -> memref<1x200x64xf32, #tpu.memory_space<vmem>>
    %dma_start3A_280 = tpu.memref_squeeze %dma_start3A_279 : memref<1x200x64xf32, #tpu.memory_space<vmem>> -> memref<200x64xf32, #tpu.memory_space<vmem>>
    %dma_start3A_281 = arith.constant 0 : i32
    %dma_start3A_282 = tpu.memref_slice %arg4[%add3A_274, %dma_start3A_281] : memref<819200x128xf32, #tpu.memory_space<hbm>> -> memref<200x64xf32, #tpu.memory_space<hbm>>
    %dma_start3A_283 = tpu.memref_slice %arg8[%dma_start3A_276] : memref<8x!tpu.dma_semaphore, #tpu.memory_space<semaphore_mem>> -> memref<1x!tpu.dma_semaphore, #tpu.memory_space<semaphore_mem>>
    %dma_start3A_284 = tpu.memref_squeeze %dma_start3A_283 : memref<1x!tpu.dma_semaphore, #tpu.memory_space<semaphore_mem>> -> memref<!tpu.dma_semaphore, #tpu.memory_space<semaphore_mem>>
    %dma_start3A_285 = arith.constant 0 : i32
    %dma_start3A_286 = tpu.memref_slice %arg4[%add3A_274, %dma_start3A_285] : memref<819200x128xf32, #tpu.memory_space<hbm>> -> memref<200x64xf32, #tpu.memory_space<hbm>>
    %dma_start3A_287 = arith.constant 0 : i32
    %dma_start3A_288 = arith.constant 0 : i32
    %dma_start3A_289 = tpu.memref_slice %arg6[%dma_start3A_275, %dma_start3A_287, %dma_start3A_288] : memref<8x200x64xf32, #tpu.memory_space<vmem>> -> memref<1x200x64xf32, #tpu.memory_space<vmem>>
    %dma_start3A_290 = tpu.memref_squeeze %dma_start3A_289 : memref<1x200x64xf32, #tpu.memory_space<vmem>> -> memref<200x64xf32, #tpu.memory_space<vmem>>
    tpu.enqueue_dma source(%dma_start3A_290 : memref<200x64xf32, #tpu.memory_space<vmem>>) target(%dma_start3A_286 : memref<200x64xf32, #tpu.memory_space<hbm>>) target_semaphore(%dma_start3A_284 : memref<!tpu.dma_semaphore, #tpu.memory_space<semaphore_mem>>)
    %dma_wait3A_291 = arith.constant 2 : i32
    %dma_wait3A_292 = arith.constant 2 : i32
    %dma_wait3A_293 = arith.constant 0 : i32
    %dma_wait3A_294 = arith.constant 0 : i32
    %dma_wait3A_295 = tpu.memref_slice %arg6[%dma_wait3A_291, %dma_wait3A_293, %dma_wait3A_294] : memref<8x200x64xf32, #tpu.memory_space<vmem>> -> memref<1x200x64xf32, #tpu.memory_space<vmem>>
    %dma_wait3A_296 = tpu.memref_squeeze %dma_wait3A_295 : memref<1x200x64xf32, #tpu.memory_space<vmem>> -> memref<200x64xf32, #tpu.memory_space<vmem>>
    %dma_wait3A_297 = arith.constant 0 : i32
    %dma_wait3A_298 = arith.constant 0 : i32
    %dma_wait3A_299 = tpu.memref_slice %arg4[%dma_wait3A_297, %dma_wait3A_298] : memref<819200x128xf32, #tpu.memory_space<hbm>> -> memref<200x64xf32, #tpu.memory_space<hbm>>
    %dma_wait3A_300 = tpu.memref_slice %arg8[%dma_wait3A_292] : memref<8x!tpu.dma_semaphore, #tpu.memory_space<semaphore_mem>> -> memref<1x!tpu.dma_semaphore, #tpu.memory_space<semaphore_mem>>
    %dma_wait3A_301 = tpu.memref_squeeze %dma_wait3A_300 : memref<1x!tpu.dma_semaphore, #tpu.memory_space<semaphore_mem>> -> memref<!tpu.dma_semaphore, #tpu.memory_space<semaphore_mem>>
    %dma_wait3A_302 = arith.constant 0 : i32
    %dma_wait3A_303 = arith.constant 0 : i32
    %dma_wait3A_304 = tpu.memref_slice %arg4[%dma_wait3A_302, %dma_wait3A_303] : memref<819200x128xf32, #tpu.memory_space<hbm>> -> memref<200x64xf32, #tpu.memory_space<hbm>>
    %dma_wait3A_305 = arith.constant 0 : i32
    %dma_wait3A_306 = arith.constant 0 : i32
    %dma_wait3A_307 = tpu.memref_slice %arg6[%dma_wait3A_291, %dma_wait3A_305, %dma_wait3A_306] : memref<8x200x64xf32, #tpu.memory_space<vmem>> -> memref<1x200x64xf32, #tpu.memory_space<vmem>>
    %dma_wait3A_308 = tpu.memref_squeeze %dma_wait3A_307 : memref<1x200x64xf32, #tpu.memory_space<vmem>> -> memref<200x64xf32, #tpu.memory_space<vmem>>
    tpu.wait_dma2 semaphore(%dma_wait3A_301 : memref<!tpu.dma_semaphore, #tpu.memory_space<semaphore_mem>>) src(%dma_wait3A_308 : memref<200x64xf32, #tpu.memory_space<vmem>>) dst(%dma_wait3A_304 : memref<200x64xf32, #tpu.memory_space<hbm>>)
    %dma_start3A_309 = arith.constant 2 : i32
    %dma_start3A_310 = arith.constant 2 : i32
    %dma_start3A_311 = arith.constant 0 : i32
    %dma_start3A_312 = arith.constant 0 : i32
    %dma_start3A_313 = tpu.memref_slice %arg6[%dma_start3A_309, %dma_start3A_311, %dma_start3A_312] : memref<8x200x64xf32, #tpu.memory_space<vmem>> -> memref<1x200x64xf32, #tpu.memory_space<vmem>>
    %dma_start3A_314 = tpu.memref_squeeze %dma_start3A_313 : memref<1x200x64xf32, #tpu.memory_space<vmem>> -> memref<200x64xf32, #tpu.memory_space<vmem>>
    %dma_start3A_315 = arith.constant 2000 : i32
    %dma_start3A_316 = tpu.memref_slice %arg5[%dma_start3A_315] : memref<25600xi32, #tpu.memory_space<vmem>> -> memref<200xi32, #tpu.memory_space<vmem>>
    %dma_start3A_317 = arith.constant 0 : i32
    %dma_start3A_318 = arith.constant 0 : i32
    %dma_start3A_319 = tpu.memref_slice %arg2[%dma_start3A_317, %dma_start3A_318] : memref<1000000x64xf32, #tpu.memory_space<hbm>> -> memref<1000000x64xf32, #tpu.memory_space<hbm>>
    %dma_start3A_320 = tpu.memref_slice %arg7[%dma_start3A_310] : memref<8x!tpu.dma_semaphore, #tpu.memory_space<semaphore_mem>> -> memref<1x!tpu.dma_semaphore, #tpu.memory_space<semaphore_mem>>
    %dma_start3A_321 = tpu.memref_squeeze %dma_start3A_320 : memref<1x!tpu.dma_semaphore, #tpu.memory_space<semaphore_mem>> -> memref<!tpu.dma_semaphore, #tpu.memory_space<semaphore_mem>>
    tpu.enqueue_indirect_dma source(%dma_start3A_319 : memref<1000000x64xf32, #tpu.memory_space<hbm>>) target(%dma_start3A_314 : memref<200x64xf32, #tpu.memory_space<vmem>>) offsets(%dma_start3A_316 : memref<200xi32, #tpu.memory_space<vmem>>) semaphore(%dma_start3A_321 : memref<!tpu.dma_semaphore, #tpu.memory_space<semaphore_mem>>)
    %dma_wait3A_322 = arith.constant 4 : i32
    %dma_wait3A_323 = arith.constant 4 : i32
    %dma_wait3A_324 = arith.constant 0 : i32
    %dma_wait3A_325 = arith.constant 0 : i32
    %dma_wait3A_326 = tpu.memref_slice %arg6[%dma_wait3A_322, %dma_wait3A_324, %dma_wait3A_325] : memref<8x200x64xf32, #tpu.memory_space<vmem>> -> memref<1x200x64xf32, #tpu.memory_space<vmem>>
    %dma_wait3A_327 = tpu.memref_squeeze %dma_wait3A_326 : memref<1x200x64xf32, #tpu.memory_space<vmem>> -> memref<200x64xf32, #tpu.memory_space<vmem>>
    %dma_wait3A_328 = arith.constant 0 : i32
    %dma_wait3A_329 = tpu.memref_slice %arg5[%dma_wait3A_328] : memref<25600xi32, #tpu.memory_space<vmem>> -> memref<200xi32, #tpu.memory_space<vmem>>
    %dma_wait3A_330 = arith.constant 0 : i32
    %dma_wait3A_331 = arith.constant 0 : i32
    %dma_wait3A_332 = tpu.memref_slice %arg2[%dma_wait3A_330, %dma_wait3A_331] : memref<1000000x64xf32, #tpu.memory_space<hbm>> -> memref<1000000x64xf32, #tpu.memory_space<hbm>>
    %dma_wait3A_333 = tpu.memref_slice %arg7[%dma_wait3A_323] : memref<8x!tpu.dma_semaphore, #tpu.memory_space<semaphore_mem>> -> memref<1x!tpu.dma_semaphore, #tpu.memory_space<semaphore_mem>>
    %dma_wait3A_334 = tpu.memref_squeeze %dma_wait3A_333 : memref<1x!tpu.dma_semaphore, #tpu.memory_space<semaphore_mem>> -> memref<!tpu.dma_semaphore, #tpu.memory_space<semaphore_mem>>
    tpu.wait_indirect_dma semaphore(%dma_wait3A_334 : memref<!tpu.dma_semaphore, #tpu.memory_space<semaphore_mem>>) src(%dma_wait3A_332 : memref<1000000x64xf32, #tpu.memory_space<hbm>>) dst(%dma_wait3A_327 : memref<200x64xf32, #tpu.memory_space<vmem>>)
    %add3A_335 = arith.constant 800 : i32
    %add3A_336 = arith.addi %mul3A_2, %add3A_335 : i32
    %dma_start3A_337 = arith.constant 4 : i32
    %dma_start3A_338 = arith.constant 4 : i32
    %dma_start3A_339 = arith.constant 0 : i32
    %dma_start3A_340 = arith.constant 0 : i32
    %dma_start3A_341 = tpu.memref_slice %arg6[%dma_start3A_337, %dma_start3A_339, %dma_start3A_340] : memref<8x200x64xf32, #tpu.memory_space<vmem>> -> memref<1x200x64xf32, #tpu.memory_space<vmem>>
    %dma_start3A_342 = tpu.memref_squeeze %dma_start3A_341 : memref<1x200x64xf32, #tpu.memory_space<vmem>> -> memref<200x64xf32, #tpu.memory_space<vmem>>
    %dma_start3A_343 = arith.constant 0 : i32
    %dma_start3A_344 = tpu.memref_slice %arg4[%add3A_336, %dma_start3A_343] : memref<819200x128xf32, #tpu.memory_space<hbm>> -> memref<200x64xf32, #tpu.memory_space<hbm>>
    %dma_start3A_345 = tpu.memref_slice %arg8[%dma_start3A_338] : memref<8x!tpu.dma_semaphore, #tpu.memory_space<semaphore_mem>> -> memref<1x!tpu.dma_semaphore, #tpu.memory_space<semaphore_mem>>
    %dma_start3A_346 = tpu.memref_squeeze %dma_start3A_345 : memref<1x!tpu.dma_semaphore, #tpu.memory_space<semaphore_mem>> -> memref<!tpu.dma_semaphore, #tpu.memory_space<semaphore_mem>>
    %dma_start3A_347 = arith.constant 0 : i32
    %dma_start3A_348 = tpu.memref_slice %arg4[%add3A_336, %dma_start3A_347] : memref<819200x128xf32, #tpu.memory_space<hbm>> -> memref<200x64xf32, #tpu.memory_space<hbm>>
    %dma_start3A_349 = arith.constant 0 : i32
    %dma_start3A_350 = arith.constant 0 : i32
    %dma_start3A_351 = tpu.memref_slice %arg6[%dma_start3A_337, %dma_start3A_349, %dma_start3A_350] : memref<8x200x64xf32, #tpu.memory_space<vmem>> -> memref<1x200x64xf32, #tpu.memory_space<vmem>>
    %dma_start3A_352 = tpu.memref_squeeze %dma_start3A_351 : memref<1x200x64xf32, #tpu.memory_space<vmem>> -> memref<200x64xf32, #tpu.memory_space<vmem>>
    tpu.enqueue_dma source(%dma_start3A_352 : memref<200x64xf32, #tpu.memory_space<vmem>>) target(%dma_start3A_348 : memref<200x64xf32, #tpu.memory_space<hbm>>) target_semaphore(%dma_start3A_346 : memref<!tpu.dma_semaphore, #tpu.memory_space<semaphore_mem>>)
    %dma_wait3A_353 = arith.constant 3 : i32
    %dma_wait3A_354 = arith.constant 3 : i32
    %dma_wait3A_355 = arith.constant 0 : i32
    %dma_wait3A_356 = arith.constant 0 : i32
    %dma_wait3A_357 = tpu.memref_slice %arg6[%dma_wait3A_353, %dma_wait3A_355, %dma_wait3A_356] : memref<8x200x64xf32, #tpu.memory_space<vmem>> -> memref<1x200x64xf32, #tpu.memory_space<vmem>>
    %dma_wait3A_358 = tpu.memref_squeeze %dma_wait3A_357 : memref<1x200x64xf32, #tpu.memory_space<vmem>> -> memref<200x64xf32, #tpu.memory_space<vmem>>
    %dma_wait3A_359 = arith.constant 0 : i32
    %dma_wait3A_360 = arith.constant 0 : i32
    %dma_wait3A_361 = tpu.memref_slice %arg4[%dma_wait3A_359, %dma_wait3A_360] : memref<819200x128xf32, #tpu.memory_space<hbm>> -> memref<200x64xf32, #tpu.memory_space<hbm>>
    %dma_wait3A_362 = tpu.memref_slice %arg8[%dma_wait3A_354] : memref<8x!tpu.dma_semaphore, #tpu.memory_space<semaphore_mem>> -> memref<1x!tpu.dma_semaphore, #tpu.memory_space<semaphore_mem>>
    %dma_wait3A_363 = tpu.memref_squeeze %dma_wait3A_362 : memref<1x!tpu.dma_semaphore, #tpu.memory_space<semaphore_mem>> -> memref<!tpu.dma_semaphore, #tpu.memory_space<semaphore_mem>>
    %dma_wait3A_364 = arith.constant 0 : i32
    %dma_wait3A_365 = arith.constant 0 : i32
    %dma_wait3A_366 = tpu.memref_slice %arg4[%dma_wait3A_364, %dma_wait3A_365] : memref<819200x128xf32, #tpu.memory_space<hbm>> -> memref<200x64xf32, #tpu.memory_space<hbm>>
    %dma_wait3A_367 = arith.constant 0 : i32
    %dma_wait3A_368 = arith.constant 0 : i32
    %dma_wait3A_369 = tpu.memref_slice %arg6[%dma_wait3A_353, %dma_wait3A_367, %dma_wait3A_368] : memref<8x200x64xf32, #tpu.memory_space<vmem>> -> memref<1x200x64xf32, #tpu.memory_space<vmem>>
    %dma_wait3A_370 = tpu.memref_squeeze %dma_wait3A_369 : memref<1x200x64xf32, #tpu.memory_space<vmem>> -> memref<200x64xf32, #tpu.memory_space<vmem>>
    tpu.wait_dma2 semaphore(%dma_wait3A_363 : memref<!tpu.dma_semaphore, #tpu.memory_space<semaphore_mem>>) src(%dma_wait3A_370 : memref<200x64xf32, #tpu.memory_space<vmem>>) dst(%dma_wait3A_366 : memref<200x64xf32, #tpu.memory_space<hbm>>)
    %dma_start3A_371 = arith.constant 3 : i32
    %dma_start3A_372 = arith.constant 3 : i32
    %dma_start3A_373 = arith.constant 0 : i32
    %dma_start3A_374 = arith.constant 0 : i32
    %dma_start3A_375 = tpu.memref_slice %arg6[%dma_start3A_371, %dma_start3A_373, %dma_start3A_374] : memref<8x200x64xf32, #tpu.memory_space<vmem>> -> memref<1x200x64xf32, #tpu.memory_space<vmem>>
    %dma_start3A_376 = tpu.memref_squeeze %dma_start3A_375 : memref<1x200x64xf32, #tpu.memory_space<vmem>> -> memref<200x64xf32, #tpu.memory_space<vmem>>
    %dma_start3A_377 = arith.constant 2200 : i32
    %dma_start3A_378 = tpu.memref_slice %arg5[%dma_start3A_377] : memref<25600xi32, #tpu.memory_space<vmem>> -> memref<200xi32, #tpu.memory_space<vmem>>
    %dma_start3A_379 = arith.constant 0 : i32
    %dma_start3A_380 = arith.constant 0 : i32
    %dma_start3A_381 = tpu.memref_slice %arg2[%dma_start3A_379, %dma_start3A_380] : memref<1000000x64xf32, #tpu.memory_space<hbm>> -> memref<1000000x64xf32, #tpu.memory_space<hbm>>
    %dma_start3A_382 = tpu.memref_slice %arg7[%dma_start3A_372] : memref<8x!tpu.dma_semaphore, #tpu.memory_space<semaphore_mem>> -> memref<1x!tpu.dma_semaphore, #tpu.memory_space<semaphore_mem>>
    %dma_start3A_383 = tpu.memref_squeeze %dma_start3A_382 : memref<1x!tpu.dma_semaphore, #tpu.memory_space<semaphore_mem>> -> memref<!tpu.dma_semaphore, #tpu.memory_space<semaphore_mem>>
    tpu.enqueue_indirect_dma source(%dma_start3A_381 : memref<1000000x64xf32, #tpu.memory_space<hbm>>) target(%dma_start3A_376 : memref<200x64xf32, #tpu.memory_space<vmem>>) offsets(%dma_start3A_378 : memref<200xi32, #tpu.memory_space<vmem>>) semaphore(%dma_start3A_383 : memref<!tpu.dma_semaphore, #tpu.memory_space<semaphore_mem>>)
    %dma_wait3A_384 = arith.constant 5 : i32
    %dma_wait3A_385 = arith.constant 5 : i32
    %dma_wait3A_386 = arith.constant 0 : i32
    %dma_wait3A_387 = arith.constant 0 : i32
    %dma_wait3A_388 = tpu.memref_slice %arg6[%dma_wait3A_384, %dma_wait3A_386, %dma_wait3A_387] : memref<8x200x64xf32, #tpu.memory_space<vmem>> -> memref<1x200x64xf32, #tpu.memory_space<vmem>>
    %dma_wait3A_389 = tpu.memref_squeeze %dma_wait3A_388 : memref<1x200x64xf32, #tpu.memory_space<vmem>> -> memref<200x64xf32, #tpu.memory_space<vmem>>
    %dma_wait3A_390 = arith.constant 0 : i32
    %dma_wait3A_391 = tpu.memref_slice %arg5[%dma_wait3A_390] : memref<25600xi32, #tpu.memory_space<vmem>> -> memref<200xi32, #tpu.memory_space<vmem>>
    %dma_wait3A_392 = arith.constant 0 : i32
    %dma_wait3A_393 = arith.constant 0 : i32
    %dma_wait3A_394 = tpu.memref_slice %arg2[%dma_wait3A_392, %dma_wait3A_393] : memref<1000000x64xf32, #tpu.memory_space<hbm>> -> memref<1000000x64xf32, #tpu.memory_space<hbm>>
    %dma_wait3A_395 = tpu.memref_slice %arg7[%dma_wait3A_385] : memref<8x!tpu.dma_semaphore, #tpu.memory_space<semaphore_mem>> -> memref<1x!tpu.dma_semaphore, #tpu.memory_space<semaphore_mem>>
    %dma_wait3A_396 = tpu.memref_squeeze %dma_wait3A_395 : memref<1x!tpu.dma_semaphore, #tpu.memory_space<semaphore_mem>> -> memref<!tpu.dma_semaphore, #tpu.memory_space<semaphore_mem>>
    tpu.wait_indirect_dma semaphore(%dma_wait3A_396 : memref<!tpu.dma_semaphore, #tpu.memory_space<semaphore_mem>>) src(%dma_wait3A_394 : memref<1000000x64xf32, #tpu.memory_space<hbm>>) dst(%dma_wait3A_389 : memref<200x64xf32, #tpu.memory_space<vmem>>)
    %add3A_397 = arith.constant 1000 : i32
    %add3A_398 = arith.addi %mul3A_2, %add3A_397 : i32
    %dma_start3A_399 = arith.constant 5 : i32
    %dma_start3A_400 = arith.constant 5 : i32
    %dma_start3A_401 = arith.constant 0 : i32
    %dma_start3A_402 = arith.constant 0 : i32
    %dma_start3A_403 = tpu.memref_slice %arg6[%dma_start3A_399, %dma_start3A_401, %dma_start3A_402] : memref<8x200x64xf32, #tpu.memory_space<vmem>> -> memref<1x200x64xf32, #tpu.memory_space<vmem>>
    %dma_start3A_404 = tpu.memref_squeeze %dma_start3A_403 : memref<1x200x64xf32, #tpu.memory_space<vmem>> -> memref<200x64xf32, #tpu.memory_space<vmem>>
    %dma_start3A_405 = arith.constant 0 : i32
    %dma_start3A_406 = tpu.memref_slice %arg4[%add3A_398, %dma_start3A_405] : memref<819200x128xf32, #tpu.memory_space<hbm>> -> memref<200x64xf32, #tpu.memory_space<hbm>>
    %dma_start3A_407 = tpu.memref_slice %arg8[%dma_start3A_400] : memref<8x!tpu.dma_semaphore, #tpu.memory_space<semaphore_mem>> -> memref<1x!tpu.dma_semaphore, #tpu.memory_space<semaphore_mem>>
    %dma_start3A_408 = tpu.memref_squeeze %dma_start3A_407 : memref<1x!tpu.dma_semaphore, #tpu.memory_space<semaphore_mem>> -> memref<!tpu.dma_semaphore, #tpu.memory_space<semaphore_mem>>
    %dma_start3A_409 = arith.constant 0 : i32
    %dma_start3A_410 = tpu.memref_slice %arg4[%add3A_398, %dma_start3A_409] : memref<819200x128xf32, #tpu.memory_space<hbm>> -> memref<200x64xf32, #tpu.memory_space<hbm>>
    %dma_start3A_411 = arith.constant 0 : i32
    %dma_start3A_412 = arith.constant 0 : i32
    %dma_start3A_413 = tpu.memref_slice %arg6[%dma_start3A_399, %dma_start3A_411, %dma_start3A_412] : memref<8x200x64xf32, #tpu.memory_space<vmem>> -> memref<1x200x64xf32, #tpu.memory_space<vmem>>
    %dma_start3A_414 = tpu.memref_squeeze %dma_start3A_413 : memref<1x200x64xf32, #tpu.memory_space<vmem>> -> memref<200x64xf32, #tpu.memory_space<vmem>>
    tpu.enqueue_dma source(%dma_start3A_414 : memref<200x64xf32, #tpu.memory_space<vmem>>) target(%dma_start3A_410 : memref<200x64xf32, #tpu.memory_space<hbm>>) target_semaphore(%dma_start3A_408 : memref<!tpu.dma_semaphore, #tpu.memory_space<semaphore_mem>>)
    %dma_wait3A_415 = arith.constant 4 : i32
    %dma_wait3A_416 = arith.constant 4 : i32
    %dma_wait3A_417 = arith.constant 0 : i32
    %dma_wait3A_418 = arith.constant 0 : i32
    %dma_wait3A_419 = tpu.memref_slice %arg6[%dma_wait3A_415, %dma_wait3A_417, %dma_wait3A_418] : memref<8x200x64xf32, #tpu.memory_space<vmem>> -> memref<1x200x64xf32, #tpu.memory_space<vmem>>
    %dma_wait3A_420 = tpu.memref_squeeze %dma_wait3A_419 : memref<1x200x64xf32, #tpu.memory_space<vmem>> -> memref<200x64xf32, #tpu.memory_space<vmem>>
    %dma_wait3A_421 = arith.constant 0 : i32
    %dma_wait3A_422 = arith.constant 0 : i32
    %dma_wait3A_423 = tpu.memref_slice %arg4[%dma_wait3A_421, %dma_wait3A_422] : memref<819200x128xf32, #tpu.memory_space<hbm>> -> memref<200x64xf32, #tpu.memory_space<hbm>>
    %dma_wait3A_424 = tpu.memref_slice %arg8[%dma_wait3A_416] : memref<8x!tpu.dma_semaphore, #tpu.memory_space<semaphore_mem>> -> memref<1x!tpu.dma_semaphore, #tpu.memory_space<semaphore_mem>>
    %dma_wait3A_425 = tpu.memref_squeeze %dma_wait3A_424 : memref<1x!tpu.dma_semaphore, #tpu.memory_space<semaphore_mem>> -> memref<!tpu.dma_semaphore, #tpu.memory_space<semaphore_mem>>
    %dma_wait3A_426 = arith.constant 0 : i32
    %dma_wait3A_427 = arith.constant 0 : i32
    %dma_wait3A_428 = tpu.memref_slice %arg4[%dma_wait3A_426, %dma_wait3A_427] : memref<819200x128xf32, #tpu.memory_space<hbm>> -> memref<200x64xf32, #tpu.memory_space<hbm>>
    %dma_wait3A_429 = arith.constant 0 : i32
    %dma_wait3A_430 = arith.constant 0 : i32
    %dma_wait3A_431 = tpu.memref_slice %arg6[%dma_wait3A_415, %dma_wait3A_429, %dma_wait3A_430] : memref<8x200x64xf32, #tpu.memory_space<vmem>> -> memref<1x200x64xf32, #tpu.memory_space<vmem>>
    %dma_wait3A_432 = tpu.memref_squeeze %dma_wait3A_431 : memref<1x200x64xf32, #tpu.memory_space<vmem>> -> memref<200x64xf32, #tpu.memory_space<vmem>>
    tpu.wait_dma2 semaphore(%dma_wait3A_425 : memref<!tpu.dma_semaphore, #tpu.memory_space<semaphore_mem>>) src(%dma_wait3A_432 : memref<200x64xf32, #tpu.memory_space<vmem>>) dst(%dma_wait3A_428 : memref<200x64xf32, #tpu.memory_space<hbm>>)
    %dma_start3A_433 = arith.constant 4 : i32
    %dma_start3A_434 = arith.constant 4 : i32
    %dma_start3A_435 = arith.constant 0 : i32
    %dma_start3A_436 = arith.constant 0 : i32
    %dma_start3A_437 = tpu.memref_slice %arg6[%dma_start3A_433, %dma_start3A_435, %dma_start3A_436] : memref<8x200x64xf32, #tpu.memory_space<vmem>> -> memref<1x200x64xf32, #tpu.memory_space<vmem>>
    %dma_start3A_438 = tpu.memref_squeeze %dma_start3A_437 : memref<1x200x64xf32, #tpu.memory_space<vmem>> -> memref<200x64xf32, #tpu.memory_space<vmem>>
    %dma_start3A_439 = arith.constant 2400 : i32
    %dma_start3A_440 = tpu.memref_slice %arg5[%dma_start3A_439] : memref<25600xi32, #tpu.memory_space<vmem>> -> memref<200xi32, #tpu.memory_space<vmem>>
    %dma_start3A_441 = arith.constant 0 : i32
    %dma_start3A_442 = arith.constant 0 : i32
    %dma_start3A_443 = tpu.memref_slice %arg2[%dma_start3A_441, %dma_start3A_442] : memref<1000000x64xf32, #tpu.memory_space<hbm>> -> memref<1000000x64xf32, #tpu.memory_space<hbm>>
    %dma_start3A_444 = tpu.memref_slice %arg7[%dma_start3A_434] : memref<8x!tpu.dma_semaphore, #tpu.memory_space<semaphore_mem>> -> memref<1x!tpu.dma_semaphore, #tpu.memory_space<semaphore_mem>>
    %dma_start3A_445 = tpu.memref_squeeze %dma_start3A_444 : memref<1x!tpu.dma_semaphore, #tpu.memory_space<semaphore_mem>> -> memref<!tpu.dma_semaphore, #tpu.memory_space<semaphore_mem>>
    tpu.enqueue_indirect_dma source(%dma_start3A_443 : memref<1000000x64xf32, #tpu.memory_space<hbm>>) target(%dma_start3A_438 : memref<200x64xf32, #tpu.memory_space<vmem>>) offsets(%dma_start3A_440 : memref<200xi32, #tpu.memory_space<vmem>>) semaphore(%dma_start3A_445 : memref<!tpu.dma_semaphore, #tpu.memory_space<semaphore_mem>>)
    %dma_wait3A_446 = arith.constant 6 : i32
    %dma_wait3A_447 = arith.constant 6 : i32
    %dma_wait3A_448 = arith.constant 0 : i32
    %dma_wait3A_449 = arith.constant 0 : i32
    %dma_wait3A_450 = tpu.memref_slice %arg6[%dma_wait3A_446, %dma_wait3A_448, %dma_wait3A_449] : memref<8x200x64xf32, #tpu.memory_space<vmem>> -> memref<1x200x64xf32, #tpu.memory_space<vmem>>
    %dma_wait3A_451 = tpu.memref_squeeze %dma_wait3A_450 : memref<1x200x64xf32, #tpu.memory_space<vmem>> -> memref<200x64xf32, #tpu.memory_space<vmem>>
    %dma_wait3A_452 = arith.constant 0 : i32
    %dma_wait3A_453 = tpu.memref_slice %arg5[%dma_wait3A_452] : memref<25600xi32, #tpu.memory_space<vmem>> -> memref<200xi32, #tpu.memory_space<vmem>>
    %dma_wait3A_454 = arith.constant 0 : i32
    %dma_wait3A_455 = arith.constant 0 : i32
    %dma_wait3A_456 = tpu.memref_slice %arg2[%dma_wait3A_454, %dma_wait3A_455] : memref<1000000x64xf32, #tpu.memory_space<hbm>> -> memref<1000000x64xf32, #tpu.memory_space<hbm>>
    %dma_wait3A_457 = tpu.memref_slice %arg7[%dma_wait3A_447] : memref<8x!tpu.dma_semaphore, #tpu.memory_space<semaphore_mem>> -> memref<1x!tpu.dma_semaphore, #tpu.memory_space<semaphore_mem>>
    %dma_wait3A_458 = tpu.memref_squeeze %dma_wait3A_457 : memref<1x!tpu.dma_semaphore, #tpu.memory_space<semaphore_mem>> -> memref<!tpu.dma_semaphore, #tpu.memory_space<semaphore_mem>>
    tpu.wait_indirect_dma semaphore(%dma_wait3A_458 : memref<!tpu.dma_semaphore, #tpu.memory_space<semaphore_mem>>) src(%dma_wait3A_456 : memref<1000000x64xf32, #tpu.memory_space<hbm>>) dst(%dma_wait3A_451 : memref<200x64xf32, #tpu.memory_space<vmem>>)
    %add3A_459 = arith.constant 1200 : i32
    %add3A_460 = arith.addi %mul3A_2, %add3A_459 : i32
    %dma_start3A_461 = arith.constant 6 : i32
    %dma_start3A_462 = arith.constant 6 : i32
    %dma_start3A_463 = arith.constant 0 : i32
    %dma_start3A_464 = arith.constant 0 : i32
    %dma_start3A_465 = tpu.memref_slice %arg6[%dma_start3A_461, %dma_start3A_463, %dma_start3A_464] : memref<8x200x64xf32, #tpu.memory_space<vmem>> -> memref<1x200x64xf32, #tpu.memory_space<vmem>>
    %dma_start3A_466 = tpu.memref_squeeze %dma_start3A_465 : memref<1x200x64xf32, #tpu.memory_space<vmem>> -> memref<200x64xf32, #tpu.memory_space<vmem>>
    %dma_start3A_467 = arith.constant 0 : i32
    %dma_start3A_468 = tpu.memref_slice %arg4[%add3A_460, %dma_start3A_467] : memref<819200x128xf32, #tpu.memory_space<hbm>> -> memref<200x64xf32, #tpu.memory_space<hbm>>
    %dma_start3A_469 = tpu.memref_slice %arg8[%dma_start3A_462] : memref<8x!tpu.dma_semaphore, #tpu.memory_space<semaphore_mem>> -> memref<1x!tpu.dma_semaphore, #tpu.memory_space<semaphore_mem>>
    %dma_start3A_470 = tpu.memref_squeeze %dma_start3A_469 : memref<1x!tpu.dma_semaphore, #tpu.memory_space<semaphore_mem>> -> memref<!tpu.dma_semaphore, #tpu.memory_space<semaphore_mem>>
    %dma_start3A_471 = arith.constant 0 : i32
    %dma_start3A_472 = tpu.memref_slice %arg4[%add3A_460, %dma_start3A_471] : memref<819200x128xf32, #tpu.memory_space<hbm>> -> memref<200x64xf32, #tpu.memory_space<hbm>>
    %dma_start3A_473 = arith.constant 0 : i32
    %dma_start3A_474 = arith.constant 0 : i32
    %dma_start3A_475 = tpu.memref_slice %arg6[%dma_start3A_461, %dma_start3A_473, %dma_start3A_474] : memref<8x200x64xf32, #tpu.memory_space<vmem>> -> memref<1x200x64xf32, #tpu.memory_space<vmem>>
    %dma_start3A_476 = tpu.memref_squeeze %dma_start3A_475 : memref<1x200x64xf32, #tpu.memory_space<vmem>> -> memref<200x64xf32, #tpu.memory_space<vmem>>
    tpu.enqueue_dma source(%dma_start3A_476 : memref<200x64xf32, #tpu.memory_space<vmem>>) target(%dma_start3A_472 : memref<200x64xf32, #tpu.memory_space<hbm>>) target_semaphore(%dma_start3A_470 : memref<!tpu.dma_semaphore, #tpu.memory_space<semaphore_mem>>)
    %dma_wait3A_477 = arith.constant 5 : i32
    %dma_wait3A_478 = arith.constant 5 : i32
    %dma_wait3A_479 = arith.constant 0 : i32
    %dma_wait3A_480 = arith.constant 0 : i32
    %dma_wait3A_481 = tpu.memref_slice %arg6[%dma_wait3A_477, %dma_wait3A_479, %dma_wait3A_480] : memref<8x200x64xf32, #tpu.memory_space<vmem>> -> memref<1x200x64xf32, #tpu.memory_space<vmem>>
    %dma_wait3A_482 = tpu.memref_squeeze %dma_wait3A_481 : memref<1x200x64xf32, #tpu.memory_space<vmem>> -> memref<200x64xf32, #tpu.memory_space<vmem>>
    %dma_wait3A_483 = arith.constant 0 : i32
    %dma_wait3A_484 = arith.constant 0 : i32
    %dma_wait3A_485 = tpu.memref_slice %arg4[%dma_wait3A_483, %dma_wait3A_484] : memref<819200x128xf32, #tpu.memory_space<hbm>> -> memref<200x64xf32, #tpu.memory_space<hbm>>
    %dma_wait3A_486 = tpu.memref_slice %arg8[%dma_wait3A_478] : memref<8x!tpu.dma_semaphore, #tpu.memory_space<semaphore_mem>> -> memref<1x!tpu.dma_semaphore, #tpu.memory_space<semaphore_mem>>
    %dma_wait3A_487 = tpu.memref_squeeze %dma_wait3A_486 : memref<1x!tpu.dma_semaphore, #tpu.memory_space<semaphore_mem>> -> memref<!tpu.dma_semaphore, #tpu.memory_space<semaphore_mem>>
    %dma_wait3A_488 = arith.constant 0 : i32
    %dma_wait3A_489 = arith.constant 0 : i32
    %dma_wait3A_490 = tpu.memref_slice %arg4[%dma_wait3A_488, %dma_wait3A_489] : memref<819200x128xf32, #tpu.memory_space<hbm>> -> memref<200x64xf32, #tpu.memory_space<hbm>>
    %dma_wait3A_491 = arith.constant 0 : i32
    %dma_wait3A_492 = arith.constant 0 : i32
    %dma_wait3A_493 = tpu.memref_slice %arg6[%dma_wait3A_477, %dma_wait3A_491, %dma_wait3A_492] : memref<8x200x64xf32, #tpu.memory_space<vmem>> -> memref<1x200x64xf32, #tpu.memory_space<vmem>>
    %dma_wait3A_494 = tpu.memref_squeeze %dma_wait3A_493 : memref<1x200x64xf32, #tpu.memory_space<vmem>> -> memref<200x64xf32, #tpu.memory_space<vmem>>
    tpu.wait_dma2 semaphore(%dma_wait3A_487 : memref<!tpu.dma_semaphore, #tpu.memory_space<semaphore_mem>>) src(%dma_wait3A_494 : memref<200x64xf32, #tpu.memory_space<vmem>>) dst(%dma_wait3A_490 : memref<200x64xf32, #tpu.memory_space<hbm>>)
    %dma_start3A_495 = arith.constant 5 : i32
    %dma_start3A_496 = arith.constant 5 : i32
    %dma_start3A_497 = arith.constant 0 : i32
    %dma_start3A_498 = arith.constant 0 : i32
    %dma_start3A_499 = tpu.memref_slice %arg6[%dma_start3A_495, %dma_start3A_497, %dma_start3A_498] : memref<8x200x64xf32, #tpu.memory_space<vmem>> -> memref<1x200x64xf32, #tpu.memory_space<vmem>>
    %dma_start3A_500 = tpu.memref_squeeze %dma_start3A_499 : memref<1x200x64xf32, #tpu.memory_space<vmem>> -> memref<200x64xf32, #tpu.memory_space<vmem>>
    %dma_start3A_501 = arith.constant 2600 : i32
    %dma_start3A_502 = tpu.memref_slice %arg5[%dma_start3A_501] : memref<25600xi32, #tpu.memory_space<vmem>> -> memref<200xi32, #tpu.memory_space<vmem>>
    %dma_start3A_503 = arith.constant 0 : i32
    %dma_start3A_504 = arith.constant 0 : i32
    %dma_start3A_505 = tpu.memref_slice %arg2[%dma_start3A_503, %dma_start3A_504] : memref<1000000x64xf32, #tpu.memory_space<hbm>> -> memref<1000000x64xf32, #tpu.memory_space<hbm>>
    %dma_start3A_506 = tpu.memref_slice %arg7[%dma_start3A_496] : memref<8x!tpu.dma_semaphore, #tpu.memory_space<semaphore_mem>> -> memref<1x!tpu.dma_semaphore, #tpu.memory_space<semaphore_mem>>
    %dma_start3A_507 = tpu.memref_squeeze %dma_start3A_506 : memref<1x!tpu.dma_semaphore, #tpu.memory_space<semaphore_mem>> -> memref<!tpu.dma_semaphore, #tpu.memory_space<semaphore_mem>>
    tpu.enqueue_indirect_dma source(%dma_start3A_505 : memref<1000000x64xf32, #tpu.memory_space<hbm>>) target(%dma_start3A_500 : memref<200x64xf32, #tpu.memory_space<vmem>>) offsets(%dma_start3A_502 : memref<200xi32, #tpu.memory_space<vmem>>) semaphore(%dma_start3A_507 : memref<!tpu.dma_semaphore, #tpu.memory_space<semaphore_mem>>)
    %dma_wait3A_508 = arith.constant 7 : i32
    %dma_wait3A_509 = arith.constant 7 : i32
    %dma_wait3A_510 = arith.constant 0 : i32
    %dma_wait3A_511 = arith.constant 0 : i32
    %dma_wait3A_512 = tpu.memref_slice %arg6[%dma_wait3A_508, %dma_wait3A_510, %dma_wait3A_511] : memref<8x200x64xf32, #tpu.memory_space<vmem>> -> memref<1x200x64xf32, #tpu.memory_space<vmem>>
    %dma_wait3A_513 = tpu.memref_squeeze %dma_wait3A_512 : memref<1x200x64xf32, #tpu.memory_space<vmem>> -> memref<200x64xf32, #tpu.memory_space<vmem>>
    %dma_wait3A_514 = arith.constant 0 : i32
    %dma_wait3A_515 = tpu.memref_slice %arg5[%dma_wait3A_514] : memref<25600xi32, #tpu.memory_space<vmem>> -> memref<200xi32, #tpu.memory_space<vmem>>
    %dma_wait3A_516 = arith.constant 0 : i32
    %dma_wait3A_517 = arith.constant 0 : i32
    %dma_wait3A_518 = tpu.memref_slice %arg2[%dma_wait3A_516, %dma_wait3A_517] : memref<1000000x64xf32, #tpu.memory_space<hbm>> -> memref<1000000x64xf32, #tpu.memory_space<hbm>>
    %dma_wait3A_519 = tpu.memref_slice %arg7[%dma_wait3A_509] : memref<8x!tpu.dma_semaphore, #tpu.memory_space<semaphore_mem>> -> memref<1x!tpu.dma_semaphore, #tpu.memory_space<semaphore_mem>>
    %dma_wait3A_520 = tpu.memref_squeeze %dma_wait3A_519 : memref<1x!tpu.dma_semaphore, #tpu.memory_space<semaphore_mem>> -> memref<!tpu.dma_semaphore, #tpu.memory_space<semaphore_mem>>
    tpu.wait_indirect_dma semaphore(%dma_wait3A_520 : memref<!tpu.dma_semaphore, #tpu.memory_space<semaphore_mem>>) src(%dma_wait3A_518 : memref<1000000x64xf32, #tpu.memory_space<hbm>>) dst(%dma_wait3A_513 : memref<200x64xf32, #tpu.memory_space<vmem>>)
    %add3A_521 = arith.constant 1400 : i32
    %add3A_522 = arith.addi %mul3A_2, %add3A_521 : i32
    %dma_start3A_523 = arith.constant 7 : i32
    %dma_start3A_524 = arith.constant 7 : i32
    %dma_start3A_525 = arith.constant 0 : i32
    %dma_start3A_526 = arith.constant 0 : i32
    %dma_start3A_527 = tpu.memref_slice %arg6[%dma_start3A_523, %dma_start3A_525, %dma_start3A_526] : memref<8x200x64xf32, #tpu.memory_space<vmem>> -> memref<1x200x64xf32, #tpu.memory_space<vmem>>
    %dma_start3A_528 = tpu.memref_squeeze %dma_start3A_527 : memref<1x200x64xf32, #tpu.memory_space<vmem>> -> memref<200x64xf32, #tpu.memory_space<vmem>>
    %dma_start3A_529 = arith.constant 0 : i32
    %dma_start3A_530 = tpu.memref_slice %arg4[%add3A_522, %dma_start3A_529] : memref<819200x128xf32, #tpu.memory_space<hbm>> -> memref<200x64xf32, #tpu.memory_space<hbm>>
    %dma_start3A_531 = tpu.memref_slice %arg8[%dma_start3A_524] : memref<8x!tpu.dma_semaphore, #tpu.memory_space<semaphore_mem>> -> memref<1x!tpu.dma_semaphore, #tpu.memory_space<semaphore_mem>>
    %dma_start3A_532 = tpu.memref_squeeze %dma_start3A_531 : memref<1x!tpu.dma_semaphore, #tpu.memory_space<semaphore_mem>> -> memref<!tpu.dma_semaphore, #tpu.memory_space<semaphore_mem>>
    %dma_start3A_533 = arith.constant 0 : i32
    %dma_start3A_534 = tpu.memref_slice %arg4[%add3A_522, %dma_start3A_533] : memref<819200x128xf32, #tpu.memory_space<hbm>> -> memref<200x64xf32, #tpu.memory_space<hbm>>
    %dma_start3A_535 = arith.constant 0 : i32
    %dma_start3A_536 = arith.constant 0 : i32
    %dma_start3A_537 = tpu.memref_slice %arg6[%dma_start3A_523, %dma_start3A_535, %dma_start3A_536] : memref<8x200x64xf32, #tpu.memory_space<vmem>> -> memref<1x200x64xf32, #tpu.memory_space<vmem>>
    %dma_start3A_538 = tpu.memref_squeeze %dma_start3A_537 : memref<1x200x64xf32, #tpu.memory_space<vmem>> -> memref<200x64xf32, #tpu.memory_space<vmem>>
    tpu.enqueue_dma source(%dma_start3A_538 : memref<200x64xf32, #tpu.memory_space<vmem>>) target(%dma_start3A_534 : memref<200x64xf32, #tpu.memory_space<hbm>>) target_semaphore(%dma_start3A_532 : memref<!tpu.dma_semaphore, #tpu.memory_space<semaphore_mem>>)
    %dma_wait3A_539 = arith.constant 6 : i32
    %dma_wait3A_540 = arith.constant 6 : i32
    %dma_wait3A_541 = arith.constant 0 : i32
    %dma_wait3A_542 = arith.constant 0 : i32
    %dma_wait3A_543 = tpu.memref_slice %arg6[%dma_wait3A_539, %dma_wait3A_541, %dma_wait3A_542] : memref<8x200x64xf32, #tpu.memory_space<vmem>> -> memref<1x200x64xf32, #tpu.memory_space<vmem>>
    %dma_wait3A_544 = tpu.memref_squeeze %dma_wait3A_543 : memref<1x200x64xf32, #tpu.memory_space<vmem>> -> memref<200x64xf32, #tpu.memory_space<vmem>>
    %dma_wait3A_545 = arith.constant 0 : i32
    %dma_wait3A_546 = arith.constant 0 : i32
    %dma_wait3A_547 = tpu.memref_slice %arg4[%dma_wait3A_545, %dma_wait3A_546] : memref<819200x128xf32, #tpu.memory_space<hbm>> -> memref<200x64xf32, #tpu.memory_space<hbm>>
    %dma_wait3A_548 = tpu.memref_slice %arg8[%dma_wait3A_540] : memref<8x!tpu.dma_semaphore, #tpu.memory_space<semaphore_mem>> -> memref<1x!tpu.dma_semaphore, #tpu.memory_space<semaphore_mem>>
    %dma_wait3A_549 = tpu.memref_squeeze %dma_wait3A_548 : memref<1x!tpu.dma_semaphore, #tpu.memory_space<semaphore_mem>> -> memref<!tpu.dma_semaphore, #tpu.memory_space<semaphore_mem>>
    %dma_wait3A_550 = arith.constant 0 : i32
    %dma_wait3A_551 = arith.constant 0 : i32
    %dma_wait3A_552 = tpu.memref_slice %arg4[%dma_wait3A_550, %dma_wait3A_551] : memref<819200x128xf32, #tpu.memory_space<hbm>> -> memref<200x64xf32, #tpu.memory_space<hbm>>
    %dma_wait3A_553 = arith.constant 0 : i32
    %dma_wait3A_554 = arith.constant 0 : i32
    %dma_wait3A_555 = tpu.memref_slice %arg6[%dma_wait3A_539, %dma_wait3A_553, %dma_wait3A_554] : memref<8x200x64xf32, #tpu.memory_space<vmem>> -> memref<1x200x64xf32, #tpu.memory_space<vmem>>
    %dma_wait3A_556 = tpu.memref_squeeze %dma_wait3A_555 : memref<1x200x64xf32, #tpu.memory_space<vmem>> -> memref<200x64xf32, #tpu.memory_space<vmem>>
    tpu.wait_dma2 semaphore(%dma_wait3A_549 : memref<!tpu.dma_semaphore, #tpu.memory_space<semaphore_mem>>) src(%dma_wait3A_556 : memref<200x64xf32, #tpu.memory_space<vmem>>) dst(%dma_wait3A_552 : memref<200x64xf32, #tpu.memory_space<hbm>>)
    %dma_start3A_557 = arith.constant 6 : i32
    %dma_start3A_558 = arith.constant 6 : i32
    %dma_start3A_559 = arith.constant 0 : i32
    %dma_start3A_560 = arith.constant 0 : i32
    %dma_start3A_561 = tpu.memref_slice %arg6[%dma_start3A_557, %dma_start3A_559, %dma_start3A_560] : memref<8x200x64xf32, #tpu.memory_space<vmem>> -> memref<1x200x64xf32, #tpu.memory_space<vmem>>
    %dma_start3A_562 = tpu.memref_squeeze %dma_start3A_561 : memref<1x200x64xf32, #tpu.memory_space<vmem>> -> memref<200x64xf32, #tpu.memory_space<vmem>>
    %dma_start3A_563 = arith.constant 2800 : i32
    %dma_start3A_564 = tpu.memref_slice %arg5[%dma_start3A_563] : memref<25600xi32, #tpu.memory_space<vmem>> -> memref<200xi32, #tpu.memory_space<vmem>>
    %dma_start3A_565 = arith.constant 0 : i32
    %dma_start3A_566 = arith.constant 0 : i32
    %dma_start3A_567 = tpu.memref_slice %arg2[%dma_start3A_565, %dma_start3A_566] : memref<1000000x64xf32, #tpu.memory_space<hbm>> -> memref<1000000x64xf32, #tpu.memory_space<hbm>>
    %dma_start3A_568 = tpu.memref_slice %arg7[%dma_start3A_558] : memref<8x!tpu.dma_semaphore, #tpu.memory_space<semaphore_mem>> -> memref<1x!tpu.dma_semaphore, #tpu.memory_space<semaphore_mem>>
    %dma_start3A_569 = tpu.memref_squeeze %dma_start3A_568 : memref<1x!tpu.dma_semaphore, #tpu.memory_space<semaphore_mem>> -> memref<!tpu.dma_semaphore, #tpu.memory_space<semaphore_mem>>
    tpu.enqueue_indirect_dma source(%dma_start3A_567 : memref<1000000x64xf32, #tpu.memory_space<hbm>>) target(%dma_start3A_562 : memref<200x64xf32, #tpu.memory_space<vmem>>) offsets(%dma_start3A_564 : memref<200xi32, #tpu.memory_space<vmem>>) semaphore(%dma_start3A_569 : memref<!tpu.dma_semaphore, #tpu.memory_space<semaphore_mem>>)
    %scan3A = arith.constant 0 : i32
    %scan3A_570 = arith.constant 1 : i32
    %scan3A_571 = arith.constant 14 : i32
    %scan3A_572 = arith.addi %scan3A_570, %scan3A_571 : i32
    %scan3A_573 = arith.constant 1 : i32
    scf.for %scan3A_998 = %scan3A_570 to %scan3A_572 step %scan3A_573  : i32 {
      %mul3A_999 = arith.constant 8 : i32
      %mul3A_1000 = arith.muli %scan3A_998, %mul3A_999 : i32
      %add3A_1001 = arith.constant 0 : i32
      %add3A_1002 = arith.addi %mul3A_1000, %add3A_1001 : i32
      %dma_wait3A_1003 = arith.constant 0 : i32
      %dma_wait3A_1004 = arith.constant 0 : i32
      %dma_wait3A_1005 = arith.constant 0 : i32
      %dma_wait3A_1006 = arith.constant 0 : i32
      %dma_wait3A_1007 = tpu.memref_slice %arg6[%dma_wait3A_1003, %dma_wait3A_1005, %dma_wait3A_1006] : memref<8x200x64xf32, #tpu.memory_space<vmem>> -> memref<1x200x64xf32, #tpu.memory_space<vmem>>
      %dma_wait3A_1008 = tpu.memref_squeeze %dma_wait3A_1007 : memref<1x200x64xf32, #tpu.memory_space<vmem>> -> memref<200x64xf32, #tpu.memory_space<vmem>>
      %dma_wait3A_1009 = arith.constant 0 : i32
      %dma_wait3A_1010 = tpu.memref_slice %arg5[%dma_wait3A_1009] : memref<25600xi32, #tpu.memory_space<vmem>> -> memref<200xi32, #tpu.memory_space<vmem>>
      %dma_wait3A_1011 = arith.constant 0 : i32
      %dma_wait3A_1012 = arith.constant 0 : i32
      %dma_wait3A_1013 = tpu.memref_slice %arg2[%dma_wait3A_1011, %dma_wait3A_1012] : memref<1000000x64xf32, #tpu.memory_space<hbm>> -> memref<1000000x64xf32, #tpu.memory_space<hbm>>
      %dma_wait3A_1014 = tpu.memref_slice %arg7[%dma_wait3A_1004] : memref<8x!tpu.dma_semaphore, #tpu.memory_space<semaphore_mem>> -> memref<1x!tpu.dma_semaphore, #tpu.memory_space<semaphore_mem>>
      %dma_wait3A_1015 = tpu.memref_squeeze %dma_wait3A_1014 : memref<1x!tpu.dma_semaphore, #tpu.memory_space<semaphore_mem>> -> memref<!tpu.dma_semaphore, #tpu.memory_space<semaphore_mem>>
      tpu.wait_indirect_dma semaphore(%dma_wait3A_1015 : memref<!tpu.dma_semaphore, #tpu.memory_space<semaphore_mem>>) src(%dma_wait3A_1013 : memref<1000000x64xf32, #tpu.memory_space<hbm>>) dst(%dma_wait3A_1008 : memref<200x64xf32, #tpu.memory_space<vmem>>)
      %mul3A_1016 = arith.constant 200 : i32
      %mul3A_1017 = arith.muli %add3A_1002, %mul3A_1016 : i32
      %add3A_1018 = arith.addi %mul3A_2, %mul3A_1017 : i32
      %dma_start3A_1019 = arith.constant 0 : i32
      %dma_start3A_1020 = arith.constant 0 : i32
      %dma_start3A_1021 = arith.constant 0 : i32
      %dma_start3A_1022 = arith.constant 0 : i32
      %dma_start3A_1023 = tpu.memref_slice %arg6[%dma_start3A_1019, %dma_start3A_1021, %dma_start3A_1022] : memref<8x200x64xf32, #tpu.memory_space<vmem>> -> memref<1x200x64xf32, #tpu.memory_space<vmem>>
      %dma_start3A_1024 = tpu.memref_squeeze %dma_start3A_1023 : memref<1x200x64xf32, #tpu.memory_space<vmem>> -> memref<200x64xf32, #tpu.memory_space<vmem>>
      %dma_start3A_1025 = arith.constant 0 : i32
      %dma_start3A_1026 = tpu.memref_slice %arg4[%add3A_1018, %dma_start3A_1025] : memref<819200x128xf32, #tpu.memory_space<hbm>> -> memref<200x64xf32, #tpu.memory_space<hbm>>
      %dma_start3A_1027 = tpu.memref_slice %arg8[%dma_start3A_1020] : memref<8x!tpu.dma_semaphore, #tpu.memory_space<semaphore_mem>> -> memref<1x!tpu.dma_semaphore, #tpu.memory_space<semaphore_mem>>
      %dma_start3A_1028 = tpu.memref_squeeze %dma_start3A_1027 : memref<1x!tpu.dma_semaphore, #tpu.memory_space<semaphore_mem>> -> memref<!tpu.dma_semaphore, #tpu.memory_space<semaphore_mem>>
      %dma_start3A_1029 = arith.constant 0 : i32
      %dma_start3A_1030 = tpu.memref_slice %arg4[%add3A_1018, %dma_start3A_1029] : memref<819200x128xf32, #tpu.memory_space<hbm>> -> memref<200x64xf32, #tpu.memory_space<hbm>>
      %dma_start3A_1031 = arith.constant 0 : i32
      %dma_start3A_1032 = arith.constant 0 : i32
      %dma_start3A_1033 = tpu.memref_slice %arg6[%dma_start3A_1019, %dma_start3A_1031, %dma_start3A_1032] : memref<8x200x64xf32, #tpu.memory_space<vmem>> -> memref<1x200x64xf32, #tpu.memory_space<vmem>>
      %dma_start3A_1034 = tpu.memref_squeeze %dma_start3A_1033 : memref<1x200x64xf32, #tpu.memory_space<vmem>> -> memref<200x64xf32, #tpu.memory_space<vmem>>
      tpu.enqueue_dma source(%dma_start3A_1034 : memref<200x64xf32, #tpu.memory_space<vmem>>) target(%dma_start3A_1030 : memref<200x64xf32, #tpu.memory_space<hbm>>) target_semaphore(%dma_start3A_1028 : memref<!tpu.dma_semaphore, #tpu.memory_space<semaphore_mem>>)
      %add3A_1035 = arith.constant 8 : i32
      %add3A_1036 = arith.addi %add3A_1002, %add3A_1035 : i32
      %sub3A = arith.constant 1 : i32
      %sub3A_1037 = arith.subi %add3A_1036, %sub3A : i32
      %dma_wait3A_1038 = arith.constant 7 : i32
      %dma_wait3A_1039 = arith.constant 7 : i32
      %dma_wait3A_1040 = arith.constant 0 : i32
      %dma_wait3A_1041 = arith.constant 0 : i32
      %dma_wait3A_1042 = tpu.memref_slice %arg6[%dma_wait3A_1038, %dma_wait3A_1040, %dma_wait3A_1041] : memref<8x200x64xf32, #tpu.memory_space<vmem>> -> memref<1x200x64xf32, #tpu.memory_space<vmem>>
      %dma_wait3A_1043 = tpu.memref_squeeze %dma_wait3A_1042 : memref<1x200x64xf32, #tpu.memory_space<vmem>> -> memref<200x64xf32, #tpu.memory_space<vmem>>
      %dma_wait3A_1044 = arith.constant 0 : i32
      %dma_wait3A_1045 = arith.constant 0 : i32
      %dma_wait3A_1046 = tpu.memref_slice %arg4[%dma_wait3A_1044, %dma_wait3A_1045] : memref<819200x128xf32, #tpu.memory_space<hbm>> -> memref<200x64xf32, #tpu.memory_space<hbm>>
      %dma_wait3A_1047 = tpu.memref_slice %arg8[%dma_wait3A_1039] : memref<8x!tpu.dma_semaphore, #tpu.memory_space<semaphore_mem>> -> memref<1x!tpu.dma_semaphore, #tpu.memory_space<semaphore_mem>>
      %dma_wait3A_1048 = tpu.memref_squeeze %dma_wait3A_1047 : memref<1x!tpu.dma_semaphore, #tpu.memory_space<semaphore_mem>> -> memref<!tpu.dma_semaphore, #tpu.memory_space<semaphore_mem>>
      %dma_wait3A_1049 = arith.constant 0 : i32
      %dma_wait3A_1050 = arith.constant 0 : i32
      %dma_wait3A_1051 = tpu.memref_slice %arg4[%dma_wait3A_1049, %dma_wait3A_1050] : memref<819200x128xf32, #tpu.memory_space<hbm>> -> memref<200x64xf32, #tpu.memory_space<hbm>>
      %dma_wait3A_1052 = arith.constant 0 : i32
      %dma_wait3A_1053 = arith.constant 0 : i32
      %dma_wait3A_1054 = tpu.memref_slice %arg6[%dma_wait3A_1038, %dma_wait3A_1052, %dma_wait3A_1053] : memref<8x200x64xf32, #tpu.memory_space<vmem>> -> memref<1x200x64xf32, #tpu.memory_space<vmem>>
      %dma_wait3A_1055 = tpu.memref_squeeze %dma_wait3A_1054 : memref<1x200x64xf32, #tpu.memory_space<vmem>> -> memref<200x64xf32, #tpu.memory_space<vmem>>
      tpu.wait_dma2 semaphore(%dma_wait3A_1048 : memref<!tpu.dma_semaphore, #tpu.memory_space<semaphore_mem>>) src(%dma_wait3A_1055 : memref<200x64xf32, #tpu.memory_space<vmem>>) dst(%dma_wait3A_1051 : memref<200x64xf32, #tpu.memory_space<hbm>>)
      %mul3A_1056 = arith.constant 200 : i32
      %mul3A_1057 = arith.muli %sub3A_1037, %mul3A_1056 : i32
      %dma_start3A_1058 = arith.constant 7 : i32
      %dma_start3A_1059 = arith.constant 7 : i32
      %dma_start3A_1060 = arith.constant 0 : i32
      %dma_start3A_1061 = arith.constant 0 : i32
      %dma_start3A_1062 = tpu.memref_slice %arg6[%dma_start3A_1058, %dma_start3A_1060, %dma_start3A_1061] : memref<8x200x64xf32, #tpu.memory_space<vmem>> -> memref<1x200x64xf32, #tpu.memory_space<vmem>>
      %dma_start3A_1063 = tpu.memref_squeeze %dma_start3A_1062 : memref<1x200x64xf32, #tpu.memory_space<vmem>> -> memref<200x64xf32, #tpu.memory_space<vmem>>
      %dma_start3A_1064 = tpu.memref_slice %arg5[%mul3A_1057] : memref<25600xi32, #tpu.memory_space<vmem>> -> memref<200xi32, #tpu.memory_space<vmem>>
      %dma_start3A_1065 = arith.constant 0 : i32
      %dma_start3A_1066 = arith.constant 0 : i32
      %dma_start3A_1067 = tpu.memref_slice %arg2[%dma_start3A_1065, %dma_start3A_1066] : memref<1000000x64xf32, #tpu.memory_space<hbm>> -> memref<1000000x64xf32, #tpu.memory_space<hbm>>
      %dma_start3A_1068 = tpu.memref_slice %arg7[%dma_start3A_1059] : memref<8x!tpu.dma_semaphore, #tpu.memory_space<semaphore_mem>> -> memref<1x!tpu.dma_semaphore, #tpu.memory_space<semaphore_mem>>
      %dma_start3A_1069 = tpu.memref_squeeze %dma_start3A_1068 : memref<1x!tpu.dma_semaphore, #tpu.memory_space<semaphore_mem>> -> memref<!tpu.dma_semaphore, #tpu.memory_space<semaphore_mem>>
      tpu.enqueue_indirect_dma source(%dma_start3A_1067 : memref<1000000x64xf32, #tpu.memory_space<hbm>>) target(%dma_start3A_1063 : memref<200x64xf32, #tpu.memory_space<vmem>>) offsets(%dma_start3A_1064 : memref<200xi32, #tpu.memory_space<vmem>>) semaphore(%dma_start3A_1069 : memref<!tpu.dma_semaphore, #tpu.memory_space<semaphore_mem>>)
      %mul3A_1070 = arith.constant 8 : i32
      %mul3A_1071 = arith.muli %scan3A_998, %mul3A_1070 : i32
      %add3A_1072 = arith.constant 1 : i32
      %add3A_1073 = arith.addi %mul3A_1071, %add3A_1072 : i32
      %dma_wait3A_1074 = arith.constant 1 : i32
      %dma_wait3A_1075 = arith.constant 1 : i32
      %dma_wait3A_1076 = arith.constant 0 : i32
      %dma_wait3A_1077 = arith.constant 0 : i32
      %dma_wait3A_1078 = tpu.memref_slice %arg6[%dma_wait3A_1074, %dma_wait3A_1076, %dma_wait3A_1077] : memref<8x200x64xf32, #tpu.memory_space<vmem>> -> memref<1x200x64xf32, #tpu.memory_space<vmem>>
      %dma_wait3A_1079 = tpu.memref_squeeze %dma_wait3A_1078 : memref<1x200x64xf32, #tpu.memory_space<vmem>> -> memref<200x64xf32, #tpu.memory_space<vmem>>
      %dma_wait3A_1080 = arith.constant 0 : i32
      %dma_wait3A_1081 = tpu.memref_slice %arg5[%dma_wait3A_1080] : memref<25600xi32, #tpu.memory_space<vmem>> -> memref<200xi32, #tpu.memory_space<vmem>>
      %dma_wait3A_1082 = arith.constant 0 : i32
      %dma_wait3A_1083 = arith.constant 0 : i32
      %dma_wait3A_1084 = tpu.memref_slice %arg2[%dma_wait3A_1082, %dma_wait3A_1083] : memref<1000000x64xf32, #tpu.memory_space<hbm>> -> memref<1000000x64xf32, #tpu.memory_space<hbm>>
      %dma_wait3A_1085 = tpu.memref_slice %arg7[%dma_wait3A_1075] : memref<8x!tpu.dma_semaphore, #tpu.memory_space<semaphore_mem>> -> memref<1x!tpu.dma_semaphore, #tpu.memory_space<semaphore_mem>>
      %dma_wait3A_1086 = tpu.memref_squeeze %dma_wait3A_1085 : memref<1x!tpu.dma_semaphore, #tpu.memory_space<semaphore_mem>> -> memref<!tpu.dma_semaphore, #tpu.memory_space<semaphore_mem>>
      tpu.wait_indirect_dma semaphore(%dma_wait3A_1086 : memref<!tpu.dma_semaphore, #tpu.memory_space<semaphore_mem>>) src(%dma_wait3A_1084 : memref<1000000x64xf32, #tpu.memory_space<hbm>>) dst(%dma_wait3A_1079 : memref<200x64xf32, #tpu.memory_space<vmem>>)
      %mul3A_1087 = arith.constant 200 : i32
      %mul3A_1088 = arith.muli %add3A_1073, %mul3A_1087 : i32
      %add3A_1089 = arith.addi %mul3A_2, %mul3A_1088 : i32
      %dma_start3A_1090 = arith.constant 1 : i32
      %dma_start3A_1091 = arith.constant 1 : i32
      %dma_start3A_1092 = arith.constant 0 : i32
      %dma_start3A_1093 = arith.constant 0 : i32
      %dma_start3A_1094 = tpu.memref_slice %arg6[%dma_start3A_1090, %dma_start3A_1092, %dma_start3A_1093] : memref<8x200x64xf32, #tpu.memory_space<vmem>> -> memref<1x200x64xf32, #tpu.memory_space<vmem>>
      %dma_start3A_1095 = tpu.memref_squeeze %dma_start3A_1094 : memref<1x200x64xf32, #tpu.memory_space<vmem>> -> memref<200x64xf32, #tpu.memory_space<vmem>>
      %dma_start3A_1096 = arith.constant 0 : i32
      %dma_start3A_1097 = tpu.memref_slice %arg4[%add3A_1089, %dma_start3A_1096] : memref<819200x128xf32, #tpu.memory_space<hbm>> -> memref<200x64xf32, #tpu.memory_space<hbm>>
      %dma_start3A_1098 = tpu.memref_slice %arg8[%dma_start3A_1091] : memref<8x!tpu.dma_semaphore, #tpu.memory_space<semaphore_mem>> -> memref<1x!tpu.dma_semaphore, #tpu.memory_space<semaphore_mem>>
      %dma_start3A_1099 = tpu.memref_squeeze %dma_start3A_1098 : memref<1x!tpu.dma_semaphore, #tpu.memory_space<semaphore_mem>> -> memref<!tpu.dma_semaphore, #tpu.memory_space<semaphore_mem>>
      %dma_start3A_1100 = arith.constant 0 : i32
      %dma_start3A_1101 = tpu.memref_slice %arg4[%add3A_1089, %dma_start3A_1100] : memref<819200x128xf32, #tpu.memory_space<hbm>> -> memref<200x64xf32, #tpu.memory_space<hbm>>
      %dma_start3A_1102 = arith.constant 0 : i32
      %dma_start3A_1103 = arith.constant 0 : i32
      %dma_start3A_1104 = tpu.memref_slice %arg6[%dma_start3A_1090, %dma_start3A_1102, %dma_start3A_1103] : memref<8x200x64xf32, #tpu.memory_space<vmem>> -> memref<1x200x64xf32, #tpu.memory_space<vmem>>
      %dma_start3A_1105 = tpu.memref_squeeze %dma_start3A_1104 : memref<1x200x64xf32, #tpu.memory_space<vmem>> -> memref<200x64xf32, #tpu.memory_space<vmem>>
      tpu.enqueue_dma source(%dma_start3A_1105 : memref<200x64xf32, #tpu.memory_space<vmem>>) target(%dma_start3A_1101 : memref<200x64xf32, #tpu.memory_space<hbm>>) target_semaphore(%dma_start3A_1099 : memref<!tpu.dma_semaphore, #tpu.memory_space<semaphore_mem>>)
      %add3A_1106 = arith.constant 8 : i32
      %add3A_1107 = arith.addi %add3A_1073, %add3A_1106 : i32
      %sub3A_1108 = arith.constant 1 : i32
      %sub3A_1109 = arith.subi %add3A_1107, %sub3A_1108 : i32
      %dma_wait3A_1110 = arith.constant 0 : i32
      %dma_wait3A_1111 = arith.constant 0 : i32
      %dma_wait3A_1112 = arith.constant 0 : i32
      %dma_wait3A_1113 = arith.constant 0 : i32
      %dma_wait3A_1114 = tpu.memref_slice %arg6[%dma_wait3A_1110, %dma_wait3A_1112, %dma_wait3A_1113] : memref<8x200x64xf32, #tpu.memory_space<vmem>> -> memref<1x200x64xf32, #tpu.memory_space<vmem>>
      %dma_wait3A_1115 = tpu.memref_squeeze %dma_wait3A_1114 : memref<1x200x64xf32, #tpu.memory_space<vmem>> -> memref<200x64xf32, #tpu.memory_space<vmem>>
      %dma_wait3A_1116 = arith.constant 0 : i32
      %dma_wait3A_1117 = arith.constant 0 : i32
      %dma_wait3A_1118 = tpu.memref_slice %arg4[%dma_wait3A_1116, %dma_wait3A_1117] : memref<819200x128xf32, #tpu.memory_space<hbm>> -> memref<200x64xf32, #tpu.memory_space<hbm>>
      %dma_wait3A_1119 = tpu.memref_slice %arg8[%dma_wait3A_1111] : memref<8x!tpu.dma_semaphore, #tpu.memory_space<semaphore_mem>> -> memref<1x!tpu.dma_semaphore, #tpu.memory_space<semaphore_mem>>
      %dma_wait3A_1120 = tpu.memref_squeeze %dma_wait3A_1119 : memref<1x!tpu.dma_semaphore, #tpu.memory_space<semaphore_mem>> -> memref<!tpu.dma_semaphore, #tpu.memory_space<semaphore_mem>>
      %dma_wait3A_1121 = arith.constant 0 : i32
      %dma_wait3A_1122 = arith.constant 0 : i32
      %dma_wait3A_1123 = tpu.memref_slice %arg4[%dma_wait3A_1121, %dma_wait3A_1122] : memref<819200x128xf32, #tpu.memory_space<hbm>> -> memref<200x64xf32, #tpu.memory_space<hbm>>
      %dma_wait3A_1124 = arith.constant 0 : i32
      %dma_wait3A_1125 = arith.constant 0 : i32
      %dma_wait3A_1126 = tpu.memref_slice %arg6[%dma_wait3A_1110, %dma_wait3A_1124, %dma_wait3A_1125] : memref<8x200x64xf32, #tpu.memory_space<vmem>> -> memref<1x200x64xf32, #tpu.memory_space<vmem>>
      %dma_wait3A_1127 = tpu.memref_squeeze %dma_wait3A_1126 : memref<1x200x64xf32, #tpu.memory_space<vmem>> -> memref<200x64xf32, #tpu.memory_space<vmem>>
      tpu.wait_dma2 semaphore(%dma_wait3A_1120 : memref<!tpu.dma_semaphore, #tpu.memory_space<semaphore_mem>>) src(%dma_wait3A_1127 : memref<200x64xf32, #tpu.memory_space<vmem>>) dst(%dma_wait3A_1123 : memref<200x64xf32, #tpu.memory_space<hbm>>)
      %mul3A_1128 = arith.constant 200 : i32
      %mul3A_1129 = arith.muli %sub3A_1109, %mul3A_1128 : i32
      %dma_start3A_1130 = arith.constant 0 : i32
      %dma_start3A_1131 = arith.constant 0 : i32
      %dma_start3A_1132 = arith.constant 0 : i32
      %dma_start3A_1133 = arith.constant 0 : i32
      %dma_start3A_1134 = tpu.memref_slice %arg6[%dma_start3A_1130, %dma_start3A_1132, %dma_start3A_1133] : memref<8x200x64xf32, #tpu.memory_space<vmem>> -> memref<1x200x64xf32, #tpu.memory_space<vmem>>
      %dma_start3A_1135 = tpu.memref_squeeze %dma_start3A_1134 : memref<1x200x64xf32, #tpu.memory_space<vmem>> -> memref<200x64xf32, #tpu.memory_space<vmem>>
      %dma_start3A_1136 = tpu.memref_slice %arg5[%mul3A_1129] : memref<25600xi32, #tpu.memory_space<vmem>> -> memref<200xi32, #tpu.memory_space<vmem>>
      %dma_start3A_1137 = arith.constant 0 : i32
      %dma_start3A_1138 = arith.constant 0 : i32
      %dma_start3A_1139 = tpu.memref_slice %arg2[%dma_start3A_1137, %dma_start3A_1138] : memref<1000000x64xf32, #tpu.memory_space<hbm>> -> memref<1000000x64xf32, #tpu.memory_space<hbm>>
      %dma_start3A_1140 = tpu.memref_slice %arg7[%dma_start3A_1131] : memref<8x!tpu.dma_semaphore, #tpu.memory_space<semaphore_mem>> -> memref<1x!tpu.dma_semaphore, #tpu.memory_space<semaphore_mem>>
      %dma_start3A_1141 = tpu.memref_squeeze %dma_start3A_1140 : memref<1x!tpu.dma_semaphore, #tpu.memory_space<semaphore_mem>> -> memref<!tpu.dma_semaphore, #tpu.memory_space<semaphore_mem>>
      tpu.enqueue_indirect_dma source(%dma_start3A_1139 : memref<1000000x64xf32, #tpu.memory_space<hbm>>) target(%dma_start3A_1135 : memref<200x64xf32, #tpu.memory_space<vmem>>) offsets(%dma_start3A_1136 : memref<200xi32, #tpu.memory_space<vmem>>) semaphore(%dma_start3A_1141 : memref<!tpu.dma_semaphore, #tpu.memory_space<semaphore_mem>>)
      %mul3A_1142 = arith.constant 8 : i32
      %mul3A_1143 = arith.muli %scan3A_998, %mul3A_1142 : i32
      %add3A_1144 = arith.constant 2 : i32
      %add3A_1145 = arith.addi %mul3A_1143, %add3A_1144 : i32
      %dma_wait3A_1146 = arith.constant 2 : i32
      %dma_wait3A_1147 = arith.constant 2 : i32
      %dma_wait3A_1148 = arith.constant 0 : i32
      %dma_wait3A_1149 = arith.constant 0 : i32
      %dma_wait3A_1150 = tpu.memref_slice %arg6[%dma_wait3A_1146, %dma_wait3A_1148, %dma_wait3A_1149] : memref<8x200x64xf32, #tpu.memory_space<vmem>> -> memref<1x200x64xf32, #tpu.memory_space<vmem>>
      %dma_wait3A_1151 = tpu.memref_squeeze %dma_wait3A_1150 : memref<1x200x64xf32, #tpu.memory_space<vmem>> -> memref<200x64xf32, #tpu.memory_space<vmem>>
      %dma_wait3A_1152 = arith.constant 0 : i32
      %dma_wait3A_1153 = tpu.memref_slice %arg5[%dma_wait3A_1152] : memref<25600xi32, #tpu.memory_space<vmem>> -> memref<200xi32, #tpu.memory_space<vmem>>
      %dma_wait3A_1154 = arith.constant 0 : i32
      %dma_wait3A_1155 = arith.constant 0 : i32
      %dma_wait3A_1156 = tpu.memref_slice %arg2[%dma_wait3A_1154, %dma_wait3A_1155] : memref<1000000x64xf32, #tpu.memory_space<hbm>> -> memref<1000000x64xf32, #tpu.memory_space<hbm>>
      %dma_wait3A_1157 = tpu.memref_slice %arg7[%dma_wait3A_1147] : memref<8x!tpu.dma_semaphore, #tpu.memory_space<semaphore_mem>> -> memref<1x!tpu.dma_semaphore, #tpu.memory_space<semaphore_mem>>
      %dma_wait3A_1158 = tpu.memref_squeeze %dma_wait3A_1157 : memref<1x!tpu.dma_semaphore, #tpu.memory_space<semaphore_mem>> -> memref<!tpu.dma_semaphore, #tpu.memory_space<semaphore_mem>>
      tpu.wait_indirect_dma semaphore(%dma_wait3A_1158 : memref<!tpu.dma_semaphore, #tpu.memory_space<semaphore_mem>>) src(%dma_wait3A_1156 : memref<1000000x64xf32, #tpu.memory_space<hbm>>) dst(%dma_wait3A_1151 : memref<200x64xf32, #tpu.memory_space<vmem>>)
      %mul3A_1159 = arith.constant 200 : i32
      %mul3A_1160 = arith.muli %add3A_1145, %mul3A_1159 : i32
      %add3A_1161 = arith.addi %mul3A_2, %mul3A_1160 : i32
      %dma_start3A_1162 = arith.constant 2 : i32
      %dma_start3A_1163 = arith.constant 2 : i32
      %dma_start3A_1164 = arith.constant 0 : i32
      %dma_start3A_1165 = arith.constant 0 : i32
      %dma_start3A_1166 = tpu.memref_slice %arg6[%dma_start3A_1162, %dma_start3A_1164, %dma_start3A_1165] : memref<8x200x64xf32, #tpu.memory_space<vmem>> -> memref<1x200x64xf32, #tpu.memory_space<vmem>>
      %dma_start3A_1167 = tpu.memref_squeeze %dma_start3A_1166 : memref<1x200x64xf32, #tpu.memory_space<vmem>> -> memref<200x64xf32, #tpu.memory_space<vmem>>
      %dma_start3A_1168 = arith.constant 0 : i32
      %dma_start3A_1169 = tpu.memref_slice %arg4[%add3A_1161, %dma_start3A_1168] : memref<819200x128xf32, #tpu.memory_space<hbm>> -> memref<200x64xf32, #tpu.memory_space<hbm>>
      %dma_start3A_1170 = tpu.memref_slice %arg8[%dma_start3A_1163] : memref<8x!tpu.dma_semaphore, #tpu.memory_space<semaphore_mem>> -> memref<1x!tpu.dma_semaphore, #tpu.memory_space<semaphore_mem>>
      %dma_start3A_1171 = tpu.memref_squeeze %dma_start3A_1170 : memref<1x!tpu.dma_semaphore, #tpu.memory_space<semaphore_mem>> -> memref<!tpu.dma_semaphore, #tpu.memory_space<semaphore_mem>>
      %dma_start3A_1172 = arith.constant 0 : i32
      %dma_start3A_1173 = tpu.memref_slice %arg4[%add3A_1161, %dma_start3A_1172] : memref<819200x128xf32, #tpu.memory_space<hbm>> -> memref<200x64xf32, #tpu.memory_space<hbm>>
      %dma_start3A_1174 = arith.constant 0 : i32
      %dma_start3A_1175 = arith.constant 0 : i32
      %dma_start3A_1176 = tpu.memref_slice %arg6[%dma_start3A_1162, %dma_start3A_1174, %dma_start3A_1175] : memref<8x200x64xf32, #tpu.memory_space<vmem>> -> memref<1x200x64xf32, #tpu.memory_space<vmem>>
      %dma_start3A_1177 = tpu.memref_squeeze %dma_start3A_1176 : memref<1x200x64xf32, #tpu.memory_space<vmem>> -> memref<200x64xf32, #tpu.memory_space<vmem>>
      tpu.enqueue_dma source(%dma_start3A_1177 : memref<200x64xf32, #tpu.memory_space<vmem>>) target(%dma_start3A_1173 : memref<200x64xf32, #tpu.memory_space<hbm>>) target_semaphore(%dma_start3A_1171 : memref<!tpu.dma_semaphore, #tpu.memory_space<semaphore_mem>>)
      %add3A_1178 = arith.constant 8 : i32
      %add3A_1179 = arith.addi %add3A_1145, %add3A_1178 : i32
      %sub3A_1180 = arith.constant 1 : i32
      %sub3A_1181 = arith.subi %add3A_1179, %sub3A_1180 : i32
      %dma_wait3A_1182 = arith.constant 1 : i32
      %dma_wait3A_1183 = arith.constant 1 : i32
      %dma_wait3A_1184 = arith.constant 0 : i32
      %dma_wait3A_1185 = arith.constant 0 : i32
      %dma_wait3A_1186 = tpu.memref_slice %arg6[%dma_wait3A_1182, %dma_wait3A_1184, %dma_wait3A_1185] : memref<8x200x64xf32, #tpu.memory_space<vmem>> -> memref<1x200x64xf32, #tpu.memory_space<vmem>>
      %dma_wait3A_1187 = tpu.memref_squeeze %dma_wait3A_1186 : memref<1x200x64xf32, #tpu.memory_space<vmem>> -> memref<200x64xf32, #tpu.memory_space<vmem>>
      %dma_wait3A_1188 = arith.constant 0 : i32
      %dma_wait3A_1189 = arith.constant 0 : i32
      %dma_wait3A_1190 = tpu.memref_slice %arg4[%dma_wait3A_1188, %dma_wait3A_1189] : memref<819200x128xf32, #tpu.memory_space<hbm>> -> memref<200x64xf32, #tpu.memory_space<hbm>>
      %dma_wait3A_1191 = tpu.memref_slice %arg8[%dma_wait3A_1183] : memref<8x!tpu.dma_semaphore, #tpu.memory_space<semaphore_mem>> -> memref<1x!tpu.dma_semaphore, #tpu.memory_space<semaphore_mem>>
      %dma_wait3A_1192 = tpu.memref_squeeze %dma_wait3A_1191 : memref<1x!tpu.dma_semaphore, #tpu.memory_space<semaphore_mem>> -> memref<!tpu.dma_semaphore, #tpu.memory_space<semaphore_mem>>
      %dma_wait3A_1193 = arith.constant 0 : i32
      %dma_wait3A_1194 = arith.constant 0 : i32
      %dma_wait3A_1195 = tpu.memref_slice %arg4[%dma_wait3A_1193, %dma_wait3A_1194] : memref<819200x128xf32, #tpu.memory_space<hbm>> -> memref<200x64xf32, #tpu.memory_space<hbm>>
      %dma_wait3A_1196 = arith.constant 0 : i32
      %dma_wait3A_1197 = arith.constant 0 : i32
      %dma_wait3A_1198 = tpu.memref_slice %arg6[%dma_wait3A_1182, %dma_wait3A_1196, %dma_wait3A_1197] : memref<8x200x64xf32, #tpu.memory_space<vmem>> -> memref<1x200x64xf32, #tpu.memory_space<vmem>>
      %dma_wait3A_1199 = tpu.memref_squeeze %dma_wait3A_1198 : memref<1x200x64xf32, #tpu.memory_space<vmem>> -> memref<200x64xf32, #tpu.memory_space<vmem>>
      tpu.wait_dma2 semaphore(%dma_wait3A_1192 : memref<!tpu.dma_semaphore, #tpu.memory_space<semaphore_mem>>) src(%dma_wait3A_1199 : memref<200x64xf32, #tpu.memory_space<vmem>>) dst(%dma_wait3A_1195 : memref<200x64xf32, #tpu.memory_space<hbm>>)
      %mul3A_1200 = arith.constant 200 : i32
      %mul3A_1201 = arith.muli %sub3A_1181, %mul3A_1200 : i32
      %dma_start3A_1202 = arith.constant 1 : i32
      %dma_start3A_1203 = arith.constant 1 : i32
      %dma_start3A_1204 = arith.constant 0 : i32
      %dma_start3A_1205 = arith.constant 0 : i32
      %dma_start3A_1206 = tpu.memref_slice %arg6[%dma_start3A_1202, %dma_start3A_1204, %dma_start3A_1205] : memref<8x200x64xf32, #tpu.memory_space<vmem>> -> memref<1x200x64xf32, #tpu.memory_space<vmem>>
      %dma_start3A_1207 = tpu.memref_squeeze %dma_start3A_1206 : memref<1x200x64xf32, #tpu.memory_space<vmem>> -> memref<200x64xf32, #tpu.memory_space<vmem>>
      %dma_start3A_1208 = tpu.memref_slice %arg5[%mul3A_1201] : memref<25600xi32, #tpu.memory_space<vmem>> -> memref<200xi32, #tpu.memory_space<vmem>>
      %dma_start3A_1209 = arith.constant 0 : i32
      %dma_start3A_1210 = arith.constant 0 : i32
      %dma_start3A_1211 = tpu.memref_slice %arg2[%dma_start3A_1209, %dma_start3A_1210] : memref<1000000x64xf32, #tpu.memory_space<hbm>> -> memref<1000000x64xf32, #tpu.memory_space<hbm>>
      %dma_start3A_1212 = tpu.memref_slice %arg7[%dma_start3A_1203] : memref<8x!tpu.dma_semaphore, #tpu.memory_space<semaphore_mem>> -> memref<1x!tpu.dma_semaphore, #tpu.memory_space<semaphore_mem>>
      %dma_start3A_1213 = tpu.memref_squeeze %dma_start3A_1212 : memref<1x!tpu.dma_semaphore, #tpu.memory_space<semaphore_mem>> -> memref<!tpu.dma_semaphore, #tpu.memory_space<semaphore_mem>>
      tpu.enqueue_indirect_dma source(%dma_start3A_1211 : memref<1000000x64xf32, #tpu.memory_space<hbm>>) target(%dma_start3A_1207 : memref<200x64xf32, #tpu.memory_space<vmem>>) offsets(%dma_start3A_1208 : memref<200xi32, #tpu.memory_space<vmem>>) semaphore(%dma_start3A_1213 : memref<!tpu.dma_semaphore, #tpu.memory_space<semaphore_mem>>)
      %mul3A_1214 = arith.constant 8 : i32
      %mul3A_1215 = arith.muli %scan3A_998, %mul3A_1214 : i32
      %add3A_1216 = arith.constant 3 : i32
      %add3A_1217 = arith.addi %mul3A_1215, %add3A_1216 : i32
      %dma_wait3A_1218 = arith.constant 3 : i32
      %dma_wait3A_1219 = arith.constant 3 : i32
      %dma_wait3A_1220 = arith.constant 0 : i32
      %dma_wait3A_1221 = arith.constant 0 : i32
      %dma_wait3A_1222 = tpu.memref_slice %arg6[%dma_wait3A_1218, %dma_wait3A_1220, %dma_wait3A_1221] : memref<8x200x64xf32, #tpu.memory_space<vmem>> -> memref<1x200x64xf32, #tpu.memory_space<vmem>>
      %dma_wait3A_1223 = tpu.memref_squeeze %dma_wait3A_1222 : memref<1x200x64xf32, #tpu.memory_space<vmem>> -> memref<200x64xf32, #tpu.memory_space<vmem>>
      %dma_wait3A_1224 = arith.constant 0 : i32
      %dma_wait3A_1225 = tpu.memref_slice %arg5[%dma_wait3A_1224] : memref<25600xi32, #tpu.memory_space<vmem>> -> memref<200xi32, #tpu.memory_space<vmem>>
      %dma_wait3A_1226 = arith.constant 0 : i32
      %dma_wait3A_1227 = arith.constant 0 : i32
      %dma_wait3A_1228 = tpu.memref_slice %arg2[%dma_wait3A_1226, %dma_wait3A_1227] : memref<1000000x64xf32, #tpu.memory_space<hbm>> -> memref<1000000x64xf32, #tpu.memory_space<hbm>>
      %dma_wait3A_1229 = tpu.memref_slice %arg7[%dma_wait3A_1219] : memref<8x!tpu.dma_semaphore, #tpu.memory_space<semaphore_mem>> -> memref<1x!tpu.dma_semaphore, #tpu.memory_space<semaphore_mem>>
      %dma_wait3A_1230 = tpu.memref_squeeze %dma_wait3A_1229 : memref<1x!tpu.dma_semaphore, #tpu.memory_space<semaphore_mem>> -> memref<!tpu.dma_semaphore, #tpu.memory_space<semaphore_mem>>
      tpu.wait_indirect_dma semaphore(%dma_wait3A_1230 : memref<!tpu.dma_semaphore, #tpu.memory_space<semaphore_mem>>) src(%dma_wait3A_1228 : memref<1000000x64xf32, #tpu.memory_space<hbm>>) dst(%dma_wait3A_1223 : memref<200x64xf32, #tpu.memory_space<vmem>>)
      %mul3A_1231 = arith.constant 200 : i32
      %mul3A_1232 = arith.muli %add3A_1217, %mul3A_1231 : i32
      %add3A_1233 = arith.addi %mul3A_2, %mul3A_1232 : i32
      %dma_start3A_1234 = arith.constant 3 : i32
      %dma_start3A_1235 = arith.constant 3 : i32
      %dma_start3A_1236 = arith.constant 0 : i32
      %dma_start3A_1237 = arith.constant 0 : i32
      %dma_start3A_1238 = tpu.memref_slice %arg6[%dma_start3A_1234, %dma_start3A_1236, %dma_start3A_1237] : memref<8x200x64xf32, #tpu.memory_space<vmem>> -> memref<1x200x64xf32, #tpu.memory_space<vmem>>
      %dma_start3A_1239 = tpu.memref_squeeze %dma_start3A_1238 : memref<1x200x64xf32, #tpu.memory_space<vmem>> -> memref<200x64xf32, #tpu.memory_space<vmem>>
      %dma_start3A_1240 = arith.constant 0 : i32
      %dma_start3A_1241 = tpu.memref_slice %arg4[%add3A_1233, %dma_start3A_1240] : memref<819200x128xf32, #tpu.memory_space<hbm>> -> memref<200x64xf32, #tpu.memory_space<hbm>>
      %dma_start3A_1242 = tpu.memref_slice %arg8[%dma_start3A_1235] : memref<8x!tpu.dma_semaphore, #tpu.memory_space<semaphore_mem>> -> memref<1x!tpu.dma_semaphore, #tpu.memory_space<semaphore_mem>>
      %dma_start3A_1243 = tpu.memref_squeeze %dma_start3A_1242 : memref<1x!tpu.dma_semaphore, #tpu.memory_space<semaphore_mem>> -> memref<!tpu.dma_semaphore, #tpu.memory_space<semaphore_mem>>
      %dma_start3A_1244 = arith.constant 0 : i32
      %dma_start3A_1245 = tpu.memref_slice %arg4[%add3A_1233, %dma_start3A_1244] : memref<819200x128xf32, #tpu.memory_space<hbm>> -> memref<200x64xf32, #tpu.memory_space<hbm>>
      %dma_start3A_1246 = arith.constant 0 : i32
      %dma_start3A_1247 = arith.constant 0 : i32
      %dma_start3A_1248 = tpu.memref_slice %arg6[%dma_start3A_1234, %dma_start3A_1246, %dma_start3A_1247] : memref<8x200x64xf32, #tpu.memory_space<vmem>> -> memref<1x200x64xf32, #tpu.memory_space<vmem>>
      %dma_start3A_1249 = tpu.memref_squeeze %dma_start3A_1248 : memref<1x200x64xf32, #tpu.memory_space<vmem>> -> memref<200x64xf32, #tpu.memory_space<vmem>>
      tpu.enqueue_dma source(%dma_start3A_1249 : memref<200x64xf32, #tpu.memory_space<vmem>>) target(%dma_start3A_1245 : memref<200x64xf32, #tpu.memory_space<hbm>>) target_semaphore(%dma_start3A_1243 : memref<!tpu.dma_semaphore, #tpu.memory_space<semaphore_mem>>)
      %add3A_1250 = arith.constant 8 : i32
      %add3A_1251 = arith.addi %add3A_1217, %add3A_1250 : i32
      %sub3A_1252 = arith.constant 1 : i32
      %sub3A_1253 = arith.subi %add3A_1251, %sub3A_1252 : i32
      %dma_wait3A_1254 = arith.constant 2 : i32
      %dma_wait3A_1255 = arith.constant 2 : i32
      %dma_wait3A_1256 = arith.constant 0 : i32
      %dma_wait3A_1257 = arith.constant 0 : i32
      %dma_wait3A_1258 = tpu.memref_slice %arg6[%dma_wait3A_1254, %dma_wait3A_1256, %dma_wait3A_1257] : memref<8x200x64xf32, #tpu.memory_space<vmem>> -> memref<1x200x64xf32, #tpu.memory_space<vmem>>
      %dma_wait3A_1259 = tpu.memref_squeeze %dma_wait3A_1258 : memref<1x200x64xf32, #tpu.memory_space<vmem>> -> memref<200x64xf32, #tpu.memory_space<vmem>>
      %dma_wait3A_1260 = arith.constant 0 : i32
      %dma_wait3A_1261 = arith.constant 0 : i32
      %dma_wait3A_1262 = tpu.memref_slice %arg4[%dma_wait3A_1260, %dma_wait3A_1261] : memref<819200x128xf32, #tpu.memory_space<hbm>> -> memref<200x64xf32, #tpu.memory_space<hbm>>
      %dma_wait3A_1263 = tpu.memref_slice %arg8[%dma_wait3A_1255] : memref<8x!tpu.dma_semaphore, #tpu.memory_space<semaphore_mem>> -> memref<1x!tpu.dma_semaphore, #tpu.memory_space<semaphore_mem>>
      %dma_wait3A_1264 = tpu.memref_squeeze %dma_wait3A_1263 : memref<1x!tpu.dma_semaphore, #tpu.memory_space<semaphore_mem>> -> memref<!tpu.dma_semaphore, #tpu.memory_space<semaphore_mem>>
      %dma_wait3A_1265 = arith.constant 0 : i32
      %dma_wait3A_1266 = arith.constant 0 : i32
      %dma_wait3A_1267 = tpu.memref_slice %arg4[%dma_wait3A_1265, %dma_wait3A_1266] : memref<819200x128xf32, #tpu.memory_space<hbm>> -> memref<200x64xf32, #tpu.memory_space<hbm>>
      %dma_wait3A_1268 = arith.constant 0 : i32
      %dma_wait3A_1269 = arith.constant 0 : i32
      %dma_wait3A_1270 = tpu.memref_slice %arg6[%dma_wait3A_1254, %dma_wait3A_1268, %dma_wait3A_1269] : memref<8x200x64xf32, #tpu.memory_space<vmem>> -> memref<1x200x64xf32, #tpu.memory_space<vmem>>
      %dma_wait3A_1271 = tpu.memref_squeeze %dma_wait3A_1270 : memref<1x200x64xf32, #tpu.memory_space<vmem>> -> memref<200x64xf32, #tpu.memory_space<vmem>>
      tpu.wait_dma2 semaphore(%dma_wait3A_1264 : memref<!tpu.dma_semaphore, #tpu.memory_space<semaphore_mem>>) src(%dma_wait3A_1271 : memref<200x64xf32, #tpu.memory_space<vmem>>) dst(%dma_wait3A_1267 : memref<200x64xf32, #tpu.memory_space<hbm>>)
      %mul3A_1272 = arith.constant 200 : i32
      %mul3A_1273 = arith.muli %sub3A_1253, %mul3A_1272 : i32
      %dma_start3A_1274 = arith.constant 2 : i32
      %dma_start3A_1275 = arith.constant 2 : i32
      %dma_start3A_1276 = arith.constant 0 : i32
      %dma_start3A_1277 = arith.constant 0 : i32
      %dma_start3A_1278 = tpu.memref_slice %arg6[%dma_start3A_1274, %dma_start3A_1276, %dma_start3A_1277] : memref<8x200x64xf32, #tpu.memory_space<vmem>> -> memref<1x200x64xf32, #tpu.memory_space<vmem>>
      %dma_start3A_1279 = tpu.memref_squeeze %dma_start3A_1278 : memref<1x200x64xf32, #tpu.memory_space<vmem>> -> memref<200x64xf32, #tpu.memory_space<vmem>>
      %dma_start3A_1280 = tpu.memref_slice %arg5[%mul3A_1273] : memref<25600xi32, #tpu.memory_space<vmem>> -> memref<200xi32, #tpu.memory_space<vmem>>
      %dma_start3A_1281 = arith.constant 0 : i32
      %dma_start3A_1282 = arith.constant 0 : i32
      %dma_start3A_1283 = tpu.memref_slice %arg2[%dma_start3A_1281, %dma_start3A_1282] : memref<1000000x64xf32, #tpu.memory_space<hbm>> -> memref<1000000x64xf32, #tpu.memory_space<hbm>>
      %dma_start3A_1284 = tpu.memref_slice %arg7[%dma_start3A_1275] : memref<8x!tpu.dma_semaphore, #tpu.memory_space<semaphore_mem>> -> memref<1x!tpu.dma_semaphore, #tpu.memory_space<semaphore_mem>>
      %dma_start3A_1285 = tpu.memref_squeeze %dma_start3A_1284 : memref<1x!tpu.dma_semaphore, #tpu.memory_space<semaphore_mem>> -> memref<!tpu.dma_semaphore, #tpu.memory_space<semaphore_mem>>
      tpu.enqueue_indirect_dma source(%dma_start3A_1283 : memref<1000000x64xf32, #tpu.memory_space<hbm>>) target(%dma_start3A_1279 : memref<200x64xf32, #tpu.memory_space<vmem>>) offsets(%dma_start3A_1280 : memref<200xi32, #tpu.memory_space<vmem>>) semaphore(%dma_start3A_1285 : memref<!tpu.dma_semaphore, #tpu.memory_space<semaphore_mem>>)
      %mul3A_1286 = arith.constant 8 : i32
      %mul3A_1287 = arith.muli %scan3A_998, %mul3A_1286 : i32
      %add3A_1288 = arith.constant 4 : i32
      %add3A_1289 = arith.addi %mul3A_1287, %add3A_1288 : i32
      %dma_wait3A_1290 = arith.constant 4 : i32
      %dma_wait3A_1291 = arith.constant 4 : i32
      %dma_wait3A_1292 = arith.constant 0 : i32
      %dma_wait3A_1293 = arith.constant 0 : i32
      %dma_wait3A_1294 = tpu.memref_slice %arg6[%dma_wait3A_1290, %dma_wait3A_1292, %dma_wait3A_1293] : memref<8x200x64xf32, #tpu.memory_space<vmem>> -> memref<1x200x64xf32, #tpu.memory_space<vmem>>
      %dma_wait3A_1295 = tpu.memref_squeeze %dma_wait3A_1294 : memref<1x200x64xf32, #tpu.memory_space<vmem>> -> memref<200x64xf32, #tpu.memory_space<vmem>>
      %dma_wait3A_1296 = arith.constant 0 : i32
      %dma_wait3A_1297 = tpu.memref_slice %arg5[%dma_wait3A_1296] : memref<25600xi32, #tpu.memory_space<vmem>> -> memref<200xi32, #tpu.memory_space<vmem>>
      %dma_wait3A_1298 = arith.constant 0 : i32
      %dma_wait3A_1299 = arith.constant 0 : i32
      %dma_wait3A_1300 = tpu.memref_slice %arg2[%dma_wait3A_1298, %dma_wait3A_1299] : memref<1000000x64xf32, #tpu.memory_space<hbm>> -> memref<1000000x64xf32, #tpu.memory_space<hbm>>
      %dma_wait3A_1301 = tpu.memref_slice %arg7[%dma_wait3A_1291] : memref<8x!tpu.dma_semaphore, #tpu.memory_space<semaphore_mem>> -> memref<1x!tpu.dma_semaphore, #tpu.memory_space<semaphore_mem>>
      %dma_wait3A_1302 = tpu.memref_squeeze %dma_wait3A_1301 : memref<1x!tpu.dma_semaphore, #tpu.memory_space<semaphore_mem>> -> memref<!tpu.dma_semaphore, #tpu.memory_space<semaphore_mem>>
      tpu.wait_indirect_dma semaphore(%dma_wait3A_1302 : memref<!tpu.dma_semaphore, #tpu.memory_space<semaphore_mem>>) src(%dma_wait3A_1300 : memref<1000000x64xf32, #tpu.memory_space<hbm>>) dst(%dma_wait3A_1295 : memref<200x64xf32, #tpu.memory_space<vmem>>)
      %mul3A_1303 = arith.constant 200 : i32
      %mul3A_1304 = arith.muli %add3A_1289, %mul3A_1303 : i32
      %add3A_1305 = arith.addi %mul3A_2, %mul3A_1304 : i32
      %dma_start3A_1306 = arith.constant 4 : i32
      %dma_start3A_1307 = arith.constant 4 : i32
      %dma_start3A_1308 = arith.constant 0 : i32
      %dma_start3A_1309 = arith.constant 0 : i32
      %dma_start3A_1310 = tpu.memref_slice %arg6[%dma_start3A_1306, %dma_start3A_1308, %dma_start3A_1309] : memref<8x200x64xf32, #tpu.memory_space<vmem>> -> memref<1x200x64xf32, #tpu.memory_space<vmem>>
      %dma_start3A_1311 = tpu.memref_squeeze %dma_start3A_1310 : memref<1x200x64xf32, #tpu.memory_space<vmem>> -> memref<200x64xf32, #tpu.memory_space<vmem>>
      %dma_start3A_1312 = arith.constant 0 : i32
      %dma_start3A_1313 = tpu.memref_slice %arg4[%add3A_1305, %dma_start3A_1312] : memref<819200x128xf32, #tpu.memory_space<hbm>> -> memref<200x64xf32, #tpu.memory_space<hbm>>
      %dma_start3A_1314 = tpu.memref_slice %arg8[%dma_start3A_1307] : memref<8x!tpu.dma_semaphore, #tpu.memory_space<semaphore_mem>> -> memref<1x!tpu.dma_semaphore, #tpu.memory_space<semaphore_mem>>
      %dma_start3A_1315 = tpu.memref_squeeze %dma_start3A_1314 : memref<1x!tpu.dma_semaphore, #tpu.memory_space<semaphore_mem>> -> memref<!tpu.dma_semaphore, #tpu.memory_space<semaphore_mem>>
      %dma_start3A_1316 = arith.constant 0 : i32
      %dma_start3A_1317 = tpu.memref_slice %arg4[%add3A_1305, %dma_start3A_1316] : memref<819200x128xf32, #tpu.memory_space<hbm>> -> memref<200x64xf32, #tpu.memory_space<hbm>>
      %dma_start3A_1318 = arith.constant 0 : i32
      %dma_start3A_1319 = arith.constant 0 : i32
      %dma_start3A_1320 = tpu.memref_slice %arg6[%dma_start3A_1306, %dma_start3A_1318, %dma_start3A_1319] : memref<8x200x64xf32, #tpu.memory_space<vmem>> -> memref<1x200x64xf32, #tpu.memory_space<vmem>>
      %dma_start3A_1321 = tpu.memref_squeeze %dma_start3A_1320 : memref<1x200x64xf32, #tpu.memory_space<vmem>> -> memref<200x64xf32, #tpu.memory_space<vmem>>
      tpu.enqueue_dma source(%dma_start3A_1321 : memref<200x64xf32, #tpu.memory_space<vmem>>) target(%dma_start3A_1317 : memref<200x64xf32, #tpu.memory_space<hbm>>) target_semaphore(%dma_start3A_1315 : memref<!tpu.dma_semaphore, #tpu.memory_space<semaphore_mem>>)
      %add3A_1322 = arith.constant 8 : i32
      %add3A_1323 = arith.addi %add3A_1289, %add3A_1322 : i32
      %sub3A_1324 = arith.constant 1 : i32
      %sub3A_1325 = arith.subi %add3A_1323, %sub3A_1324 : i32
      %dma_wait3A_1326 = arith.constant 3 : i32
      %dma_wait3A_1327 = arith.constant 3 : i32
      %dma_wait3A_1328 = arith.constant 0 : i32
      %dma_wait3A_1329 = arith.constant 0 : i32
      %dma_wait3A_1330 = tpu.memref_slice %arg6[%dma_wait3A_1326, %dma_wait3A_1328, %dma_wait3A_1329] : memref<8x200x64xf32, #tpu.memory_space<vmem>> -> memref<1x200x64xf32, #tpu.memory_space<vmem>>
      %dma_wait3A_1331 = tpu.memref_squeeze %dma_wait3A_1330 : memref<1x200x64xf32, #tpu.memory_space<vmem>> -> memref<200x64xf32, #tpu.memory_space<vmem>>
      %dma_wait3A_1332 = arith.constant 0 : i32
      %dma_wait3A_1333 = arith.constant 0 : i32
      %dma_wait3A_1334 = tpu.memref_slice %arg4[%dma_wait3A_1332, %dma_wait3A_1333] : memref<819200x128xf32, #tpu.memory_space<hbm>> -> memref<200x64xf32, #tpu.memory_space<hbm>>
      %dma_wait3A_1335 = tpu.memref_slice %arg8[%dma_wait3A_1327] : memref<8x!tpu.dma_semaphore, #tpu.memory_space<semaphore_mem>> -> memref<1x!tpu.dma_semaphore, #tpu.memory_space<semaphore_mem>>
      %dma_wait3A_1336 = tpu.memref_squeeze %dma_wait3A_1335 : memref<1x!tpu.dma_semaphore, #tpu.memory_space<semaphore_mem>> -> memref<!tpu.dma_semaphore, #tpu.memory_space<semaphore_mem>>
      %dma_wait3A_1337 = arith.constant 0 : i32
      %dma_wait3A_1338 = arith.constant 0 : i32
      %dma_wait3A_1339 = tpu.memref_slice %arg4[%dma_wait3A_1337, %dma_wait3A_1338] : memref<819200x128xf32, #tpu.memory_space<hbm>> -> memref<200x64xf32, #tpu.memory_space<hbm>>
      %dma_wait3A_1340 = arith.constant 0 : i32
      %dma_wait3A_1341 = arith.constant 0 : i32
      %dma_wait3A_1342 = tpu.memref_slice %arg6[%dma_wait3A_1326, %dma_wait3A_1340, %dma_wait3A_1341] : memref<8x200x64xf32, #tpu.memory_space<vmem>> -> memref<1x200x64xf32, #tpu.memory_space<vmem>>
      %dma_wait3A_1343 = tpu.memref_squeeze %dma_wait3A_1342 : memref<1x200x64xf32, #tpu.memory_space<vmem>> -> memref<200x64xf32, #tpu.memory_space<vmem>>
      tpu.wait_dma2 semaphore(%dma_wait3A_1336 : memref<!tpu.dma_semaphore, #tpu.memory_space<semaphore_mem>>) src(%dma_wait3A_1343 : memref<200x64xf32, #tpu.memory_space<vmem>>) dst(%dma_wait3A_1339 : memref<200x64xf32, #tpu.memory_space<hbm>>)
      %mul3A_1344 = arith.constant 200 : i32
      %mul3A_1345 = arith.muli %sub3A_1325, %mul3A_1344 : i32
      %dma_start3A_1346 = arith.constant 3 : i32
      %dma_start3A_1347 = arith.constant 3 : i32
      %dma_start3A_1348 = arith.constant 0 : i32
      %dma_start3A_1349 = arith.constant 0 : i32
      %dma_start3A_1350 = tpu.memref_slice %arg6[%dma_start3A_1346, %dma_start3A_1348, %dma_start3A_1349] : memref<8x200x64xf32, #tpu.memory_space<vmem>> -> memref<1x200x64xf32, #tpu.memory_space<vmem>>
      %dma_start3A_1351 = tpu.memref_squeeze %dma_start3A_1350 : memref<1x200x64xf32, #tpu.memory_space<vmem>> -> memref<200x64xf32, #tpu.memory_space<vmem>>
      %dma_start3A_1352 = tpu.memref_slice %arg5[%mul3A_1345] : memref<25600xi32, #tpu.memory_space<vmem>> -> memref<200xi32, #tpu.memory_space<vmem>>
      %dma_start3A_1353 = arith.constant 0 : i32
      %dma_start3A_1354 = arith.constant 0 : i32
      %dma_start3A_1355 = tpu.memref_slice %arg2[%dma_start3A_1353, %dma_start3A_1354] : memref<1000000x64xf32, #tpu.memory_space<hbm>> -> memref<1000000x64xf32, #tpu.memory_space<hbm>>
      %dma_start3A_1356 = tpu.memref_slice %arg7[%dma_start3A_1347] : memref<8x!tpu.dma_semaphore, #tpu.memory_space<semaphore_mem>> -> memref<1x!tpu.dma_semaphore, #tpu.memory_space<semaphore_mem>>
      %dma_start3A_1357 = tpu.memref_squeeze %dma_start3A_1356 : memref<1x!tpu.dma_semaphore, #tpu.memory_space<semaphore_mem>> -> memref<!tpu.dma_semaphore, #tpu.memory_space<semaphore_mem>>
      tpu.enqueue_indirect_dma source(%dma_start3A_1355 : memref<1000000x64xf32, #tpu.memory_space<hbm>>) target(%dma_start3A_1351 : memref<200x64xf32, #tpu.memory_space<vmem>>) offsets(%dma_start3A_1352 : memref<200xi32, #tpu.memory_space<vmem>>) semaphore(%dma_start3A_1357 : memref<!tpu.dma_semaphore, #tpu.memory_space<semaphore_mem>>)
      %mul3A_1358 = arith.constant 8 : i32
      %mul3A_1359 = arith.muli %scan3A_998, %mul3A_1358 : i32
      %add3A_1360 = arith.constant 5 : i32
      %add3A_1361 = arith.addi %mul3A_1359, %add3A_1360 : i32
      %dma_wait3A_1362 = arith.constant 5 : i32
      %dma_wait3A_1363 = arith.constant 5 : i32
      %dma_wait3A_1364 = arith.constant 0 : i32
      %dma_wait3A_1365 = arith.constant 0 : i32
      %dma_wait3A_1366 = tpu.memref_slice %arg6[%dma_wait3A_1362, %dma_wait3A_1364, %dma_wait3A_1365] : memref<8x200x64xf32, #tpu.memory_space<vmem>> -> memref<1x200x64xf32, #tpu.memory_space<vmem>>
      %dma_wait3A_1367 = tpu.memref_squeeze %dma_wait3A_1366 : memref<1x200x64xf32, #tpu.memory_space<vmem>> -> memref<200x64xf32, #tpu.memory_space<vmem>>
      %dma_wait3A_1368 = arith.constant 0 : i32
      %dma_wait3A_1369 = tpu.memref_slice %arg5[%dma_wait3A_1368] : memref<25600xi32, #tpu.memory_space<vmem>> -> memref<200xi32, #tpu.memory_space<vmem>>
      %dma_wait3A_1370 = arith.constant 0 : i32
      %dma_wait3A_1371 = arith.constant 0 : i32
      %dma_wait3A_1372 = tpu.memref_slice %arg2[%dma_wait3A_1370, %dma_wait3A_1371] : memref<1000000x64xf32, #tpu.memory_space<hbm>> -> memref<1000000x64xf32, #tpu.memory_space<hbm>>
      %dma_wait3A_1373 = tpu.memref_slice %arg7[%dma_wait3A_1363] : memref<8x!tpu.dma_semaphore, #tpu.memory_space<semaphore_mem>> -> memref<1x!tpu.dma_semaphore, #tpu.memory_space<semaphore_mem>>
      %dma_wait3A_1374 = tpu.memref_squeeze %dma_wait3A_1373 : memref<1x!tpu.dma_semaphore, #tpu.memory_space<semaphore_mem>> -> memref<!tpu.dma_semaphore, #tpu.memory_space<semaphore_mem>>
      tpu.wait_indirect_dma semaphore(%dma_wait3A_1374 : memref<!tpu.dma_semaphore, #tpu.memory_space<semaphore_mem>>) src(%dma_wait3A_1372 : memref<1000000x64xf32, #tpu.memory_space<hbm>>) dst(%dma_wait3A_1367 : memref<200x64xf32, #tpu.memory_space<vmem>>)
      %mul3A_1375 = arith.constant 200 : i32
      %mul3A_1376 = arith.muli %add3A_1361, %mul3A_1375 : i32
      %add3A_1377 = arith.addi %mul3A_2, %mul3A_1376 : i32
      %dma_start3A_1378 = arith.constant 5 : i32
      %dma_start3A_1379 = arith.constant 5 : i32
      %dma_start3A_1380 = arith.constant 0 : i32
      %dma_start3A_1381 = arith.constant 0 : i32
      %dma_start3A_1382 = tpu.memref_slice %arg6[%dma_start3A_1378, %dma_start3A_1380, %dma_start3A_1381] : memref<8x200x64xf32, #tpu.memory_space<vmem>> -> memref<1x200x64xf32, #tpu.memory_space<vmem>>
      %dma_start3A_1383 = tpu.memref_squeeze %dma_start3A_1382 : memref<1x200x64xf32, #tpu.memory_space<vmem>> -> memref<200x64xf32, #tpu.memory_space<vmem>>
      %dma_start3A_1384 = arith.constant 0 : i32
      %dma_start3A_1385 = tpu.memref_slice %arg4[%add3A_1377, %dma_start3A_1384] : memref<819200x128xf32, #tpu.memory_space<hbm>> -> memref<200x64xf32, #tpu.memory_space<hbm>>
      %dma_start3A_1386 = tpu.memref_slice %arg8[%dma_start3A_1379] : memref<8x!tpu.dma_semaphore, #tpu.memory_space<semaphore_mem>> -> memref<1x!tpu.dma_semaphore, #tpu.memory_space<semaphore_mem>>
      %dma_start3A_1387 = tpu.memref_squeeze %dma_start3A_1386 : memref<1x!tpu.dma_semaphore, #tpu.memory_space<semaphore_mem>> -> memref<!tpu.dma_semaphore, #tpu.memory_space<semaphore_mem>>
      %dma_start3A_1388 = arith.constant 0 : i32
      %dma_start3A_1389 = tpu.memref_slice %arg4[%add3A_1377, %dma_start3A_1388] : memref<819200x128xf32, #tpu.memory_space<hbm>> -> memref<200x64xf32, #tpu.memory_space<hbm>>
      %dma_start3A_1390 = arith.constant 0 : i32
      %dma_start3A_1391 = arith.constant 0 : i32
      %dma_start3A_1392 = tpu.memref_slice %arg6[%dma_start3A_1378, %dma_start3A_1390, %dma_start3A_1391] : memref<8x200x64xf32, #tpu.memory_space<vmem>> -> memref<1x200x64xf32, #tpu.memory_space<vmem>>
      %dma_start3A_1393 = tpu.memref_squeeze %dma_start3A_1392 : memref<1x200x64xf32, #tpu.memory_space<vmem>> -> memref<200x64xf32, #tpu.memory_space<vmem>>
      tpu.enqueue_dma source(%dma_start3A_1393 : memref<200x64xf32, #tpu.memory_space<vmem>>) target(%dma_start3A_1389 : memref<200x64xf32, #tpu.memory_space<hbm>>) target_semaphore(%dma_start3A_1387 : memref<!tpu.dma_semaphore, #tpu.memory_space<semaphore_mem>>)
      %add3A_1394 = arith.constant 8 : i32
      %add3A_1395 = arith.addi %add3A_1361, %add3A_1394 : i32
      %sub3A_1396 = arith.constant 1 : i32
      %sub3A_1397 = arith.subi %add3A_1395, %sub3A_1396 : i32
      %dma_wait3A_1398 = arith.constant 4 : i32
      %dma_wait3A_1399 = arith.constant 4 : i32
      %dma_wait3A_1400 = arith.constant 0 : i32
      %dma_wait3A_1401 = arith.constant 0 : i32
      %dma_wait3A_1402 = tpu.memref_slice %arg6[%dma_wait3A_1398, %dma_wait3A_1400, %dma_wait3A_1401] : memref<8x200x64xf32, #tpu.memory_space<vmem>> -> memref<1x200x64xf32, #tpu.memory_space<vmem>>
      %dma_wait3A_1403 = tpu.memref_squeeze %dma_wait3A_1402 : memref<1x200x64xf32, #tpu.memory_space<vmem>> -> memref<200x64xf32, #tpu.memory_space<vmem>>
      %dma_wait3A_1404 = arith.constant 0 : i32
      %dma_wait3A_1405 = arith.constant 0 : i32
      %dma_wait3A_1406 = tpu.memref_slice %arg4[%dma_wait3A_1404, %dma_wait3A_1405] : memref<819200x128xf32, #tpu.memory_space<hbm>> -> memref<200x64xf32, #tpu.memory_space<hbm>>
      %dma_wait3A_1407 = tpu.memref_slice %arg8[%dma_wait3A_1399] : memref<8x!tpu.dma_semaphore, #tpu.memory_space<semaphore_mem>> -> memref<1x!tpu.dma_semaphore, #tpu.memory_space<semaphore_mem>>
      %dma_wait3A_1408 = tpu.memref_squeeze %dma_wait3A_1407 : memref<1x!tpu.dma_semaphore, #tpu.memory_space<semaphore_mem>> -> memref<!tpu.dma_semaphore, #tpu.memory_space<semaphore_mem>>
      %dma_wait3A_1409 = arith.constant 0 : i32
      %dma_wait3A_1410 = arith.constant 0 : i32
      %dma_wait3A_1411 = tpu.memref_slice %arg4[%dma_wait3A_1409, %dma_wait3A_1410] : memref<819200x128xf32, #tpu.memory_space<hbm>> -> memref<200x64xf32, #tpu.memory_space<hbm>>
      %dma_wait3A_1412 = arith.constant 0 : i32
      %dma_wait3A_1413 = arith.constant 0 : i32
      %dma_wait3A_1414 = tpu.memref_slice %arg6[%dma_wait3A_1398, %dma_wait3A_1412, %dma_wait3A_1413] : memref<8x200x64xf32, #tpu.memory_space<vmem>> -> memref<1x200x64xf32, #tpu.memory_space<vmem>>
      %dma_wait3A_1415 = tpu.memref_squeeze %dma_wait3A_1414 : memref<1x200x64xf32, #tpu.memory_space<vmem>> -> memref<200x64xf32, #tpu.memory_space<vmem>>
      tpu.wait_dma2 semaphore(%dma_wait3A_1408 : memref<!tpu.dma_semaphore, #tpu.memory_space<semaphore_mem>>) src(%dma_wait3A_1415 : memref<200x64xf32, #tpu.memory_space<vmem>>) dst(%dma_wait3A_1411 : memref<200x64xf32, #tpu.memory_space<hbm>>)
      %mul3A_1416 = arith.constant 200 : i32
      %mul3A_1417 = arith.muli %sub3A_1397, %mul3A_1416 : i32
      %dma_start3A_1418 = arith.constant 4 : i32
      %dma_start3A_1419 = arith.constant 4 : i32
      %dma_start3A_1420 = arith.constant 0 : i32
      %dma_start3A_1421 = arith.constant 0 : i32
      %dma_start3A_1422 = tpu.memref_slice %arg6[%dma_start3A_1418, %dma_start3A_1420, %dma_start3A_1421] : memref<8x200x64xf32, #tpu.memory_space<vmem>> -> memref<1x200x64xf32, #tpu.memory_space<vmem>>
      %dma_start3A_1423 = tpu.memref_squeeze %dma_start3A_1422 : memref<1x200x64xf32, #tpu.memory_space<vmem>> -> memref<200x64xf32, #tpu.memory_space<vmem>>
      %dma_start3A_1424 = tpu.memref_slice %arg5[%mul3A_1417] : memref<25600xi32, #tpu.memory_space<vmem>> -> memref<200xi32, #tpu.memory_space<vmem>>
      %dma_start3A_1425 = arith.constant 0 : i32
      %dma_start3A_1426 = arith.constant 0 : i32
      %dma_start3A_1427 = tpu.memref_slice %arg2[%dma_start3A_1425, %dma_start3A_1426] : memref<1000000x64xf32, #tpu.memory_space<hbm>> -> memref<1000000x64xf32, #tpu.memory_space<hbm>>
      %dma_start3A_1428 = tpu.memref_slice %arg7[%dma_start3A_1419] : memref<8x!tpu.dma_semaphore, #tpu.memory_space<semaphore_mem>> -> memref<1x!tpu.dma_semaphore, #tpu.memory_space<semaphore_mem>>
      %dma_start3A_1429 = tpu.memref_squeeze %dma_start3A_1428 : memref<1x!tpu.dma_semaphore, #tpu.memory_space<semaphore_mem>> -> memref<!tpu.dma_semaphore, #tpu.memory_space<semaphore_mem>>
      tpu.enqueue_indirect_dma source(%dma_start3A_1427 : memref<1000000x64xf32, #tpu.memory_space<hbm>>) target(%dma_start3A_1423 : memref<200x64xf32, #tpu.memory_space<vmem>>) offsets(%dma_start3A_1424 : memref<200xi32, #tpu.memory_space<vmem>>) semaphore(%dma_start3A_1429 : memref<!tpu.dma_semaphore, #tpu.memory_space<semaphore_mem>>)
      %mul3A_1430 = arith.constant 8 : i32
      %mul3A_1431 = arith.muli %scan3A_998, %mul3A_1430 : i32
      %add3A_1432 = arith.constant 6 : i32
      %add3A_1433 = arith.addi %mul3A_1431, %add3A_1432 : i32
      %dma_wait3A_1434 = arith.constant 6 : i32
      %dma_wait3A_1435 = arith.constant 6 : i32
      %dma_wait3A_1436 = arith.constant 0 : i32
      %dma_wait3A_1437 = arith.constant 0 : i32
      %dma_wait3A_1438 = tpu.memref_slice %arg6[%dma_wait3A_1434, %dma_wait3A_1436, %dma_wait3A_1437] : memref<8x200x64xf32, #tpu.memory_space<vmem>> -> memref<1x200x64xf32, #tpu.memory_space<vmem>>
      %dma_wait3A_1439 = tpu.memref_squeeze %dma_wait3A_1438 : memref<1x200x64xf32, #tpu.memory_space<vmem>> -> memref<200x64xf32, #tpu.memory_space<vmem>>
      %dma_wait3A_1440 = arith.constant 0 : i32
      %dma_wait3A_1441 = tpu.memref_slice %arg5[%dma_wait3A_1440] : memref<25600xi32, #tpu.memory_space<vmem>> -> memref<200xi32, #tpu.memory_space<vmem>>
      %dma_wait3A_1442 = arith.constant 0 : i32
      %dma_wait3A_1443 = arith.constant 0 : i32
      %dma_wait3A_1444 = tpu.memref_slice %arg2[%dma_wait3A_1442, %dma_wait3A_1443] : memref<1000000x64xf32, #tpu.memory_space<hbm>> -> memref<1000000x64xf32, #tpu.memory_space<hbm>>
      %dma_wait3A_1445 = tpu.memref_slice %arg7[%dma_wait3A_1435] : memref<8x!tpu.dma_semaphore, #tpu.memory_space<semaphore_mem>> -> memref<1x!tpu.dma_semaphore, #tpu.memory_space<semaphore_mem>>
      %dma_wait3A_1446 = tpu.memref_squeeze %dma_wait3A_1445 : memref<1x!tpu.dma_semaphore, #tpu.memory_space<semaphore_mem>> -> memref<!tpu.dma_semaphore, #tpu.memory_space<semaphore_mem>>
      tpu.wait_indirect_dma semaphore(%dma_wait3A_1446 : memref<!tpu.dma_semaphore, #tpu.memory_space<semaphore_mem>>) src(%dma_wait3A_1444 : memref<1000000x64xf32, #tpu.memory_space<hbm>>) dst(%dma_wait3A_1439 : memref<200x64xf32, #tpu.memory_space<vmem>>)
      %mul3A_1447 = arith.constant 200 : i32
      %mul3A_1448 = arith.muli %add3A_1433, %mul3A_1447 : i32
      %add3A_1449 = arith.addi %mul3A_2, %mul3A_1448 : i32
      %dma_start3A_1450 = arith.constant 6 : i32
      %dma_start3A_1451 = arith.constant 6 : i32
      %dma_start3A_1452 = arith.constant 0 : i32
      %dma_start3A_1453 = arith.constant 0 : i32
      %dma_start3A_1454 = tpu.memref_slice %arg6[%dma_start3A_1450, %dma_start3A_1452, %dma_start3A_1453] : memref<8x200x64xf32, #tpu.memory_space<vmem>> -> memref<1x200x64xf32, #tpu.memory_space<vmem>>
      %dma_start3A_1455 = tpu.memref_squeeze %dma_start3A_1454 : memref<1x200x64xf32, #tpu.memory_space<vmem>> -> memref<200x64xf32, #tpu.memory_space<vmem>>
      %dma_start3A_1456 = arith.constant 0 : i32
      %dma_start3A_1457 = tpu.memref_slice %arg4[%add3A_1449, %dma_start3A_1456] : memref<819200x128xf32, #tpu.memory_space<hbm>> -> memref<200x64xf32, #tpu.memory_space<hbm>>
      %dma_start3A_1458 = tpu.memref_slice %arg8[%dma_start3A_1451] : memref<8x!tpu.dma_semaphore, #tpu.memory_space<semaphore_mem>> -> memref<1x!tpu.dma_semaphore, #tpu.memory_space<semaphore_mem>>
      %dma_start3A_1459 = tpu.memref_squeeze %dma_start3A_1458 : memref<1x!tpu.dma_semaphore, #tpu.memory_space<semaphore_mem>> -> memref<!tpu.dma_semaphore, #tpu.memory_space<semaphore_mem>>
      %dma_start3A_1460 = arith.constant 0 : i32
      %dma_start3A_1461 = tpu.memref_slice %arg4[%add3A_1449, %dma_start3A_1460] : memref<819200x128xf32, #tpu.memory_space<hbm>> -> memref<200x64xf32, #tpu.memory_space<hbm>>
      %dma_start3A_1462 = arith.constant 0 : i32
      %dma_start3A_1463 = arith.constant 0 : i32
      %dma_start3A_1464 = tpu.memref_slice %arg6[%dma_start3A_1450, %dma_start3A_1462, %dma_start3A_1463] : memref<8x200x64xf32, #tpu.memory_space<vmem>> -> memref<1x200x64xf32, #tpu.memory_space<vmem>>
      %dma_start3A_1465 = tpu.memref_squeeze %dma_start3A_1464 : memref<1x200x64xf32, #tpu.memory_space<vmem>> -> memref<200x64xf32, #tpu.memory_space<vmem>>
      tpu.enqueue_dma source(%dma_start3A_1465 : memref<200x64xf32, #tpu.memory_space<vmem>>) target(%dma_start3A_1461 : memref<200x64xf32, #tpu.memory_space<hbm>>) target_semaphore(%dma_start3A_1459 : memref<!tpu.dma_semaphore, #tpu.memory_space<semaphore_mem>>)
      %add3A_1466 = arith.constant 8 : i32
      %add3A_1467 = arith.addi %add3A_1433, %add3A_1466 : i32
      %sub3A_1468 = arith.constant 1 : i32
      %sub3A_1469 = arith.subi %add3A_1467, %sub3A_1468 : i32
      %dma_wait3A_1470 = arith.constant 5 : i32
      %dma_wait3A_1471 = arith.constant 5 : i32
      %dma_wait3A_1472 = arith.constant 0 : i32
      %dma_wait3A_1473 = arith.constant 0 : i32
      %dma_wait3A_1474 = tpu.memref_slice %arg6[%dma_wait3A_1470, %dma_wait3A_1472, %dma_wait3A_1473] : memref<8x200x64xf32, #tpu.memory_space<vmem>> -> memref<1x200x64xf32, #tpu.memory_space<vmem>>
      %dma_wait3A_1475 = tpu.memref_squeeze %dma_wait3A_1474 : memref<1x200x64xf32, #tpu.memory_space<vmem>> -> memref<200x64xf32, #tpu.memory_space<vmem>>
      %dma_wait3A_1476 = arith.constant 0 : i32
      %dma_wait3A_1477 = arith.constant 0 : i32
      %dma_wait3A_1478 = tpu.memref_slice %arg4[%dma_wait3A_1476, %dma_wait3A_1477] : memref<819200x128xf32, #tpu.memory_space<hbm>> -> memref<200x64xf32, #tpu.memory_space<hbm>>
      %dma_wait3A_1479 = tpu.memref_slice %arg8[%dma_wait3A_1471] : memref<8x!tpu.dma_semaphore, #tpu.memory_space<semaphore_mem>> -> memref<1x!tpu.dma_semaphore, #tpu.memory_space<semaphore_mem>>
      %dma_wait3A_1480 = tpu.memref_squeeze %dma_wait3A_1479 : memref<1x!tpu.dma_semaphore, #tpu.memory_space<semaphore_mem>> -> memref<!tpu.dma_semaphore, #tpu.memory_space<semaphore_mem>>
      %dma_wait3A_1481 = arith.constant 0 : i32
      %dma_wait3A_1482 = arith.constant 0 : i32
      %dma_wait3A_1483 = tpu.memref_slice %arg4[%dma_wait3A_1481, %dma_wait3A_1482] : memref<819200x128xf32, #tpu.memory_space<hbm>> -> memref<200x64xf32, #tpu.memory_space<hbm>>
      %dma_wait3A_1484 = arith.constant 0 : i32
      %dma_wait3A_1485 = arith.constant 0 : i32
      %dma_wait3A_1486 = tpu.memref_slice %arg6[%dma_wait3A_1470, %dma_wait3A_1484, %dma_wait3A_1485] : memref<8x200x64xf32, #tpu.memory_space<vmem>> -> memref<1x200x64xf32, #tpu.memory_space<vmem>>
      %dma_wait3A_1487 = tpu.memref_squeeze %dma_wait3A_1486 : memref<1x200x64xf32, #tpu.memory_space<vmem>> -> memref<200x64xf32, #tpu.memory_space<vmem>>
      tpu.wait_dma2 semaphore(%dma_wait3A_1480 : memref<!tpu.dma_semaphore, #tpu.memory_space<semaphore_mem>>) src(%dma_wait3A_1487 : memref<200x64xf32, #tpu.memory_space<vmem>>) dst(%dma_wait3A_1483 : memref<200x64xf32, #tpu.memory_space<hbm>>)
      %mul3A_1488 = arith.constant 200 : i32
      %mul3A_1489 = arith.muli %sub3A_1469, %mul3A_1488 : i32
      %dma_start3A_1490 = arith.constant 5 : i32
      %dma_start3A_1491 = arith.constant 5 : i32
      %dma_start3A_1492 = arith.constant 0 : i32
      %dma_start3A_1493 = arith.constant 0 : i32
      %dma_start3A_1494 = tpu.memref_slice %arg6[%dma_start3A_1490, %dma_start3A_1492, %dma_start3A_1493] : memref<8x200x64xf32, #tpu.memory_space<vmem>> -> memref<1x200x64xf32, #tpu.memory_space<vmem>>
      %dma_start3A_1495 = tpu.memref_squeeze %dma_start3A_1494 : memref<1x200x64xf32, #tpu.memory_space<vmem>> -> memref<200x64xf32, #tpu.memory_space<vmem>>
      %dma_start3A_1496 = tpu.memref_slice %arg5[%mul3A_1489] : memref<25600xi32, #tpu.memory_space<vmem>> -> memref<200xi32, #tpu.memory_space<vmem>>
      %dma_start3A_1497 = arith.constant 0 : i32
      %dma_start3A_1498 = arith.constant 0 : i32
      %dma_start3A_1499 = tpu.memref_slice %arg2[%dma_start3A_1497, %dma_start3A_1498] : memref<1000000x64xf32, #tpu.memory_space<hbm>> -> memref<1000000x64xf32, #tpu.memory_space<hbm>>
      %dma_start3A_1500 = tpu.memref_slice %arg7[%dma_start3A_1491] : memref<8x!tpu.dma_semaphore, #tpu.memory_space<semaphore_mem>> -> memref<1x!tpu.dma_semaphore, #tpu.memory_space<semaphore_mem>>
      %dma_start3A_1501 = tpu.memref_squeeze %dma_start3A_1500 : memref<1x!tpu.dma_semaphore, #tpu.memory_space<semaphore_mem>> -> memref<!tpu.dma_semaphore, #tpu.memory_space<semaphore_mem>>
      tpu.enqueue_indirect_dma source(%dma_start3A_1499 : memref<1000000x64xf32, #tpu.memory_space<hbm>>) target(%dma_start3A_1495 : memref<200x64xf32, #tpu.memory_space<vmem>>) offsets(%dma_start3A_1496 : memref<200xi32, #tpu.memory_space<vmem>>) semaphore(%dma_start3A_1501 : memref<!tpu.dma_semaphore, #tpu.memory_space<semaphore_mem>>)
      %mul3A_1502 = arith.constant 8 : i32
      %mul3A_1503 = arith.muli %scan3A_998, %mul3A_1502 : i32
      %add3A_1504 = arith.constant 7 : i32
      %add3A_1505 = arith.addi %mul3A_1503, %add3A_1504 : i32
      %dma_wait3A_1506 = arith.constant 7 : i32
      %dma_wait3A_1507 = arith.constant 7 : i32
      %dma_wait3A_1508 = arith.constant 0 : i32
      %dma_wait3A_1509 = arith.constant 0 : i32
      %dma_wait3A_1510 = tpu.memref_slice %arg6[%dma_wait3A_1506, %dma_wait3A_1508, %dma_wait3A_1509] : memref<8x200x64xf32, #tpu.memory_space<vmem>> -> memref<1x200x64xf32, #tpu.memory_space<vmem>>
      %dma_wait3A_1511 = tpu.memref_squeeze %dma_wait3A_1510 : memref<1x200x64xf32, #tpu.memory_space<vmem>> -> memref<200x64xf32, #tpu.memory_space<vmem>>
      %dma_wait3A_1512 = arith.constant 0 : i32
      %dma_wait3A_1513 = tpu.memref_slice %arg5[%dma_wait3A_1512] : memref<25600xi32, #tpu.memory_space<vmem>> -> memref<200xi32, #tpu.memory_space<vmem>>
      %dma_wait3A_1514 = arith.constant 0 : i32
      %dma_wait3A_1515 = arith.constant 0 : i32
      %dma_wait3A_1516 = tpu.memref_slice %arg2[%dma_wait3A_1514, %dma_wait3A_1515] : memref<1000000x64xf32, #tpu.memory_space<hbm>> -> memref<1000000x64xf32, #tpu.memory_space<hbm>>
      %dma_wait3A_1517 = tpu.memref_slice %arg7[%dma_wait3A_1507] : memref<8x!tpu.dma_semaphore, #tpu.memory_space<semaphore_mem>> -> memref<1x!tpu.dma_semaphore, #tpu.memory_space<semaphore_mem>>
      %dma_wait3A_1518 = tpu.memref_squeeze %dma_wait3A_1517 : memref<1x!tpu.dma_semaphore, #tpu.memory_space<semaphore_mem>> -> memref<!tpu.dma_semaphore, #tpu.memory_space<semaphore_mem>>
      tpu.wait_indirect_dma semaphore(%dma_wait3A_1518 : memref<!tpu.dma_semaphore, #tpu.memory_space<semaphore_mem>>) src(%dma_wait3A_1516 : memref<1000000x64xf32, #tpu.memory_space<hbm>>) dst(%dma_wait3A_1511 : memref<200x64xf32, #tpu.memory_space<vmem>>)
      %mul3A_1519 = arith.constant 200 : i32
      %mul3A_1520 = arith.muli %add3A_1505, %mul3A_1519 : i32
      %add3A_1521 = arith.addi %mul3A_2, %mul3A_1520 : i32
      %dma_start3A_1522 = arith.constant 7 : i32
      %dma_start3A_1523 = arith.constant 7 : i32
      %dma_start3A_1524 = arith.constant 0 : i32
      %dma_start3A_1525 = arith.constant 0 : i32
      %dma_start3A_1526 = tpu.memref_slice %arg6[%dma_start3A_1522, %dma_start3A_1524, %dma_start3A_1525] : memref<8x200x64xf32, #tpu.memory_space<vmem>> -> memref<1x200x64xf32, #tpu.memory_space<vmem>>
      %dma_start3A_1527 = tpu.memref_squeeze %dma_start3A_1526 : memref<1x200x64xf32, #tpu.memory_space<vmem>> -> memref<200x64xf32, #tpu.memory_space<vmem>>
      %dma_start3A_1528 = arith.constant 0 : i32
      %dma_start3A_1529 = tpu.memref_slice %arg4[%add3A_1521, %dma_start3A_1528] : memref<819200x128xf32, #tpu.memory_space<hbm>> -> memref<200x64xf32, #tpu.memory_space<hbm>>
      %dma_start3A_1530 = tpu.memref_slice %arg8[%dma_start3A_1523] : memref<8x!tpu.dma_semaphore, #tpu.memory_space<semaphore_mem>> -> memref<1x!tpu.dma_semaphore, #tpu.memory_space<semaphore_mem>>
      %dma_start3A_1531 = tpu.memref_squeeze %dma_start3A_1530 : memref<1x!tpu.dma_semaphore, #tpu.memory_space<semaphore_mem>> -> memref<!tpu.dma_semaphore, #tpu.memory_space<semaphore_mem>>
      %dma_start3A_1532 = arith.constant 0 : i32
      %dma_start3A_1533 = tpu.memref_slice %arg4[%add3A_1521, %dma_start3A_1532] : memref<819200x128xf32, #tpu.memory_space<hbm>> -> memref<200x64xf32, #tpu.memory_space<hbm>>
      %dma_start3A_1534 = arith.constant 0 : i32
      %dma_start3A_1535 = arith.constant 0 : i32
      %dma_start3A_1536 = tpu.memref_slice %arg6[%dma_start3A_1522, %dma_start3A_1534, %dma_start3A_1535] : memref<8x200x64xf32, #tpu.memory_space<vmem>> -> memref<1x200x64xf32, #tpu.memory_space<vmem>>
      %dma_start3A_1537 = tpu.memref_squeeze %dma_start3A_1536 : memref<1x200x64xf32, #tpu.memory_space<vmem>> -> memref<200x64xf32, #tpu.memory_space<vmem>>
      tpu.enqueue_dma source(%dma_start3A_1537 : memref<200x64xf32, #tpu.memory_space<vmem>>) target(%dma_start3A_1533 : memref<200x64xf32, #tpu.memory_space<hbm>>) target_semaphore(%dma_start3A_1531 : memref<!tpu.dma_semaphore, #tpu.memory_space<semaphore_mem>>)
      %add3A_1538 = arith.constant 8 : i32
      %add3A_1539 = arith.addi %add3A_1505, %add3A_1538 : i32
      %sub3A_1540 = arith.constant 1 : i32
      %sub3A_1541 = arith.subi %add3A_1539, %sub3A_1540 : i32
      %dma_wait3A_1542 = arith.constant 6 : i32
      %dma_wait3A_1543 = arith.constant 6 : i32
      %dma_wait3A_1544 = arith.constant 0 : i32
      %dma_wait3A_1545 = arith.constant 0 : i32
      %dma_wait3A_1546 = tpu.memref_slice %arg6[%dma_wait3A_1542, %dma_wait3A_1544, %dma_wait3A_1545] : memref<8x200x64xf32, #tpu.memory_space<vmem>> -> memref<1x200x64xf32, #tpu.memory_space<vmem>>
      %dma_wait3A_1547 = tpu.memref_squeeze %dma_wait3A_1546 : memref<1x200x64xf32, #tpu.memory_space<vmem>> -> memref<200x64xf32, #tpu.memory_space<vmem>>
      %dma_wait3A_1548 = arith.constant 0 : i32
      %dma_wait3A_1549 = arith.constant 0 : i32
      %dma_wait3A_1550 = tpu.memref_slice %arg4[%dma_wait3A_1548, %dma_wait3A_1549] : memref<819200x128xf32, #tpu.memory_space<hbm>> -> memref<200x64xf32, #tpu.memory_space<hbm>>
      %dma_wait3A_1551 = tpu.memref_slice %arg8[%dma_wait3A_1543] : memref<8x!tpu.dma_semaphore, #tpu.memory_space<semaphore_mem>> -> memref<1x!tpu.dma_semaphore, #tpu.memory_space<semaphore_mem>>
      %dma_wait3A_1552 = tpu.memref_squeeze %dma_wait3A_1551 : memref<1x!tpu.dma_semaphore, #tpu.memory_space<semaphore_mem>> -> memref<!tpu.dma_semaphore, #tpu.memory_space<semaphore_mem>>
      %dma_wait3A_1553 = arith.constant 0 : i32
      %dma_wait3A_1554 = arith.constant 0 : i32
      %dma_wait3A_1555 = tpu.memref_slice %arg4[%dma_wait3A_1553, %dma_wait3A_1554] : memref<819200x128xf32, #tpu.memory_space<hbm>> -> memref<200x64xf32, #tpu.memory_space<hbm>>
      %dma_wait3A_1556 = arith.constant 0 : i32
      %dma_wait3A_1557 = arith.constant 0 : i32
      %dma_wait3A_1558 = tpu.memref_slice %arg6[%dma_wait3A_1542, %dma_wait3A_1556, %dma_wait3A_1557] : memref<8x200x64xf32, #tpu.memory_space<vmem>> -> memref<1x200x64xf32, #tpu.memory_space<vmem>>
      %dma_wait3A_1559 = tpu.memref_squeeze %dma_wait3A_1558 : memref<1x200x64xf32, #tpu.memory_space<vmem>> -> memref<200x64xf32, #tpu.memory_space<vmem>>
      tpu.wait_dma2 semaphore(%dma_wait3A_1552 : memref<!tpu.dma_semaphore, #tpu.memory_space<semaphore_mem>>) src(%dma_wait3A_1559 : memref<200x64xf32, #tpu.memory_space<vmem>>) dst(%dma_wait3A_1555 : memref<200x64xf32, #tpu.memory_space<hbm>>)
      %mul3A_1560 = arith.constant 200 : i32
      %mul3A_1561 = arith.muli %sub3A_1541, %mul3A_1560 : i32
      %dma_start3A_1562 = arith.constant 6 : i32
      %dma_start3A_1563 = arith.constant 6 : i32
      %dma_start3A_1564 = arith.constant 0 : i32
      %dma_start3A_1565 = arith.constant 0 : i32
      %dma_start3A_1566 = tpu.memref_slice %arg6[%dma_start3A_1562, %dma_start3A_1564, %dma_start3A_1565] : memref<8x200x64xf32, #tpu.memory_space<vmem>> -> memref<1x200x64xf32, #tpu.memory_space<vmem>>
      %dma_start3A_1567 = tpu.memref_squeeze %dma_start3A_1566 : memref<1x200x64xf32, #tpu.memory_space<vmem>> -> memref<200x64xf32, #tpu.memory_space<vmem>>
      %dma_start3A_1568 = tpu.memref_slice %arg5[%mul3A_1561] : memref<25600xi32, #tpu.memory_space<vmem>> -> memref<200xi32, #tpu.memory_space<vmem>>
      %dma_start3A_1569 = arith.constant 0 : i32
      %dma_start3A_1570 = arith.constant 0 : i32
      %dma_start3A_1571 = tpu.memref_slice %arg2[%dma_start3A_1569, %dma_start3A_1570] : memref<1000000x64xf32, #tpu.memory_space<hbm>> -> memref<1000000x64xf32, #tpu.memory_space<hbm>>
      %dma_start3A_1572 = tpu.memref_slice %arg7[%dma_start3A_1563] : memref<8x!tpu.dma_semaphore, #tpu.memory_space<semaphore_mem>> -> memref<1x!tpu.dma_semaphore, #tpu.memory_space<semaphore_mem>>
      %dma_start3A_1573 = tpu.memref_squeeze %dma_start3A_1572 : memref<1x!tpu.dma_semaphore, #tpu.memory_space<semaphore_mem>> -> memref<!tpu.dma_semaphore, #tpu.memory_space<semaphore_mem>>
      tpu.enqueue_indirect_dma source(%dma_start3A_1571 : memref<1000000x64xf32, #tpu.memory_space<hbm>>) target(%dma_start3A_1567 : memref<200x64xf32, #tpu.memory_space<vmem>>) offsets(%dma_start3A_1568 : memref<200xi32, #tpu.memory_space<vmem>>) semaphore(%dma_start3A_1573 : memref<!tpu.dma_semaphore, #tpu.memory_space<semaphore_mem>>)
    }
    %scan3A_574 = arith.constant 14 : i32
    %dma_wait3A_575 = arith.constant 0 : i32
    %dma_wait3A_576 = arith.constant 0 : i32
    %dma_wait3A_577 = arith.constant 0 : i32
    %dma_wait3A_578 = arith.constant 0 : i32
    %dma_wait3A_579 = tpu.memref_slice %arg6[%dma_wait3A_575, %dma_wait3A_577, %dma_wait3A_578] : memref<8x200x64xf32, #tpu.memory_space<vmem>> -> memref<1x200x64xf32, #tpu.memory_space<vmem>>
    %dma_wait3A_580 = tpu.memref_squeeze %dma_wait3A_579 : memref<1x200x64xf32, #tpu.memory_space<vmem>> -> memref<200x64xf32, #tpu.memory_space<vmem>>
    %dma_wait3A_581 = arith.constant 0 : i32
    %dma_wait3A_582 = tpu.memref_slice %arg5[%dma_wait3A_581] : memref<25600xi32, #tpu.memory_space<vmem>> -> memref<200xi32, #tpu.memory_space<vmem>>
    %dma_wait3A_583 = arith.constant 0 : i32
    %dma_wait3A_584 = arith.constant 0 : i32
    %dma_wait3A_585 = tpu.memref_slice %arg2[%dma_wait3A_583, %dma_wait3A_584] : memref<1000000x64xf32, #tpu.memory_space<hbm>> -> memref<1000000x64xf32, #tpu.memory_space<hbm>>
    %dma_wait3A_586 = tpu.memref_slice %arg7[%dma_wait3A_576] : memref<8x!tpu.dma_semaphore, #tpu.memory_space<semaphore_mem>> -> memref<1x!tpu.dma_semaphore, #tpu.memory_space<semaphore_mem>>
    %dma_wait3A_587 = tpu.memref_squeeze %dma_wait3A_586 : memref<1x!tpu.dma_semaphore, #tpu.memory_space<semaphore_mem>> -> memref<!tpu.dma_semaphore, #tpu.memory_space<semaphore_mem>>
    tpu.wait_indirect_dma semaphore(%dma_wait3A_587 : memref<!tpu.dma_semaphore, #tpu.memory_space<semaphore_mem>>) src(%dma_wait3A_585 : memref<1000000x64xf32, #tpu.memory_space<hbm>>) dst(%dma_wait3A_580 : memref<200x64xf32, #tpu.memory_space<vmem>>)
    %add3A_588 = arith.constant 24000 : i32
    %add3A_589 = arith.addi %mul3A_2, %add3A_588 : i32
    %dma_start3A_590 = arith.constant 0 : i32
    %dma_start3A_591 = arith.constant 0 : i32
    %dma_start3A_592 = arith.constant 0 : i32
    %dma_start3A_593 = arith.constant 0 : i32
    %dma_start3A_594 = tpu.memref_slice %arg6[%dma_start3A_590, %dma_start3A_592, %dma_start3A_593] : memref<8x200x64xf32, #tpu.memory_space<vmem>> -> memref<1x200x64xf32, #tpu.memory_space<vmem>>
    %dma_start3A_595 = tpu.memref_squeeze %dma_start3A_594 : memref<1x200x64xf32, #tpu.memory_space<vmem>> -> memref<200x64xf32, #tpu.memory_space<vmem>>
    %dma_start3A_596 = arith.constant 0 : i32
    %dma_start3A_597 = tpu.memref_slice %arg4[%add3A_589, %dma_start3A_596] : memref<819200x128xf32, #tpu.memory_space<hbm>> -> memref<200x64xf32, #tpu.memory_space<hbm>>
    %dma_start3A_598 = tpu.memref_slice %arg8[%dma_start3A_591] : memref<8x!tpu.dma_semaphore, #tpu.memory_space<semaphore_mem>> -> memref<1x!tpu.dma_semaphore, #tpu.memory_space<semaphore_mem>>
    %dma_start3A_599 = tpu.memref_squeeze %dma_start3A_598 : memref<1x!tpu.dma_semaphore, #tpu.memory_space<semaphore_mem>> -> memref<!tpu.dma_semaphore, #tpu.memory_space<semaphore_mem>>
    %dma_start3A_600 = arith.constant 0 : i32
    %dma_start3A_601 = tpu.memref_slice %arg4[%add3A_589, %dma_start3A_600] : memref<819200x128xf32, #tpu.memory_space<hbm>> -> memref<200x64xf32, #tpu.memory_space<hbm>>
    %dma_start3A_602 = arith.constant 0 : i32
    %dma_start3A_603 = arith.constant 0 : i32
    %dma_start3A_604 = tpu.memref_slice %arg6[%dma_start3A_590, %dma_start3A_602, %dma_start3A_603] : memref<8x200x64xf32, #tpu.memory_space<vmem>> -> memref<1x200x64xf32, #tpu.memory_space<vmem>>
    %dma_start3A_605 = tpu.memref_squeeze %dma_start3A_604 : memref<1x200x64xf32, #tpu.memory_space<vmem>> -> memref<200x64xf32, #tpu.memory_space<vmem>>
    tpu.enqueue_dma source(%dma_start3A_605 : memref<200x64xf32, #tpu.memory_space<vmem>>) target(%dma_start3A_601 : memref<200x64xf32, #tpu.memory_space<hbm>>) target_semaphore(%dma_start3A_599 : memref<!tpu.dma_semaphore, #tpu.memory_space<semaphore_mem>>)
    %dma_wait3A_606 = arith.constant 7 : i32
    %dma_wait3A_607 = arith.constant 7 : i32
    %dma_wait3A_608 = arith.constant 0 : i32
    %dma_wait3A_609 = arith.constant 0 : i32
    %dma_wait3A_610 = tpu.memref_slice %arg6[%dma_wait3A_606, %dma_wait3A_608, %dma_wait3A_609] : memref<8x200x64xf32, #tpu.memory_space<vmem>> -> memref<1x200x64xf32, #tpu.memory_space<vmem>>
    %dma_wait3A_611 = tpu.memref_squeeze %dma_wait3A_610 : memref<1x200x64xf32, #tpu.memory_space<vmem>> -> memref<200x64xf32, #tpu.memory_space<vmem>>
    %dma_wait3A_612 = arith.constant 0 : i32
    %dma_wait3A_613 = arith.constant 0 : i32
    %dma_wait3A_614 = tpu.memref_slice %arg4[%dma_wait3A_612, %dma_wait3A_613] : memref<819200x128xf32, #tpu.memory_space<hbm>> -> memref<200x64xf32, #tpu.memory_space<hbm>>
    %dma_wait3A_615 = tpu.memref_slice %arg8[%dma_wait3A_607] : memref<8x!tpu.dma_semaphore, #tpu.memory_space<semaphore_mem>> -> memref<1x!tpu.dma_semaphore, #tpu.memory_space<semaphore_mem>>
    %dma_wait3A_616 = tpu.memref_squeeze %dma_wait3A_615 : memref<1x!tpu.dma_semaphore, #tpu.memory_space<semaphore_mem>> -> memref<!tpu.dma_semaphore, #tpu.memory_space<semaphore_mem>>
    %dma_wait3A_617 = arith.constant 0 : i32
    %dma_wait3A_618 = arith.constant 0 : i32
    %dma_wait3A_619 = tpu.memref_slice %arg4[%dma_wait3A_617, %dma_wait3A_618] : memref<819200x128xf32, #tpu.memory_space<hbm>> -> memref<200x64xf32, #tpu.memory_space<hbm>>
    %dma_wait3A_620 = arith.constant 0 : i32
    %dma_wait3A_621 = arith.constant 0 : i32
    %dma_wait3A_622 = tpu.memref_slice %arg6[%dma_wait3A_606, %dma_wait3A_620, %dma_wait3A_621] : memref<8x200x64xf32, #tpu.memory_space<vmem>> -> memref<1x200x64xf32, #tpu.memory_space<vmem>>
    %dma_wait3A_623 = tpu.memref_squeeze %dma_wait3A_622 : memref<1x200x64xf32, #tpu.memory_space<vmem>> -> memref<200x64xf32, #tpu.memory_space<vmem>>
    tpu.wait_dma2 semaphore(%dma_wait3A_616 : memref<!tpu.dma_semaphore, #tpu.memory_space<semaphore_mem>>) src(%dma_wait3A_623 : memref<200x64xf32, #tpu.memory_space<vmem>>) dst(%dma_wait3A_619 : memref<200x64xf32, #tpu.memory_space<hbm>>)
    %dma_start3A_624 = arith.constant 7 : i32
    %dma_start3A_625 = arith.constant 7 : i32
    %dma_start3A_626 = arith.constant 0 : i32
    %dma_start3A_627 = arith.constant 0 : i32
    %dma_start3A_628 = tpu.memref_slice %arg6[%dma_start3A_624, %dma_start3A_626, %dma_start3A_627] : memref<8x200x64xf32, #tpu.memory_space<vmem>> -> memref<1x200x64xf32, #tpu.memory_space<vmem>>
    %dma_start3A_629 = tpu.memref_squeeze %dma_start3A_628 : memref<1x200x64xf32, #tpu.memory_space<vmem>> -> memref<200x64xf32, #tpu.memory_space<vmem>>
    %dma_start3A_630 = arith.constant 25400 : i32
    %dma_start3A_631 = tpu.memref_slice %arg5[%dma_start3A_630] : memref<25600xi32, #tpu.memory_space<vmem>> -> memref<200xi32, #tpu.memory_space<vmem>>
    %dma_start3A_632 = arith.constant 0 : i32
    %dma_start3A_633 = arith.constant 0 : i32
    %dma_start3A_634 = tpu.memref_slice %arg2[%dma_start3A_632, %dma_start3A_633] : memref<1000000x64xf32, #tpu.memory_space<hbm>> -> memref<1000000x64xf32, #tpu.memory_space<hbm>>
    %dma_start3A_635 = tpu.memref_slice %arg7[%dma_start3A_625] : memref<8x!tpu.dma_semaphore, #tpu.memory_space<semaphore_mem>> -> memref<1x!tpu.dma_semaphore, #tpu.memory_space<semaphore_mem>>
    %dma_start3A_636 = tpu.memref_squeeze %dma_start3A_635 : memref<1x!tpu.dma_semaphore, #tpu.memory_space<semaphore_mem>> -> memref<!tpu.dma_semaphore, #tpu.memory_space<semaphore_mem>>
    tpu.enqueue_indirect_dma source(%dma_start3A_634 : memref<1000000x64xf32, #tpu.memory_space<hbm>>) target(%dma_start3A_629 : memref<200x64xf32, #tpu.memory_space<vmem>>) offsets(%dma_start3A_631 : memref<200xi32, #tpu.memory_space<vmem>>) semaphore(%dma_start3A_636 : memref<!tpu.dma_semaphore, #tpu.memory_space<semaphore_mem>>)
    %dma_wait3A_637 = arith.constant 1 : i32
    %dma_wait3A_638 = arith.constant 1 : i32
    %dma_wait3A_639 = arith.constant 0 : i32
    %dma_wait3A_640 = arith.constant 0 : i32
    %dma_wait3A_641 = tpu.memref_slice %arg6[%dma_wait3A_637, %dma_wait3A_639, %dma_wait3A_640] : memref<8x200x64xf32, #tpu.memory_space<vmem>> -> memref<1x200x64xf32, #tpu.memory_space<vmem>>
    %dma_wait3A_642 = tpu.memref_squeeze %dma_wait3A_641 : memref<1x200x64xf32, #tpu.memory_space<vmem>> -> memref<200x64xf32, #tpu.memory_space<vmem>>
    %dma_wait3A_643 = arith.constant 0 : i32
    %dma_wait3A_644 = tpu.memref_slice %arg5[%dma_wait3A_643] : memref<25600xi32, #tpu.memory_space<vmem>> -> memref<200xi32, #tpu.memory_space<vmem>>
    %dma_wait3A_645 = arith.constant 0 : i32
    %dma_wait3A_646 = arith.constant 0 : i32
    %dma_wait3A_647 = tpu.memref_slice %arg2[%dma_wait3A_645, %dma_wait3A_646] : memref<1000000x64xf32, #tpu.memory_space<hbm>> -> memref<1000000x64xf32, #tpu.memory_space<hbm>>
    %dma_wait3A_648 = tpu.memref_slice %arg7[%dma_wait3A_638] : memref<8x!tpu.dma_semaphore, #tpu.memory_space<semaphore_mem>> -> memref<1x!tpu.dma_semaphore, #tpu.memory_space<semaphore_mem>>
    %dma_wait3A_649 = tpu.memref_squeeze %dma_wait3A_648 : memref<1x!tpu.dma_semaphore, #tpu.memory_space<semaphore_mem>> -> memref<!tpu.dma_semaphore, #tpu.memory_space<semaphore_mem>>
    tpu.wait_indirect_dma semaphore(%dma_wait3A_649 : memref<!tpu.dma_semaphore, #tpu.memory_space<semaphore_mem>>) src(%dma_wait3A_647 : memref<1000000x64xf32, #tpu.memory_space<hbm>>) dst(%dma_wait3A_642 : memref<200x64xf32, #tpu.memory_space<vmem>>)
    %add3A_650 = arith.constant 24200 : i32
    %add3A_651 = arith.addi %mul3A_2, %add3A_650 : i32
    %dma_start3A_652 = arith.constant 1 : i32
    %dma_start3A_653 = arith.constant 1 : i32
    %dma_start3A_654 = arith.constant 0 : i32
    %dma_start3A_655 = arith.constant 0 : i32
    %dma_start3A_656 = tpu.memref_slice %arg6[%dma_start3A_652, %dma_start3A_654, %dma_start3A_655] : memref<8x200x64xf32, #tpu.memory_space<vmem>> -> memref<1x200x64xf32, #tpu.memory_space<vmem>>
    %dma_start3A_657 = tpu.memref_squeeze %dma_start3A_656 : memref<1x200x64xf32, #tpu.memory_space<vmem>> -> memref<200x64xf32, #tpu.memory_space<vmem>>
    %dma_start3A_658 = arith.constant 0 : i32
    %dma_start3A_659 = tpu.memref_slice %arg4[%add3A_651, %dma_start3A_658] : memref<819200x128xf32, #tpu.memory_space<hbm>> -> memref<200x64xf32, #tpu.memory_space<hbm>>
    %dma_start3A_660 = tpu.memref_slice %arg8[%dma_start3A_653] : memref<8x!tpu.dma_semaphore, #tpu.memory_space<semaphore_mem>> -> memref<1x!tpu.dma_semaphore, #tpu.memory_space<semaphore_mem>>
    %dma_start3A_661 = tpu.memref_squeeze %dma_start3A_660 : memref<1x!tpu.dma_semaphore, #tpu.memory_space<semaphore_mem>> -> memref<!tpu.dma_semaphore, #tpu.memory_space<semaphore_mem>>
    %dma_start3A_662 = arith.constant 0 : i32
    %dma_start3A_663 = tpu.memref_slice %arg4[%add3A_651, %dma_start3A_662] : memref<819200x128xf32, #tpu.memory_space<hbm>> -> memref<200x64xf32, #tpu.memory_space<hbm>>
    %dma_start3A_664 = arith.constant 0 : i32
    %dma_start3A_665 = arith.constant 0 : i32
    %dma_start3A_666 = tpu.memref_slice %arg6[%dma_start3A_652, %dma_start3A_664, %dma_start3A_665] : memref<8x200x64xf32, #tpu.memory_space<vmem>> -> memref<1x200x64xf32, #tpu.memory_space<vmem>>
    %dma_start3A_667 = tpu.memref_squeeze %dma_start3A_666 : memref<1x200x64xf32, #tpu.memory_space<vmem>> -> memref<200x64xf32, #tpu.memory_space<vmem>>
    tpu.enqueue_dma source(%dma_start3A_667 : memref<200x64xf32, #tpu.memory_space<vmem>>) target(%dma_start3A_663 : memref<200x64xf32, #tpu.memory_space<hbm>>) target_semaphore(%dma_start3A_661 : memref<!tpu.dma_semaphore, #tpu.memory_space<semaphore_mem>>)
    %dma_wait3A_668 = arith.constant 2 : i32
    %dma_wait3A_669 = arith.constant 2 : i32
    %dma_wait3A_670 = arith.constant 0 : i32
    %dma_wait3A_671 = arith.constant 0 : i32
    %dma_wait3A_672 = tpu.memref_slice %arg6[%dma_wait3A_668, %dma_wait3A_670, %dma_wait3A_671] : memref<8x200x64xf32, #tpu.memory_space<vmem>> -> memref<1x200x64xf32, #tpu.memory_space<vmem>>
    %dma_wait3A_673 = tpu.memref_squeeze %dma_wait3A_672 : memref<1x200x64xf32, #tpu.memory_space<vmem>> -> memref<200x64xf32, #tpu.memory_space<vmem>>
    %dma_wait3A_674 = arith.constant 0 : i32
    %dma_wait3A_675 = tpu.memref_slice %arg5[%dma_wait3A_674] : memref<25600xi32, #tpu.memory_space<vmem>> -> memref<200xi32, #tpu.memory_space<vmem>>
    %dma_wait3A_676 = arith.constant 0 : i32
    %dma_wait3A_677 = arith.constant 0 : i32
    %dma_wait3A_678 = tpu.memref_slice %arg2[%dma_wait3A_676, %dma_wait3A_677] : memref<1000000x64xf32, #tpu.memory_space<hbm>> -> memref<1000000x64xf32, #tpu.memory_space<hbm>>
    %dma_wait3A_679 = tpu.memref_slice %arg7[%dma_wait3A_669] : memref<8x!tpu.dma_semaphore, #tpu.memory_space<semaphore_mem>> -> memref<1x!tpu.dma_semaphore, #tpu.memory_space<semaphore_mem>>
    %dma_wait3A_680 = tpu.memref_squeeze %dma_wait3A_679 : memref<1x!tpu.dma_semaphore, #tpu.memory_space<semaphore_mem>> -> memref<!tpu.dma_semaphore, #tpu.memory_space<semaphore_mem>>
    tpu.wait_indirect_dma semaphore(%dma_wait3A_680 : memref<!tpu.dma_semaphore, #tpu.memory_space<semaphore_mem>>) src(%dma_wait3A_678 : memref<1000000x64xf32, #tpu.memory_space<hbm>>) dst(%dma_wait3A_673 : memref<200x64xf32, #tpu.memory_space<vmem>>)
    %add3A_681 = arith.constant 24400 : i32
    %add3A_682 = arith.addi %mul3A_2, %add3A_681 : i32
    %dma_start3A_683 = arith.constant 2 : i32
    %dma_start3A_684 = arith.constant 2 : i32
    %dma_start3A_685 = arith.constant 0 : i32
    %dma_start3A_686 = arith.constant 0 : i32
    %dma_start3A_687 = tpu.memref_slice %arg6[%dma_start3A_683, %dma_start3A_685, %dma_start3A_686] : memref<8x200x64xf32, #tpu.memory_space<vmem>> -> memref<1x200x64xf32, #tpu.memory_space<vmem>>
    %dma_start3A_688 = tpu.memref_squeeze %dma_start3A_687 : memref<1x200x64xf32, #tpu.memory_space<vmem>> -> memref<200x64xf32, #tpu.memory_space<vmem>>
    %dma_start3A_689 = arith.constant 0 : i32
    %dma_start3A_690 = tpu.memref_slice %arg4[%add3A_682, %dma_start3A_689] : memref<819200x128xf32, #tpu.memory_space<hbm>> -> memref<200x64xf32, #tpu.memory_space<hbm>>
    %dma_start3A_691 = tpu.memref_slice %arg8[%dma_start3A_684] : memref<8x!tpu.dma_semaphore, #tpu.memory_space<semaphore_mem>> -> memref<1x!tpu.dma_semaphore, #tpu.memory_space<semaphore_mem>>
    %dma_start3A_692 = tpu.memref_squeeze %dma_start3A_691 : memref<1x!tpu.dma_semaphore, #tpu.memory_space<semaphore_mem>> -> memref<!tpu.dma_semaphore, #tpu.memory_space<semaphore_mem>>
    %dma_start3A_693 = arith.constant 0 : i32
    %dma_start3A_694 = tpu.memref_slice %arg4[%add3A_682, %dma_start3A_693] : memref<819200x128xf32, #tpu.memory_space<hbm>> -> memref<200x64xf32, #tpu.memory_space<hbm>>
    %dma_start3A_695 = arith.constant 0 : i32
    %dma_start3A_696 = arith.constant 0 : i32
    %dma_start3A_697 = tpu.memref_slice %arg6[%dma_start3A_683, %dma_start3A_695, %dma_start3A_696] : memref<8x200x64xf32, #tpu.memory_space<vmem>> -> memref<1x200x64xf32, #tpu.memory_space<vmem>>
    %dma_start3A_698 = tpu.memref_squeeze %dma_start3A_697 : memref<1x200x64xf32, #tpu.memory_space<vmem>> -> memref<200x64xf32, #tpu.memory_space<vmem>>
    tpu.enqueue_dma source(%dma_start3A_698 : memref<200x64xf32, #tpu.memory_space<vmem>>) target(%dma_start3A_694 : memref<200x64xf32, #tpu.memory_space<hbm>>) target_semaphore(%dma_start3A_692 : memref<!tpu.dma_semaphore, #tpu.memory_space<semaphore_mem>>)
    %dma_wait3A_699 = arith.constant 3 : i32
    %dma_wait3A_700 = arith.constant 3 : i32
    %dma_wait3A_701 = arith.constant 0 : i32
    %dma_wait3A_702 = arith.constant 0 : i32
    %dma_wait3A_703 = tpu.memref_slice %arg6[%dma_wait3A_699, %dma_wait3A_701, %dma_wait3A_702] : memref<8x200x64xf32, #tpu.memory_space<vmem>> -> memref<1x200x64xf32, #tpu.memory_space<vmem>>
    %dma_wait3A_704 = tpu.memref_squeeze %dma_wait3A_703 : memref<1x200x64xf32, #tpu.memory_space<vmem>> -> memref<200x64xf32, #tpu.memory_space<vmem>>
    %dma_wait3A_705 = arith.constant 0 : i32
    %dma_wait3A_706 = tpu.memref_slice %arg5[%dma_wait3A_705] : memref<25600xi32, #tpu.memory_space<vmem>> -> memref<200xi32, #tpu.memory_space<vmem>>
    %dma_wait3A_707 = arith.constant 0 : i32
    %dma_wait3A_708 = arith.constant 0 : i32
    %dma_wait3A_709 = tpu.memref_slice %arg2[%dma_wait3A_707, %dma_wait3A_708] : memref<1000000x64xf32, #tpu.memory_space<hbm>> -> memref<1000000x64xf32, #tpu.memory_space<hbm>>
    %dma_wait3A_710 = tpu.memref_slice %arg7[%dma_wait3A_700] : memref<8x!tpu.dma_semaphore, #tpu.memory_space<semaphore_mem>> -> memref<1x!tpu.dma_semaphore, #tpu.memory_space<semaphore_mem>>
    %dma_wait3A_711 = tpu.memref_squeeze %dma_wait3A_710 : memref<1x!tpu.dma_semaphore, #tpu.memory_space<semaphore_mem>> -> memref<!tpu.dma_semaphore, #tpu.memory_space<semaphore_mem>>
    tpu.wait_indirect_dma semaphore(%dma_wait3A_711 : memref<!tpu.dma_semaphore, #tpu.memory_space<semaphore_mem>>) src(%dma_wait3A_709 : memref<1000000x64xf32, #tpu.memory_space<hbm>>) dst(%dma_wait3A_704 : memref<200x64xf32, #tpu.memory_space<vmem>>)
    %add3A_712 = arith.constant 24600 : i32
    %add3A_713 = arith.addi %mul3A_2, %add3A_712 : i32
    %dma_start3A_714 = arith.constant 3 : i32
    %dma_start3A_715 = arith.constant 3 : i32
    %dma_start3A_716 = arith.constant 0 : i32
    %dma_start3A_717 = arith.constant 0 : i32
    %dma_start3A_718 = tpu.memref_slice %arg6[%dma_start3A_714, %dma_start3A_716, %dma_start3A_717] : memref<8x200x64xf32, #tpu.memory_space<vmem>> -> memref<1x200x64xf32, #tpu.memory_space<vmem>>
    %dma_start3A_719 = tpu.memref_squeeze %dma_start3A_718 : memref<1x200x64xf32, #tpu.memory_space<vmem>> -> memref<200x64xf32, #tpu.memory_space<vmem>>
    %dma_start3A_720 = arith.constant 0 : i32
    %dma_start3A_721 = tpu.memref_slice %arg4[%add3A_713, %dma_start3A_720] : memref<819200x128xf32, #tpu.memory_space<hbm>> -> memref<200x64xf32, #tpu.memory_space<hbm>>
    %dma_start3A_722 = tpu.memref_slice %arg8[%dma_start3A_715] : memref<8x!tpu.dma_semaphore, #tpu.memory_space<semaphore_mem>> -> memref<1x!tpu.dma_semaphore, #tpu.memory_space<semaphore_mem>>
    %dma_start3A_723 = tpu.memref_squeeze %dma_start3A_722 : memref<1x!tpu.dma_semaphore, #tpu.memory_space<semaphore_mem>> -> memref<!tpu.dma_semaphore, #tpu.memory_space<semaphore_mem>>
    %dma_start3A_724 = arith.constant 0 : i32
    %dma_start3A_725 = tpu.memref_slice %arg4[%add3A_713, %dma_start3A_724] : memref<819200x128xf32, #tpu.memory_space<hbm>> -> memref<200x64xf32, #tpu.memory_space<hbm>>
    %dma_start3A_726 = arith.constant 0 : i32
    %dma_start3A_727 = arith.constant 0 : i32
    %dma_start3A_728 = tpu.memref_slice %arg6[%dma_start3A_714, %dma_start3A_726, %dma_start3A_727] : memref<8x200x64xf32, #tpu.memory_space<vmem>> -> memref<1x200x64xf32, #tpu.memory_space<vmem>>
    %dma_start3A_729 = tpu.memref_squeeze %dma_start3A_728 : memref<1x200x64xf32, #tpu.memory_space<vmem>> -> memref<200x64xf32, #tpu.memory_space<vmem>>
    tpu.enqueue_dma source(%dma_start3A_729 : memref<200x64xf32, #tpu.memory_space<vmem>>) target(%dma_start3A_725 : memref<200x64xf32, #tpu.memory_space<hbm>>) target_semaphore(%dma_start3A_723 : memref<!tpu.dma_semaphore, #tpu.memory_space<semaphore_mem>>)
    %dma_wait3A_730 = arith.constant 4 : i32
    %dma_wait3A_731 = arith.constant 4 : i32
    %dma_wait3A_732 = arith.constant 0 : i32
    %dma_wait3A_733 = arith.constant 0 : i32
    %dma_wait3A_734 = tpu.memref_slice %arg6[%dma_wait3A_730, %dma_wait3A_732, %dma_wait3A_733] : memref<8x200x64xf32, #tpu.memory_space<vmem>> -> memref<1x200x64xf32, #tpu.memory_space<vmem>>
    %dma_wait3A_735 = tpu.memref_squeeze %dma_wait3A_734 : memref<1x200x64xf32, #tpu.memory_space<vmem>> -> memref<200x64xf32, #tpu.memory_space<vmem>>
    %dma_wait3A_736 = arith.constant 0 : i32
    %dma_wait3A_737 = tpu.memref_slice %arg5[%dma_wait3A_736] : memref<25600xi32, #tpu.memory_space<vmem>> -> memref<200xi32, #tpu.memory_space<vmem>>
    %dma_wait3A_738 = arith.constant 0 : i32
    %dma_wait3A_739 = arith.constant 0 : i32
    %dma_wait3A_740 = tpu.memref_slice %arg2[%dma_wait3A_738, %dma_wait3A_739] : memref<1000000x64xf32, #tpu.memory_space<hbm>> -> memref<1000000x64xf32, #tpu.memory_space<hbm>>
    %dma_wait3A_741 = tpu.memref_slice %arg7[%dma_wait3A_731] : memref<8x!tpu.dma_semaphore, #tpu.memory_space<semaphore_mem>> -> memref<1x!tpu.dma_semaphore, #tpu.memory_space<semaphore_mem>>
    %dma_wait3A_742 = tpu.memref_squeeze %dma_wait3A_741 : memref<1x!tpu.dma_semaphore, #tpu.memory_space<semaphore_mem>> -> memref<!tpu.dma_semaphore, #tpu.memory_space<semaphore_mem>>
    tpu.wait_indirect_dma semaphore(%dma_wait3A_742 : memref<!tpu.dma_semaphore, #tpu.memory_space<semaphore_mem>>) src(%dma_wait3A_740 : memref<1000000x64xf32, #tpu.memory_space<hbm>>) dst(%dma_wait3A_735 : memref<200x64xf32, #tpu.memory_space<vmem>>)
    %add3A_743 = arith.constant 24800 : i32
    %add3A_744 = arith.addi %mul3A_2, %add3A_743 : i32
    %dma_start3A_745 = arith.constant 4 : i32
    %dma_start3A_746 = arith.constant 4 : i32
    %dma_start3A_747 = arith.constant 0 : i32
    %dma_start3A_748 = arith.constant 0 : i32
    %dma_start3A_749 = tpu.memref_slice %arg6[%dma_start3A_745, %dma_start3A_747, %dma_start3A_748] : memref<8x200x64xf32, #tpu.memory_space<vmem>> -> memref<1x200x64xf32, #tpu.memory_space<vmem>>
    %dma_start3A_750 = tpu.memref_squeeze %dma_start3A_749 : memref<1x200x64xf32, #tpu.memory_space<vmem>> -> memref<200x64xf32, #tpu.memory_space<vmem>>
    %dma_start3A_751 = arith.constant 0 : i32
    %dma_start3A_752 = tpu.memref_slice %arg4[%add3A_744, %dma_start3A_751] : memref<819200x128xf32, #tpu.memory_space<hbm>> -> memref<200x64xf32, #tpu.memory_space<hbm>>
    %dma_start3A_753 = tpu.memref_slice %arg8[%dma_start3A_746] : memref<8x!tpu.dma_semaphore, #tpu.memory_space<semaphore_mem>> -> memref<1x!tpu.dma_semaphore, #tpu.memory_space<semaphore_mem>>
    %dma_start3A_754 = tpu.memref_squeeze %dma_start3A_753 : memref<1x!tpu.dma_semaphore, #tpu.memory_space<semaphore_mem>> -> memref<!tpu.dma_semaphore, #tpu.memory_space<semaphore_mem>>
    %dma_start3A_755 = arith.constant 0 : i32
    %dma_start3A_756 = tpu.memref_slice %arg4[%add3A_744, %dma_start3A_755] : memref<819200x128xf32, #tpu.memory_space<hbm>> -> memref<200x64xf32, #tpu.memory_space<hbm>>
    %dma_start3A_757 = arith.constant 0 : i32
    %dma_start3A_758 = arith.constant 0 : i32
    %dma_start3A_759 = tpu.memref_slice %arg6[%dma_start3A_745, %dma_start3A_757, %dma_start3A_758] : memref<8x200x64xf32, #tpu.memory_space<vmem>> -> memref<1x200x64xf32, #tpu.memory_space<vmem>>
    %dma_start3A_760 = tpu.memref_squeeze %dma_start3A_759 : memref<1x200x64xf32, #tpu.memory_space<vmem>> -> memref<200x64xf32, #tpu.memory_space<vmem>>
    tpu.enqueue_dma source(%dma_start3A_760 : memref<200x64xf32, #tpu.memory_space<vmem>>) target(%dma_start3A_756 : memref<200x64xf32, #tpu.memory_space<hbm>>) target_semaphore(%dma_start3A_754 : memref<!tpu.dma_semaphore, #tpu.memory_space<semaphore_mem>>)
    %dma_wait3A_761 = arith.constant 5 : i32
    %dma_wait3A_762 = arith.constant 5 : i32
    %dma_wait3A_763 = arith.constant 0 : i32
    %dma_wait3A_764 = arith.constant 0 : i32
    %dma_wait3A_765 = tpu.memref_slice %arg6[%dma_wait3A_761, %dma_wait3A_763, %dma_wait3A_764] : memref<8x200x64xf32, #tpu.memory_space<vmem>> -> memref<1x200x64xf32, #tpu.memory_space<vmem>>
    %dma_wait3A_766 = tpu.memref_squeeze %dma_wait3A_765 : memref<1x200x64xf32, #tpu.memory_space<vmem>> -> memref<200x64xf32, #tpu.memory_space<vmem>>
    %dma_wait3A_767 = arith.constant 0 : i32
    %dma_wait3A_768 = tpu.memref_slice %arg5[%dma_wait3A_767] : memref<25600xi32, #tpu.memory_space<vmem>> -> memref<200xi32, #tpu.memory_space<vmem>>
    %dma_wait3A_769 = arith.constant 0 : i32
    %dma_wait3A_770 = arith.constant 0 : i32
    %dma_wait3A_771 = tpu.memref_slice %arg2[%dma_wait3A_769, %dma_wait3A_770] : memref<1000000x64xf32, #tpu.memory_space<hbm>> -> memref<1000000x64xf32, #tpu.memory_space<hbm>>
    %dma_wait3A_772 = tpu.memref_slice %arg7[%dma_wait3A_762] : memref<8x!tpu.dma_semaphore, #tpu.memory_space<semaphore_mem>> -> memref<1x!tpu.dma_semaphore, #tpu.memory_space<semaphore_mem>>
    %dma_wait3A_773 = tpu.memref_squeeze %dma_wait3A_772 : memref<1x!tpu.dma_semaphore, #tpu.memory_space<semaphore_mem>> -> memref<!tpu.dma_semaphore, #tpu.memory_space<semaphore_mem>>
    tpu.wait_indirect_dma semaphore(%dma_wait3A_773 : memref<!tpu.dma_semaphore, #tpu.memory_space<semaphore_mem>>) src(%dma_wait3A_771 : memref<1000000x64xf32, #tpu.memory_space<hbm>>) dst(%dma_wait3A_766 : memref<200x64xf32, #tpu.memory_space<vmem>>)
    %add3A_774 = arith.constant 25000 : i32
    %add3A_775 = arith.addi %mul3A_2, %add3A_774 : i32
    %dma_start3A_776 = arith.constant 5 : i32
    %dma_start3A_777 = arith.constant 5 : i32
    %dma_start3A_778 = arith.constant 0 : i32
    %dma_start3A_779 = arith.constant 0 : i32
    %dma_start3A_780 = tpu.memref_slice %arg6[%dma_start3A_776, %dma_start3A_778, %dma_start3A_779] : memref<8x200x64xf32, #tpu.memory_space<vmem>> -> memref<1x200x64xf32, #tpu.memory_space<vmem>>
    %dma_start3A_781 = tpu.memref_squeeze %dma_start3A_780 : memref<1x200x64xf32, #tpu.memory_space<vmem>> -> memref<200x64xf32, #tpu.memory_space<vmem>>
    %dma_start3A_782 = arith.constant 0 : i32
    %dma_start3A_783 = tpu.memref_slice %arg4[%add3A_775, %dma_start3A_782] : memref<819200x128xf32, #tpu.memory_space<hbm>> -> memref<200x64xf32, #tpu.memory_space<hbm>>
    %dma_start3A_784 = tpu.memref_slice %arg8[%dma_start3A_777] : memref<8x!tpu.dma_semaphore, #tpu.memory_space<semaphore_mem>> -> memref<1x!tpu.dma_semaphore, #tpu.memory_space<semaphore_mem>>
    %dma_start3A_785 = tpu.memref_squeeze %dma_start3A_784 : memref<1x!tpu.dma_semaphore, #tpu.memory_space<semaphore_mem>> -> memref<!tpu.dma_semaphore, #tpu.memory_space<semaphore_mem>>
    %dma_start3A_786 = arith.constant 0 : i32
    %dma_start3A_787 = tpu.memref_slice %arg4[%add3A_775, %dma_start3A_786] : memref<819200x128xf32, #tpu.memory_space<hbm>> -> memref<200x64xf32, #tpu.memory_space<hbm>>
    %dma_start3A_788 = arith.constant 0 : i32
    %dma_start3A_789 = arith.constant 0 : i32
    %dma_start3A_790 = tpu.memref_slice %arg6[%dma_start3A_776, %dma_start3A_788, %dma_start3A_789] : memref<8x200x64xf32, #tpu.memory_space<vmem>> -> memref<1x200x64xf32, #tpu.memory_space<vmem>>
    %dma_start3A_791 = tpu.memref_squeeze %dma_start3A_790 : memref<1x200x64xf32, #tpu.memory_space<vmem>> -> memref<200x64xf32, #tpu.memory_space<vmem>>
    tpu.enqueue_dma source(%dma_start3A_791 : memref<200x64xf32, #tpu.memory_space<vmem>>) target(%dma_start3A_787 : memref<200x64xf32, #tpu.memory_space<hbm>>) target_semaphore(%dma_start3A_785 : memref<!tpu.dma_semaphore, #tpu.memory_space<semaphore_mem>>)
    %dma_wait3A_792 = arith.constant 6 : i32
    %dma_wait3A_793 = arith.constant 6 : i32
    %dma_wait3A_794 = arith.constant 0 : i32
    %dma_wait3A_795 = arith.constant 0 : i32
    %dma_wait3A_796 = tpu.memref_slice %arg6[%dma_wait3A_792, %dma_wait3A_794, %dma_wait3A_795] : memref<8x200x64xf32, #tpu.memory_space<vmem>> -> memref<1x200x64xf32, #tpu.memory_space<vmem>>
    %dma_wait3A_797 = tpu.memref_squeeze %dma_wait3A_796 : memref<1x200x64xf32, #tpu.memory_space<vmem>> -> memref<200x64xf32, #tpu.memory_space<vmem>>
    %dma_wait3A_798 = arith.constant 0 : i32
    %dma_wait3A_799 = tpu.memref_slice %arg5[%dma_wait3A_798] : memref<25600xi32, #tpu.memory_space<vmem>> -> memref<200xi32, #tpu.memory_space<vmem>>
    %dma_wait3A_800 = arith.constant 0 : i32
    %dma_wait3A_801 = arith.constant 0 : i32
    %dma_wait3A_802 = tpu.memref_slice %arg2[%dma_wait3A_800, %dma_wait3A_801] : memref<1000000x64xf32, #tpu.memory_space<hbm>> -> memref<1000000x64xf32, #tpu.memory_space<hbm>>
    %dma_wait3A_803 = tpu.memref_slice %arg7[%dma_wait3A_793] : memref<8x!tpu.dma_semaphore, #tpu.memory_space<semaphore_mem>> -> memref<1x!tpu.dma_semaphore, #tpu.memory_space<semaphore_mem>>
    %dma_wait3A_804 = tpu.memref_squeeze %dma_wait3A_803 : memref<1x!tpu.dma_semaphore, #tpu.memory_space<semaphore_mem>> -> memref<!tpu.dma_semaphore, #tpu.memory_space<semaphore_mem>>
    tpu.wait_indirect_dma semaphore(%dma_wait3A_804 : memref<!tpu.dma_semaphore, #tpu.memory_space<semaphore_mem>>) src(%dma_wait3A_802 : memref<1000000x64xf32, #tpu.memory_space<hbm>>) dst(%dma_wait3A_797 : memref<200x64xf32, #tpu.memory_space<vmem>>)
    %add3A_805 = arith.constant 25200 : i32
    %add3A_806 = arith.addi %mul3A_2, %add3A_805 : i32
    %dma_start3A_807 = arith.constant 6 : i32
    %dma_start3A_808 = arith.constant 6 : i32
    %dma_start3A_809 = arith.constant 0 : i32
    %dma_start3A_810 = arith.constant 0 : i32
    %dma_start3A_811 = tpu.memref_slice %arg6[%dma_start3A_807, %dma_start3A_809, %dma_start3A_810] : memref<8x200x64xf32, #tpu.memory_space<vmem>> -> memref<1x200x64xf32, #tpu.memory_space<vmem>>
    %dma_start3A_812 = tpu.memref_squeeze %dma_start3A_811 : memref<1x200x64xf32, #tpu.memory_space<vmem>> -> memref<200x64xf32, #tpu.memory_space<vmem>>
    %dma_start3A_813 = arith.constant 0 : i32
    %dma_start3A_814 = tpu.memref_slice %arg4[%add3A_806, %dma_start3A_813] : memref<819200x128xf32, #tpu.memory_space<hbm>> -> memref<200x64xf32, #tpu.memory_space<hbm>>
    %dma_start3A_815 = tpu.memref_slice %arg8[%dma_start3A_808] : memref<8x!tpu.dma_semaphore, #tpu.memory_space<semaphore_mem>> -> memref<1x!tpu.dma_semaphore, #tpu.memory_space<semaphore_mem>>
    %dma_start3A_816 = tpu.memref_squeeze %dma_start3A_815 : memref<1x!tpu.dma_semaphore, #tpu.memory_space<semaphore_mem>> -> memref<!tpu.dma_semaphore, #tpu.memory_space<semaphore_mem>>
    %dma_start3A_817 = arith.constant 0 : i32
    %dma_start3A_818 = tpu.memref_slice %arg4[%add3A_806, %dma_start3A_817] : memref<819200x128xf32, #tpu.memory_space<hbm>> -> memref<200x64xf32, #tpu.memory_space<hbm>>
    %dma_start3A_819 = arith.constant 0 : i32
    %dma_start3A_820 = arith.constant 0 : i32
    %dma_start3A_821 = tpu.memref_slice %arg6[%dma_start3A_807, %dma_start3A_819, %dma_start3A_820] : memref<8x200x64xf32, #tpu.memory_space<vmem>> -> memref<1x200x64xf32, #tpu.memory_space<vmem>>
    %dma_start3A_822 = tpu.memref_squeeze %dma_start3A_821 : memref<1x200x64xf32, #tpu.memory_space<vmem>> -> memref<200x64xf32, #tpu.memory_space<vmem>>
    tpu.enqueue_dma source(%dma_start3A_822 : memref<200x64xf32, #tpu.memory_space<vmem>>) target(%dma_start3A_818 : memref<200x64xf32, #tpu.memory_space<hbm>>) target_semaphore(%dma_start3A_816 : memref<!tpu.dma_semaphore, #tpu.memory_space<semaphore_mem>>)
    %dma_wait3A_823 = arith.constant 7 : i32
    %dma_wait3A_824 = arith.constant 7 : i32
    %dma_wait3A_825 = arith.constant 0 : i32
    %dma_wait3A_826 = arith.constant 0 : i32
    %dma_wait3A_827 = tpu.memref_slice %arg6[%dma_wait3A_823, %dma_wait3A_825, %dma_wait3A_826] : memref<8x200x64xf32, #tpu.memory_space<vmem>> -> memref<1x200x64xf32, #tpu.memory_space<vmem>>
    %dma_wait3A_828 = tpu.memref_squeeze %dma_wait3A_827 : memref<1x200x64xf32, #tpu.memory_space<vmem>> -> memref<200x64xf32, #tpu.memory_space<vmem>>
    %dma_wait3A_829 = arith.constant 0 : i32
    %dma_wait3A_830 = tpu.memref_slice %arg5[%dma_wait3A_829] : memref<25600xi32, #tpu.memory_space<vmem>> -> memref<200xi32, #tpu.memory_space<vmem>>
    %dma_wait3A_831 = arith.constant 0 : i32
    %dma_wait3A_832 = arith.constant 0 : i32
    %dma_wait3A_833 = tpu.memref_slice %arg2[%dma_wait3A_831, %dma_wait3A_832] : memref<1000000x64xf32, #tpu.memory_space<hbm>> -> memref<1000000x64xf32, #tpu.memory_space<hbm>>
    %dma_wait3A_834 = tpu.memref_slice %arg7[%dma_wait3A_824] : memref<8x!tpu.dma_semaphore, #tpu.memory_space<semaphore_mem>> -> memref<1x!tpu.dma_semaphore, #tpu.memory_space<semaphore_mem>>
    %dma_wait3A_835 = tpu.memref_squeeze %dma_wait3A_834 : memref<1x!tpu.dma_semaphore, #tpu.memory_space<semaphore_mem>> -> memref<!tpu.dma_semaphore, #tpu.memory_space<semaphore_mem>>
    tpu.wait_indirect_dma semaphore(%dma_wait3A_835 : memref<!tpu.dma_semaphore, #tpu.memory_space<semaphore_mem>>) src(%dma_wait3A_833 : memref<1000000x64xf32, #tpu.memory_space<hbm>>) dst(%dma_wait3A_828 : memref<200x64xf32, #tpu.memory_space<vmem>>)
    %add3A_836 = arith.constant 25400 : i32
    %add3A_837 = arith.addi %mul3A_2, %add3A_836 : i32
    %dma_start3A_838 = arith.constant 7 : i32
    %dma_start3A_839 = arith.constant 7 : i32
    %dma_start3A_840 = arith.constant 0 : i32
    %dma_start3A_841 = arith.constant 0 : i32
    %dma_start3A_842 = tpu.memref_slice %arg6[%dma_start3A_838, %dma_start3A_840, %dma_start3A_841] : memref<8x200x64xf32, #tpu.memory_space<vmem>> -> memref<1x200x64xf32, #tpu.memory_space<vmem>>
    %dma_start3A_843 = tpu.memref_squeeze %dma_start3A_842 : memref<1x200x64xf32, #tpu.memory_space<vmem>> -> memref<200x64xf32, #tpu.memory_space<vmem>>
    %dma_start3A_844 = arith.constant 0 : i32
    %dma_start3A_845 = tpu.memref_slice %arg4[%add3A_837, %dma_start3A_844] : memref<819200x128xf32, #tpu.memory_space<hbm>> -> memref<200x64xf32, #tpu.memory_space<hbm>>
    %dma_start3A_846 = tpu.memref_slice %arg8[%dma_start3A_839] : memref<8x!tpu.dma_semaphore, #tpu.memory_space<semaphore_mem>> -> memref<1x!tpu.dma_semaphore, #tpu.memory_space<semaphore_mem>>
    %dma_start3A_847 = tpu.memref_squeeze %dma_start3A_846 : memref<1x!tpu.dma_semaphore, #tpu.memory_space<semaphore_mem>> -> memref<!tpu.dma_semaphore, #tpu.memory_space<semaphore_mem>>
    %dma_start3A_848 = arith.constant 0 : i32
    %dma_start3A_849 = tpu.memref_slice %arg4[%add3A_837, %dma_start3A_848] : memref<819200x128xf32, #tpu.memory_space<hbm>> -> memref<200x64xf32, #tpu.memory_space<hbm>>
    %dma_start3A_850 = arith.constant 0 : i32
    %dma_start3A_851 = arith.constant 0 : i32
    %dma_start3A_852 = tpu.memref_slice %arg6[%dma_start3A_838, %dma_start3A_850, %dma_start3A_851] : memref<8x200x64xf32, #tpu.memory_space<vmem>> -> memref<1x200x64xf32, #tpu.memory_space<vmem>>
    %dma_start3A_853 = tpu.memref_squeeze %dma_start3A_852 : memref<1x200x64xf32, #tpu.memory_space<vmem>> -> memref<200x64xf32, #tpu.memory_space<vmem>>
    tpu.enqueue_dma source(%dma_start3A_853 : memref<200x64xf32, #tpu.memory_space<vmem>>) target(%dma_start3A_849 : memref<200x64xf32, #tpu.memory_space<hbm>>) target_semaphore(%dma_start3A_847 : memref<!tpu.dma_semaphore, #tpu.memory_space<semaphore_mem>>)
    %dma_wait3A_854 = arith.constant 0 : i32
    %dma_wait3A_855 = arith.constant 0 : i32
    %dma_wait3A_856 = arith.constant 0 : i32
    %dma_wait3A_857 = arith.constant 0 : i32
    %dma_wait3A_858 = tpu.memref_slice %arg6[%dma_wait3A_854, %dma_wait3A_856, %dma_wait3A_857] : memref<8x200x64xf32, #tpu.memory_space<vmem>> -> memref<1x200x64xf32, #tpu.memory_space<vmem>>
    %dma_wait3A_859 = tpu.memref_squeeze %dma_wait3A_858 : memref<1x200x64xf32, #tpu.memory_space<vmem>> -> memref<200x64xf32, #tpu.memory_space<vmem>>
    %dma_wait3A_860 = arith.constant 0 : i32
    %dma_wait3A_861 = arith.constant 0 : i32
    %dma_wait3A_862 = tpu.memref_slice %arg4[%dma_wait3A_860, %dma_wait3A_861] : memref<819200x128xf32, #tpu.memory_space<hbm>> -> memref<200x64xf32, #tpu.memory_space<hbm>>
    %dma_wait3A_863 = tpu.memref_slice %arg8[%dma_wait3A_855] : memref<8x!tpu.dma_semaphore, #tpu.memory_space<semaphore_mem>> -> memref<1x!tpu.dma_semaphore, #tpu.memory_space<semaphore_mem>>
    %dma_wait3A_864 = tpu.memref_squeeze %dma_wait3A_863 : memref<1x!tpu.dma_semaphore, #tpu.memory_space<semaphore_mem>> -> memref<!tpu.dma_semaphore, #tpu.memory_space<semaphore_mem>>
    %dma_wait3A_865 = arith.constant 0 : i32
    %dma_wait3A_866 = arith.constant 0 : i32
    %dma_wait3A_867 = tpu.memref_slice %arg4[%dma_wait3A_865, %dma_wait3A_866] : memref<819200x128xf32, #tpu.memory_space<hbm>> -> memref<200x64xf32, #tpu.memory_space<hbm>>
    %dma_wait3A_868 = arith.constant 0 : i32
    %dma_wait3A_869 = arith.constant 0 : i32
    %dma_wait3A_870 = tpu.memref_slice %arg6[%dma_wait3A_854, %dma_wait3A_868, %dma_wait3A_869] : memref<8x200x64xf32, #tpu.memory_space<vmem>> -> memref<1x200x64xf32, #tpu.memory_space<vmem>>
    %dma_wait3A_871 = tpu.memref_squeeze %dma_wait3A_870 : memref<1x200x64xf32, #tpu.memory_space<vmem>> -> memref<200x64xf32, #tpu.memory_space<vmem>>
    tpu.wait_dma2 semaphore(%dma_wait3A_864 : memref<!tpu.dma_semaphore, #tpu.memory_space<semaphore_mem>>) src(%dma_wait3A_871 : memref<200x64xf32, #tpu.memory_space<vmem>>) dst(%dma_wait3A_867 : memref<200x64xf32, #tpu.memory_space<hbm>>)
    %dma_wait3A_872 = arith.constant 1 : i32
    %dma_wait3A_873 = arith.constant 1 : i32
    %dma_wait3A_874 = arith.constant 0 : i32
    %dma_wait3A_875 = arith.constant 0 : i32
    %dma_wait3A_876 = tpu.memref_slice %arg6[%dma_wait3A_872, %dma_wait3A_874, %dma_wait3A_875] : memref<8x200x64xf32, #tpu.memory_space<vmem>> -> memref<1x200x64xf32, #tpu.memory_space<vmem>>
    %dma_wait3A_877 = tpu.memref_squeeze %dma_wait3A_876 : memref<1x200x64xf32, #tpu.memory_space<vmem>> -> memref<200x64xf32, #tpu.memory_space<vmem>>
    %dma_wait3A_878 = arith.constant 0 : i32
    %dma_wait3A_879 = arith.constant 0 : i32
    %dma_wait3A_880 = tpu.memref_slice %arg4[%dma_wait3A_878, %dma_wait3A_879] : memref<819200x128xf32, #tpu.memory_space<hbm>> -> memref<200x64xf32, #tpu.memory_space<hbm>>
    %dma_wait3A_881 = tpu.memref_slice %arg8[%dma_wait3A_873] : memref<8x!tpu.dma_semaphore, #tpu.memory_space<semaphore_mem>> -> memref<1x!tpu.dma_semaphore, #tpu.memory_space<semaphore_mem>>
    %dma_wait3A_882 = tpu.memref_squeeze %dma_wait3A_881 : memref<1x!tpu.dma_semaphore, #tpu.memory_space<semaphore_mem>> -> memref<!tpu.dma_semaphore, #tpu.memory_space<semaphore_mem>>
    %dma_wait3A_883 = arith.constant 0 : i32
    %dma_wait3A_884 = arith.constant 0 : i32
    %dma_wait3A_885 = tpu.memref_slice %arg4[%dma_wait3A_883, %dma_wait3A_884] : memref<819200x128xf32, #tpu.memory_space<hbm>> -> memref<200x64xf32, #tpu.memory_space<hbm>>
    %dma_wait3A_886 = arith.constant 0 : i32
    %dma_wait3A_887 = arith.constant 0 : i32
    %dma_wait3A_888 = tpu.memref_slice %arg6[%dma_wait3A_872, %dma_wait3A_886, %dma_wait3A_887] : memref<8x200x64xf32, #tpu.memory_space<vmem>> -> memref<1x200x64xf32, #tpu.memory_space<vmem>>
    %dma_wait3A_889 = tpu.memref_squeeze %dma_wait3A_888 : memref<1x200x64xf32, #tpu.memory_space<vmem>> -> memref<200x64xf32, #tpu.memory_space<vmem>>
    tpu.wait_dma2 semaphore(%dma_wait3A_882 : memref<!tpu.dma_semaphore, #tpu.memory_space<semaphore_mem>>) src(%dma_wait3A_889 : memref<200x64xf32, #tpu.memory_space<vmem>>) dst(%dma_wait3A_885 : memref<200x64xf32, #tpu.memory_space<hbm>>)
    %dma_wait3A_890 = arith.constant 2 : i32
    %dma_wait3A_891 = arith.constant 2 : i32
    %dma_wait3A_892 = arith.constant 0 : i32
    %dma_wait3A_893 = arith.constant 0 : i32
    %dma_wait3A_894 = tpu.memref_slice %arg6[%dma_wait3A_890, %dma_wait3A_892, %dma_wait3A_893] : memref<8x200x64xf32, #tpu.memory_space<vmem>> -> memref<1x200x64xf32, #tpu.memory_space<vmem>>
    %dma_wait3A_895 = tpu.memref_squeeze %dma_wait3A_894 : memref<1x200x64xf32, #tpu.memory_space<vmem>> -> memref<200x64xf32, #tpu.memory_space<vmem>>
    %dma_wait3A_896 = arith.constant 0 : i32
    %dma_wait3A_897 = arith.constant 0 : i32
    %dma_wait3A_898 = tpu.memref_slice %arg4[%dma_wait3A_896, %dma_wait3A_897] : memref<819200x128xf32, #tpu.memory_space<hbm>> -> memref<200x64xf32, #tpu.memory_space<hbm>>
    %dma_wait3A_899 = tpu.memref_slice %arg8[%dma_wait3A_891] : memref<8x!tpu.dma_semaphore, #tpu.memory_space<semaphore_mem>> -> memref<1x!tpu.dma_semaphore, #tpu.memory_space<semaphore_mem>>
    %dma_wait3A_900 = tpu.memref_squeeze %dma_wait3A_899 : memref<1x!tpu.dma_semaphore, #tpu.memory_space<semaphore_mem>> -> memref<!tpu.dma_semaphore, #tpu.memory_space<semaphore_mem>>
    %dma_wait3A_901 = arith.constant 0 : i32
    %dma_wait3A_902 = arith.constant 0 : i32
    %dma_wait3A_903 = tpu.memref_slice %arg4[%dma_wait3A_901, %dma_wait3A_902] : memref<819200x128xf32, #tpu.memory_space<hbm>> -> memref<200x64xf32, #tpu.memory_space<hbm>>
    %dma_wait3A_904 = arith.constant 0 : i32
    %dma_wait3A_905 = arith.constant 0 : i32
    %dma_wait3A_906 = tpu.memref_slice %arg6[%dma_wait3A_890, %dma_wait3A_904, %dma_wait3A_905] : memref<8x200x64xf32, #tpu.memory_space<vmem>> -> memref<1x200x64xf32, #tpu.memory_space<vmem>>
    %dma_wait3A_907 = tpu.memref_squeeze %dma_wait3A_906 : memref<1x200x64xf32, #tpu.memory_space<vmem>> -> memref<200x64xf32, #tpu.memory_space<vmem>>
    tpu.wait_dma2 semaphore(%dma_wait3A_900 : memref<!tpu.dma_semaphore, #tpu.memory_space<semaphore_mem>>) src(%dma_wait3A_907 : memref<200x64xf32, #tpu.memory_space<vmem>>) dst(%dma_wait3A_903 : memref<200x64xf32, #tpu.memory_space<hbm>>)
    %dma_wait3A_908 = arith.constant 3 : i32
    %dma_wait3A_909 = arith.constant 3 : i32
    %dma_wait3A_910 = arith.constant 0 : i32
    %dma_wait3A_911 = arith.constant 0 : i32
    %dma_wait3A_912 = tpu.memref_slice %arg6[%dma_wait3A_908, %dma_wait3A_910, %dma_wait3A_911] : memref<8x200x64xf32, #tpu.memory_space<vmem>> -> memref<1x200x64xf32, #tpu.memory_space<vmem>>
    %dma_wait3A_913 = tpu.memref_squeeze %dma_wait3A_912 : memref<1x200x64xf32, #tpu.memory_space<vmem>> -> memref<200x64xf32, #tpu.memory_space<vmem>>
    %dma_wait3A_914 = arith.constant 0 : i32
    %dma_wait3A_915 = arith.constant 0 : i32
    %dma_wait3A_916 = tpu.memref_slice %arg4[%dma_wait3A_914, %dma_wait3A_915] : memref<819200x128xf32, #tpu.memory_space<hbm>> -> memref<200x64xf32, #tpu.memory_space<hbm>>
    %dma_wait3A_917 = tpu.memref_slice %arg8[%dma_wait3A_909] : memref<8x!tpu.dma_semaphore, #tpu.memory_space<semaphore_mem>> -> memref<1x!tpu.dma_semaphore, #tpu.memory_space<semaphore_mem>>
    %dma_wait3A_918 = tpu.memref_squeeze %dma_wait3A_917 : memref<1x!tpu.dma_semaphore, #tpu.memory_space<semaphore_mem>> -> memref<!tpu.dma_semaphore, #tpu.memory_space<semaphore_mem>>
    %dma_wait3A_919 = arith.constant 0 : i32
    %dma_wait3A_920 = arith.constant 0 : i32
    %dma_wait3A_921 = tpu.memref_slice %arg4[%dma_wait3A_919, %dma_wait3A_920] : memref<819200x128xf32, #tpu.memory_space<hbm>> -> memref<200x64xf32, #tpu.memory_space<hbm>>
    %dma_wait3A_922 = arith.constant 0 : i32
    %dma_wait3A_923 = arith.constant 0 : i32
    %dma_wait3A_924 = tpu.memref_slice %arg6[%dma_wait3A_908, %dma_wait3A_922, %dma_wait3A_923] : memref<8x200x64xf32, #tpu.memory_space<vmem>> -> memref<1x200x64xf32, #tpu.memory_space<vmem>>
    %dma_wait3A_925 = tpu.memref_squeeze %dma_wait3A_924 : memref<1x200x64xf32, #tpu.memory_space<vmem>> -> memref<200x64xf32, #tpu.memory_space<vmem>>
    tpu.wait_dma2 semaphore(%dma_wait3A_918 : memref<!tpu.dma_semaphore, #tpu.memory_space<semaphore_mem>>) src(%dma_wait3A_925 : memref<200x64xf32, #tpu.memory_space<vmem>>) dst(%dma_wait3A_921 : memref<200x64xf32, #tpu.memory_space<hbm>>)
    %dma_wait3A_926 = arith.constant 4 : i32
    %dma_wait3A_927 = arith.constant 4 : i32
    %dma_wait3A_928 = arith.constant 0 : i32
    %dma_wait3A_929 = arith.constant 0 : i32
    %dma_wait3A_930 = tpu.memref_slice %arg6[%dma_wait3A_926, %dma_wait3A_928, %dma_wait3A_929] : memref<8x200x64xf32, #tpu.memory_space<vmem>> -> memref<1x200x64xf32, #tpu.memory_space<vmem>>
    %dma_wait3A_931 = tpu.memref_squeeze %dma_wait3A_930 : memref<1x200x64xf32, #tpu.memory_space<vmem>> -> memref<200x64xf32, #tpu.memory_space<vmem>>
    %dma_wait3A_932 = arith.constant 0 : i32
    %dma_wait3A_933 = arith.constant 0 : i32
    %dma_wait3A_934 = tpu.memref_slice %arg4[%dma_wait3A_932, %dma_wait3A_933] : memref<819200x128xf32, #tpu.memory_space<hbm>> -> memref<200x64xf32, #tpu.memory_space<hbm>>
    %dma_wait3A_935 = tpu.memref_slice %arg8[%dma_wait3A_927] : memref<8x!tpu.dma_semaphore, #tpu.memory_space<semaphore_mem>> -> memref<1x!tpu.dma_semaphore, #tpu.memory_space<semaphore_mem>>
    %dma_wait3A_936 = tpu.memref_squeeze %dma_wait3A_935 : memref<1x!tpu.dma_semaphore, #tpu.memory_space<semaphore_mem>> -> memref<!tpu.dma_semaphore, #tpu.memory_space<semaphore_mem>>
    %dma_wait3A_937 = arith.constant 0 : i32
    %dma_wait3A_938 = arith.constant 0 : i32
    %dma_wait3A_939 = tpu.memref_slice %arg4[%dma_wait3A_937, %dma_wait3A_938] : memref<819200x128xf32, #tpu.memory_space<hbm>> -> memref<200x64xf32, #tpu.memory_space<hbm>>
    %dma_wait3A_940 = arith.constant 0 : i32
    %dma_wait3A_941 = arith.constant 0 : i32
    %dma_wait3A_942 = tpu.memref_slice %arg6[%dma_wait3A_926, %dma_wait3A_940, %dma_wait3A_941] : memref<8x200x64xf32, #tpu.memory_space<vmem>> -> memref<1x200x64xf32, #tpu.memory_space<vmem>>
    %dma_wait3A_943 = tpu.memref_squeeze %dma_wait3A_942 : memref<1x200x64xf32, #tpu.memory_space<vmem>> -> memref<200x64xf32, #tpu.memory_space<vmem>>
    tpu.wait_dma2 semaphore(%dma_wait3A_936 : memref<!tpu.dma_semaphore, #tpu.memory_space<semaphore_mem>>) src(%dma_wait3A_943 : memref<200x64xf32, #tpu.memory_space<vmem>>) dst(%dma_wait3A_939 : memref<200x64xf32, #tpu.memory_space<hbm>>)
    %dma_wait3A_944 = arith.constant 5 : i32
    %dma_wait3A_945 = arith.constant 5 : i32
    %dma_wait3A_946 = arith.constant 0 : i32
    %dma_wait3A_947 = arith.constant 0 : i32
    %dma_wait3A_948 = tpu.memref_slice %arg6[%dma_wait3A_944, %dma_wait3A_946, %dma_wait3A_947] : memref<8x200x64xf32, #tpu.memory_space<vmem>> -> memref<1x200x64xf32, #tpu.memory_space<vmem>>
    %dma_wait3A_949 = tpu.memref_squeeze %dma_wait3A_948 : memref<1x200x64xf32, #tpu.memory_space<vmem>> -> memref<200x64xf32, #tpu.memory_space<vmem>>
    %dma_wait3A_950 = arith.constant 0 : i32
    %dma_wait3A_951 = arith.constant 0 : i32
    %dma_wait3A_952 = tpu.memref_slice %arg4[%dma_wait3A_950, %dma_wait3A_951] : memref<819200x128xf32, #tpu.memory_space<hbm>> -> memref<200x64xf32, #tpu.memory_space<hbm>>
    %dma_wait3A_953 = tpu.memref_slice %arg8[%dma_wait3A_945] : memref<8x!tpu.dma_semaphore, #tpu.memory_space<semaphore_mem>> -> memref<1x!tpu.dma_semaphore, #tpu.memory_space<semaphore_mem>>
    %dma_wait3A_954 = tpu.memref_squeeze %dma_wait3A_953 : memref<1x!tpu.dma_semaphore, #tpu.memory_space<semaphore_mem>> -> memref<!tpu.dma_semaphore, #tpu.memory_space<semaphore_mem>>
    %dma_wait3A_955 = arith.constant 0 : i32
    %dma_wait3A_956 = arith.constant 0 : i32
    %dma_wait3A_957 = tpu.memref_slice %arg4[%dma_wait3A_955, %dma_wait3A_956] : memref<819200x128xf32, #tpu.memory_space<hbm>> -> memref<200x64xf32, #tpu.memory_space<hbm>>
    %dma_wait3A_958 = arith.constant 0 : i32
    %dma_wait3A_959 = arith.constant 0 : i32
    %dma_wait3A_960 = tpu.memref_slice %arg6[%dma_wait3A_944, %dma_wait3A_958, %dma_wait3A_959] : memref<8x200x64xf32, #tpu.memory_space<vmem>> -> memref<1x200x64xf32, #tpu.memory_space<vmem>>
    %dma_wait3A_961 = tpu.memref_squeeze %dma_wait3A_960 : memref<1x200x64xf32, #tpu.memory_space<vmem>> -> memref<200x64xf32, #tpu.memory_space<vmem>>
    tpu.wait_dma2 semaphore(%dma_wait3A_954 : memref<!tpu.dma_semaphore, #tpu.memory_space<semaphore_mem>>) src(%dma_wait3A_961 : memref<200x64xf32, #tpu.memory_space<vmem>>) dst(%dma_wait3A_957 : memref<200x64xf32, #tpu.memory_space<hbm>>)
    %dma_wait3A_962 = arith.constant 6 : i32
    %dma_wait3A_963 = arith.constant 6 : i32
    %dma_wait3A_964 = arith.constant 0 : i32
    %dma_wait3A_965 = arith.constant 0 : i32
    %dma_wait3A_966 = tpu.memref_slice %arg6[%dma_wait3A_962, %dma_wait3A_964, %dma_wait3A_965] : memref<8x200x64xf32, #tpu.memory_space<vmem>> -> memref<1x200x64xf32, #tpu.memory_space<vmem>>
    %dma_wait3A_967 = tpu.memref_squeeze %dma_wait3A_966 : memref<1x200x64xf32, #tpu.memory_space<vmem>> -> memref<200x64xf32, #tpu.memory_space<vmem>>
    %dma_wait3A_968 = arith.constant 0 : i32
    %dma_wait3A_969 = arith.constant 0 : i32
    %dma_wait3A_970 = tpu.memref_slice %arg4[%dma_wait3A_968, %dma_wait3A_969] : memref<819200x128xf32, #tpu.memory_space<hbm>> -> memref<200x64xf32, #tpu.memory_space<hbm>>
    %dma_wait3A_971 = tpu.memref_slice %arg8[%dma_wait3A_963] : memref<8x!tpu.dma_semaphore, #tpu.memory_space<semaphore_mem>> -> memref<1x!tpu.dma_semaphore, #tpu.memory_space<semaphore_mem>>
    %dma_wait3A_972 = tpu.memref_squeeze %dma_wait3A_971 : memref<1x!tpu.dma_semaphore, #tpu.memory_space<semaphore_mem>> -> memref<!tpu.dma_semaphore, #tpu.memory_space<semaphore_mem>>
    %dma_wait3A_973 = arith.constant 0 : i32
    %dma_wait3A_974 = arith.constant 0 : i32
    %dma_wait3A_975 = tpu.memref_slice %arg4[%dma_wait3A_973, %dma_wait3A_974] : memref<819200x128xf32, #tpu.memory_space<hbm>> -> memref<200x64xf32, #tpu.memory_space<hbm>>
    %dma_wait3A_976 = arith.constant 0 : i32
    %dma_wait3A_977 = arith.constant 0 : i32
    %dma_wait3A_978 = tpu.memref_slice %arg6[%dma_wait3A_962, %dma_wait3A_976, %dma_wait3A_977] : memref<8x200x64xf32, #tpu.memory_space<vmem>> -> memref<1x200x64xf32, #tpu.memory_space<vmem>>
    %dma_wait3A_979 = tpu.memref_squeeze %dma_wait3A_978 : memref<1x200x64xf32, #tpu.memory_space<vmem>> -> memref<200x64xf32, #tpu.memory_space<vmem>>
    tpu.wait_dma2 semaphore(%dma_wait3A_972 : memref<!tpu.dma_semaphore, #tpu.memory_space<semaphore_mem>>) src(%dma_wait3A_979 : memref<200x64xf32, #tpu.memory_space<vmem>>) dst(%dma_wait3A_975 : memref<200x64xf32, #tpu.memory_space<hbm>>)
    %dma_wait3A_980 = arith.constant 7 : i32
    %dma_wait3A_981 = arith.constant 7 : i32
    %dma_wait3A_982 = arith.constant 0 : i32
    %dma_wait3A_983 = arith.constant 0 : i32
    %dma_wait3A_984 = tpu.memref_slice %arg6[%dma_wait3A_980, %dma_wait3A_982, %dma_wait3A_983] : memref<8x200x64xf32, #tpu.memory_space<vmem>> -> memref<1x200x64xf32, #tpu.memory_space<vmem>>
    %dma_wait3A_985 = tpu.memref_squeeze %dma_wait3A_984 : memref<1x200x64xf32, #tpu.memory_space<vmem>> -> memref<200x64xf32, #tpu.memory_space<vmem>>
    %dma_wait3A_986 = arith.constant 0 : i32
    %dma_wait3A_987 = arith.constant 0 : i32
    %dma_wait3A_988 = tpu.memref_slice %arg4[%dma_wait3A_986, %dma_wait3A_987] : memref<819200x128xf32, #tpu.memory_space<hbm>> -> memref<200x64xf32, #tpu.memory_space<hbm>>
    %dma_wait3A_989 = tpu.memref_slice %arg8[%dma_wait3A_981] : memref<8x!tpu.dma_semaphore, #tpu.memory_space<semaphore_mem>> -> memref<1x!tpu.dma_semaphore, #tpu.memory_space<semaphore_mem>>
    %dma_wait3A_990 = tpu.memref_squeeze %dma_wait3A_989 : memref<1x!tpu.dma_semaphore, #tpu.memory_space<semaphore_mem>> -> memref<!tpu.dma_semaphore, #tpu.memory_space<semaphore_mem>>
    %dma_wait3A_991 = arith.constant 0 : i32
    %dma_wait3A_992 = arith.constant 0 : i32
    %dma_wait3A_993 = tpu.memref_slice %arg4[%dma_wait3A_991, %dma_wait3A_992] : memref<819200x128xf32, #tpu.memory_space<hbm>> -> memref<200x64xf32, #tpu.memory_space<hbm>>
    %dma_wait3A_994 = arith.constant 0 : i32
    %dma_wait3A_995 = arith.constant 0 : i32
    %dma_wait3A_996 = tpu.memref_slice %arg6[%dma_wait3A_980, %dma_wait3A_994, %dma_wait3A_995] : memref<8x200x64xf32, #tpu.memory_space<vmem>> -> memref<1x200x64xf32, #tpu.memory_space<vmem>>
    %dma_wait3A_997 = tpu.memref_squeeze %dma_wait3A_996 : memref<1x200x64xf32, #tpu.memory_space<vmem>> -> memref<200x64xf32, #tpu.memory_space<vmem>>
    tpu.wait_dma2 semaphore(%dma_wait3A_990 : memref<!tpu.dma_semaphore, #tpu.memory_space<semaphore_mem>>) src(%dma_wait3A_997 : memref<200x64xf32, #tpu.memory_space<vmem>>) dst(%dma_wait3A_993 : memref<200x64xf32, #tpu.memory_space<hbm>>)
    return
  }
}

</mosaic_0001>

<sc_bundles>
// kernel: kernel.3.cloned.1.call-start
scs
__scs_entry_jumppad:
0x0: {  	(pc) =	sbr.rel $0x88, $3  }
0x1: {  	(tag) =	ssettag $0x0;
	lr =	simm.s32 $0x1  }
0x2: {  	[smem:$0x3F9F] =	sst lr;
	_ =	strace $0xD0000000  }
0x3: {  	_ = 	snop  }
0x4: {  	_ = 	snop  }
0x5: {  	_ = 	snop  }
0x6: {  	_ = 	snop  }
0x7: {  	_ = 	snop  }
__scs_overlays_trampoline_lowered:
0x8: {  	[smem:$0x3FAE] =	sst s0  }
0x9: {  	[smem:$0x3FAF] =	sst s1  }
0xa: {  	[smem:$0x3FB0] =	sst s2  }
0xb: {  	[smem:$0x3FB1] =	sst s3  }
0xc: {  	[smem:$0x3FB2] =	sst s4  }
0xd: {  	[smem:$0x3FB3] =	sst s5  }
0xe: {  	[smem:$0x3FB4] =	sst s6  }
0xf: {  	[smem:$0x3FB5] =	sst s7  }
0x10: {  	[smem:$0x3FB6] =	sst s8  }
0x11: {  	[smem:$0x3FB7] =	sst s9;
	s0 =	simm.s32 @!p0 $0x0  }
0x12: {  	s1 =	sld [smem:$0x3F9D];
	s0 =	simm.s32 @p0 $0x1  }
0x13: {  	[smem:$0x3FB8] =	sst s0;
	s0 =	simm.s32 @!p1 $0x0  }
0x14: {  	s2 =	sld [smem:$0x3F9C];
	s0 =	simm.s32 @p1 $0x1  }
0x15: {  	[smem:$0x3FB9] =	sst s0;
	s0 =	simm.s32 @!p2 $0x0  }
0x16: {  	s3 =	sld [smem:$0x3FDB];
	s0 =	simm.s32 @p2 $0x1  }
0x17: {  	s4 =	simm.s32 $0x1BF5;
	[smem:$0x3FBB] =	sst s0  }
0x18: {  	s0 =	sld [smem:$0x3F9E];
	_ =	swait.ge [sflag:s4], $0x0  }
0x19: {  	s7 =	sld [smem:$0x3F9F]  }
0x1a: {  	s8 =	sadd.s32 $0xFFFFE003, lr  }
0x1b: {  	s9 =	sadd.s32 $0xFFFFFEF7, lr;
	s5 =	simm.s32 $0xFFFFFFFF;
	p2 =	slt.u32 s8, $0xFFFFF086  }
0x1c: {  	p1 =	slt.u32 s9, $0xF7A;
	s5 =	simm.s32 @!p2 $0x0  }
0x1d: {  	s5 =	simm.s32 @p1 $0x1;
	p0 =	seq.s32 s7, s2  }
0x1e: {  	s7 =	smul.u32 @!p0 $0xF7A, s2;
	p2 =	seq.s32 @!p0 s5, $0x0  }
0x1f: {  	s9 =	smul.u32 $0xF7A, s1;
	s8 =	simm.s32 @!p0 $0x1BF5;
	p2 =	por !p2, p0  }
0x20: {  	[sflag:s8] =	ssyncset.s32 @!p0 $0xFFFFF086;
	s6 =	sadd.s32 @!p0 s3, s7;
	s7 =	simm.s32 @!p0 $0x108  }
0x21: {  	s3 =	sadd.s32 s3, s9;
	s6 =	sadd.s32 @!p0 $0x88, s6;
	s7 =	simm.s32 @p2 $0x1082  }
0x22: {  	[simem:s7], [sflag:s8] =	dma.local @!p0 [hbm:s6], $0xF7A  }
0x23: {  	s9 =	sor.u32 $0xD0000000, s2;
	s6 =	simm.s32 $0x108;
	_ =	swait.ge @!p0 [sflag:s8], $0x0  }
0x24: {  	s3 =	sadd.s32 $0x88, s3;
	s6 =	simm.s32 @!p1 $0x1082;
	[sflag:s4] =	ssyncset.s32 $0xFFFFF086  }
0x25: {  	[simem:s6], [sflag:s4] =	dma.local [hbm:s3], $0xF7A  }
0x26: {  	[smem:$0x3F9F] =	sst s1;
	(tag) =	ssettag s2;
	_ =	strace s9  }
0x27: {  	s1 =	sld [smem:$0x3FAF]  }
0x28: {  	s2 =	sld [smem:$0x3FB0]  }
0x29: {  	s4 =	sld [smem:$0x3FB2]  }
0x2a: {  	p0 =	seq.s32 s5, $0x0;
	s5 =	sld [smem:$0x3FB3]  }
0x2b: {  	s6 =	sld [smem:$0x3FB4]  }
0x2c: {  	s7 =	sld [smem:$0x3FB5]  }
0x2d: {  	s3 =	simm.s32 $0x108;
	s8 =	sld [smem:$0x3FB6]  }
0x2e: {  	s3 =	simm.s32 @!p0 $0x1082;
	s9 =	sld [smem:$0x3FB7]  }
0x2f: {  	lr =	sadd.s32 s0, s3;
	s0 =	sld [smem:$0x3FAE]  }
0x30: {  	s3 =	sld [smem:$0x3FB1]  }
0x31: {  	[smem:$0x3FBA] =	sst s10  }
0x32: {  	s10 =	sld [smem:$0x3FB8];
	_ =	sdelay $0x3  }
0x33: {  	p0 =	seq.s32 s10, $0x1;
	s10 =	sld [smem:$0x3FBA];
	_ =	sdelay $0x3  }
0x34: {  	[smem:$0x3FBA] =	sst s10  }
0x35: {  	s10 =	sld [smem:$0x3FB9];
	_ =	sdelay $0x3  }
0x36: {  	p1 =	seq.s32 s10, $0x1;
	s10 =	sld [smem:$0x3FBA];
	_ =	sdelay $0x3  }
0x37: {  	[smem:$0x3FBA] =	sst s10  }
0x38: {  	s10 =	sld [smem:$0x3FBB]  }
0x39: {  	_ = 	snop;
	(pc) =	sbr.ind lr, $3  }
0x3a: {  	_ = 	snop  }
0x3b: {  	_ = 	snop  }
0x3c: {  	p2 =	seq.s32 s10, $0x1;
	s10 =	sld [smem:$0x3FBA]  }
0x3d: {  	_ =	shalt  }
0x3e: {  	_ =	shalt  }
0x3f: {  	_ =	shalt  }
0x40: {  	_ =	shalt  }
0x41: {  	_ =	shalt  }
0x42: {  	_ =	shalt  }
0x43: {  	_ =	shalt  }
0x44: {  	_ =	shalt  }
0x45: {  	_ =	shalt  }
0x46: {  	_ =	shalt  }
0x47: {  	_ =	shalt  }
0x48: {  	_ =	shalt  }
0x49: {  	_ =	shalt  }
0x4a: {  	_ =	shalt  }
0x4b: {  	_ =	shalt  }
0x4c: {  	_ =	shalt  }
0x4d: {  	_ =	shalt  }
0x4e: {  	_ =	shalt  }
0x4f: {  	_ =	shalt  }
0x50: {  	_ =	shalt  }
0x51: {  	_ =	shalt  }
0x52: {  	_ =	shalt  }
0x53: {  	_ =	shalt  }
0x54: {  	_ =	shalt  }
0x55: {  	_ =	shalt  }
0x56: {  	_ =	shalt  }
0x57: {  	_ =	shalt  }
0x58: {  	_ =	shalt  }
0x59: {  	_ =	shalt  }
0x5a: {  	_ =	shalt  }
0x5b: {  	_ =	shalt  }
0x5c: {  	_ =	shalt  }
0x5d: {  	_ =	shalt  }
0x5e: {  	_ =	shalt  }
0x5f: {  	_ =	shalt  }
0x60: {  	_ =	shalt  }
0x61: {  	_ =	shalt  }
0x62: {  	_ =	shalt  }
0x63: {  	_ =	shalt  }
0x64: {  	_ =	shalt  }
0x65: {  	_ =	shalt  }
0x66: {  	_ =	shalt  }
0x67: {  	_ =	shalt  }
0x68: {  	_ =	shalt  }
0x69: {  	_ =	shalt  }
0x6a: {  	_ =	shalt  }
0x6b: {  	_ =	shalt  }
0x6c: {  	_ =	shalt  }
0x6d: {  	_ =	shalt  }
0x6e: {  	_ =	shalt  }
0x6f: {  	_ =	shalt  }
0x70: {  	_ =	shalt  }
0x71: {  	_ =	shalt  }
0x72: {  	_ =	shalt  }
0x73: {  	_ =	shalt  }
0x74: {  	_ =	shalt  }
0x75: {  	_ =	shalt  }
0x76: {  	_ =	shalt  }
0x77: {  	_ =	shalt  }
0x78: {  	_ =	shalt  }
0x79: {  	_ =	shalt  }
0x7a: {  	_ =	shalt  }
0x7b: {  	_ =	shalt  }
0x7c: {  	_ =	shalt  }
0x7d: {  	_ =	shalt  }
0x7e: {  	_ =	shalt  }
0x7f: {  	_ =	shalt  }
0x80: {  	_ =	shalt  }
0x81: {  	_ =	shalt  }
0x82: {  	_ =	shalt  }
0x83: {  	_ =	shalt  }
0x84: {  	_ =	shalt  }
0x85: {  	_ =	shalt  }
0x86: {  	_ =	shalt  }
0x87: {  	_ =	shalt  }
.Lfunc_end0:
.L_simem_size_0:
called_computation.1_lowered:
.L_overlay_start_0:
0x88: {  	s2 =	sld [smem:$0x3FD9]  }
0x89: {  	s3 =	sld [smem:$0x3FFE];
	_ =	sdelay $0x1  }
0x8a: {  	s1 =	srdreg.scid  }
0x8b: {  	s0 =	sand.u32 $0x1, s1  }
0x8c: {  	s17 =	sshll.u32 s0, $0xA;
	s2 =	sadd.s32 s3, s2  }
0x8d: {  	s2 =	sadd.s32 s2, s17  }
0x8e: {  	[smem:$0x3FC6] =	sst s2  }
0x8f: {  	_ = 	snop  }
0x90: {  	s2 =	sld [smem:$0x3FD0];
	(tm) =	ssettm $0x1  }
0x91: {  	s18 =	sld [smem:$0x3FFB];
	_ =	sdelay $0x3  }
0x92: {  	_ =	strace s18  }
0x93: {  	s3 =	sld [smem:$0x3FFC];
	_ =	sdelay $0x3  }
0x94: {  	_ =	strace s3  }
0x95: {  	s3 =	sld [smem:$0x3FFD];
	_ =	sdelay $0x3  }
0x96: {  	_ =	strace s3  }
0x97: {  	_ =	strace $0x8FFFFFFF  }
0x98: {  	s19 =	sld [smem:$0x3FDB];
	_ =	sdelay $0x1  }
0x99: {  	s4 =	simm.s32 $_scs_section_size  }
0x9a: {  	s5 =	simm.s32 $_size__tile_overlayer_lowered;
	s6 =	simm.s32 $_tile_overlayer_lowered  }
0x9b: {  	s22 =	simm.s32 $0x1BFF;
	s21 =	sshll.u32 s6, $0x1;
	s3 =	sadd.s32 s4, s19  }
0x9c: {  	s7 =	simm.s32 $0x0;
	s20 =	sshll.u32 s5, $0x1;
	s5 =	sadd.s32 s21, s3  }
0x9d: {  	[timem:s7], [sflag:s22] =	dma.local [hbm:s5], s20  }
0x9e: {  	_ =	swait.ge [sflag:s22], s20  }
0x9f: {  	s4 =	ssub.s32 $0x0, s20;
	[sflag:s22] =	ssyncset.done $0x0  }
0xa0: {  	[sflag:s22] =	ssyncadd.s32 s4;
	_ =	sdelay $0x1  }
0xa1: {  	s23 =	simm.s32 $0x1B8B  }
0xa2: {  	_ =	swait.ge [sflag:s23], $0x1  }
0xa3: {  	[sflag:s23] =	ssyncset.done $0x0  }
0xa4: {  	s25 =	simm.s32 $0x1B8E;
	s24 =	sld [smem:$0x3FFE];
	[sflag:s23] =	ssyncadd.s32 $0xFFFFFFFF  }
0xa5: {  	s26 =	simm.s32 $execute0_lowered;
	[smem:$0x3FD2] =	sst s25  }
0xa6: {  	s5 =	sshll.u32 s26, $0x1;
	_ =	strace $0x80000046;
	[dreg:$0x1] =	wrdreg $0xFFFFFFFF  }
0xa7: {  	s28 =	simm.s32 $_size_execute0_lowered;
	s3 =	sadd.s32 s3, s5;
	[dreg:$0x0] =	wrdreg $0x0  }
0xa8: {  	s5 =	sshll.u32 s28, $0x1;
	[dreg:$0x2] =	wrdreg s3  }
0xa9: {  	[dreg:$0x3] =	wrdreg s5  }
0xaa: {  	[dreg:$0x4] =	wrdreg $0xC0  }
0xab: {  	_ =	task [dreg:s7], $0x5FFFF  }
0xac: {  	[dreg:$0x1] =	wrdreg $0xFFFFFFFF  }
0xad: {  	[dreg:$0x0] =	wrdreg $0x60  }
0xae: {  	[dreg:$0x2] =	wrdreg s24  }
0xaf: {  	[dreg:$0x3] =	wrdreg s2  }
0xb0: {  	[dreg:$0x4] =	wrdreg $0x9  }
0xb1: {  	_ =	task.clear_ibuf [dreg:s7], $0x5FFFF;
	_ =	strace $0x90000046  }
0xb2: {  	s29 =	simm.s32 $0x9;
	_ =	strace $0x80000048  }
0xb3: {  	_ =	swait.ge [sflag:s29], $0x1  }
0xb4: {  	[sflag:s29] =	ssyncadd.s32 $0xFFFFFFFF  }
0xb5: {  	_ =	strace $0x90000048  }
0xb6: {  	_ =	sfence  }
0xb7: {  	s30 =	sld [smem:$0x0];
	_ =	sdelay $0x2  }
0xb8: {  	s31 =	sshll.u32 s1, $0xD;
	s1 =	sshrl.u32 s1, $0x2  }
0xb9: {  	s3 =	sand.u32 $0x4000, s31;
	s1 =	sadd.s32 s1, s30  }
0xba: {  	s0 =	sor.u32 s3, s0;
	s1 =	sshll.u32 s1, $0x11  }
0xbb: {  	s0 =	sor.u32 s1, s0  }
0xbc: {  	s0 =	sadd.s32 $0x8F2B, s0  }
0xbd: {  	[sflag:s0] =	ssyncadd.remote.s32 $0x1  }
0xbe: {  	_ =	sfence.sel $0xFFFF  }
0xbf: {  	[dreg:$0x0] =	wrdreg $0xFFFFFFFF;
	(pc) =	sbr.abs _section_cstart, $3  }
0xc0: {  	[dreg:$0x1] =	wrdreg $0xFFFFFFFF  }
0xc1: {  	_ =	task.clear_ibuf [dreg:s7], $0x2FFFF;
	_ =	strace $0x9FFFFFFF  }
0xc2: {  	(tm) =	ssettm $0x7FFFFFFF  }
0xc3: {  	_ =	shalt  }
tec
execute0_lowered:
.L_overlay_start_1:
0x0: {  	(tag) =	ssettag $0x1  }
0x1: {  	s0 =	rddreg [dreg:$0x0]  }
0x2: {  	s1 =	rddreg [dreg:$0x1]  }
0x3: {  	s2 =	srdreg.scid;
	s9 =	stileid.u32  }
0x4: {  	s4 =	simm.s32 $0x0;
	s2 =	sand.u32 $0x1, s2;
	s3 =	sshll.u32 s9, $0x1  }
0x5: {  	[smem:$0x7FF] =	sst s4;
	s10 =	sadd.s32 $0xA00, s0;
	s28 =	sor.u32 s2, s3  }
0x6: {  	_ =	strace $0x80000047;
	s5 =	ssub.s32 $0x2, s2;
	s8 =	smul.u32 $0x64000, s28  }
0x7: {  	s3 =	sadd.s32 $0xF42E00, s0;
	s6 =	smul.u32 $0x6400, s28;
	s7 =	sshrl.u32 s5, $0x1  }
0x8: {  	[dreg:$0xb] =	wrdreg s10;
	s0 =	ssub.s32 s5, s7;
	s30 =	sadd.s32 s10, s8  }
0x9: {  	s29 =	sshrl.u32 s6, $0x3;
	s0 =	smax.u32 s0, $0x1;
	[dreg:$0xc] =	wrdreg s30  }
0xa: {  	s1 =	sadd.s32 s1, s29;
	[dreg:$0x1d] =	wrdreg s0  }
0xb: {  	s31 =	smul.u32 $0xC800, s9;
	s5 =	sadd.s32 $0xC80, s30;
	[dreg:$0xd] =	wrdreg s1  }
0xc: {  	s4 =	smul.u32 $0x320000, s28;
	s9 =	sadd.s32 $0x1900, s30;
	[dreg:$0xe] =	wrdreg s5  }
0xd: {  	s8 =	smul.u32 $0x6400, s2;
	s11 =	sadd.s32 $0x2580, s30;
	[dreg:$0xf] =	wrdreg s9  }
0xe: {  	s12 =	sshrl.u32 s4, $0x3;
	s13 =	sadd.s32 $0x3200, s30;
	[dreg:$0x10] =	wrdreg s11  }
0xf: {  	s2 =	sadd.s32 s10, s12;
	s14 =	sadd.s32 $0x3E80, s30;
	[dreg:$0x11] =	wrdreg s13  }
0x10: {  	[dreg:$0x12] =	wrdreg s14;
	s15 =	sadd.s32 $0x4B00, s2  }
0x11: {  	s16 =	sadd.s32 $0x5780, s2;
	[dreg:$0x13] =	wrdreg s15  }
0x12: {  	s17 =	sadd.s32 $0x5DC00, s2;
	[dreg:$0x14] =	wrdreg s16  }
0x13: {  	s6 =	simm.s32 $0x80;
	s19 =	sadd.s32 $0x5E880, s2;
	[dreg:$0x15] =	wrdreg s17  }
0x14: {  	s10 =	simm.s32 $0x3;
	s21 =	sadd.s32 $0x5F500, s2;
	[dreg:$0x16] =	wrdreg s19  }
0x15: {  	s12 =	simm.s32 $0x4;
	s23 =	sadd.s32 $0x60180, s2;
	[dreg:$0x17] =	wrdreg s21  }
0x16: {  	s0 =	simm.s32 $0x0;
	s25 =	sadd.s32 $0x60E00, s2;
	[dreg:$0x18] =	wrdreg s23  }
0x17: {  	s1 =	sadd.s32 s8, s31;
	s28 =	sadd.s32 $0x61A80, s2;
	[dreg:$0x19] =	wrdreg s25  }
0x18: {  	s30 =	sadd.s32 $0x62700, s2;
	s2 =	sadd.s32 $0x63380, s2;
	[dreg:$0x1a] =	wrdreg s28  }
0x19: {  	s9 =	simm.s32 $0x9;
	s1 =	sshll.u32 s1, $0x4;
	[dreg:$0x1b] =	wrdreg s30  }
0x1a: {  	s11 =	simm.s32 $0xA;
	[dreg:$0x1c] =	wrdreg s2;
	s18 =	sadd.s32 $0xAF00, s1  }
0x1b: {  	s13 =	simm.s32 $0xB;
	s20 =	sadd.s32 $0xA280, s1;
	[dreg:$0x3] =	wrdreg s18  }
0x1c: {  	s14 =	simm.s32 $0x5;
	s22 =	sadd.s32 $0x9600, s1;
	[dreg:$0x4] =	wrdreg s20  }
0x1d: {  	s2 =	simm.s32 $0x40;
	s24 =	sadd.s32 $0x8980, s1;
	[dreg:$0x5] =	wrdreg s22  }
0x1e: {  	s15 =	simm.s32 $0xC;
	s26 =	sadd.s32 $0x7D00, s1;
	[dreg:$0x6] =	wrdreg s24  }
0x1f: {  	s16 =	simm.s32 $0x6;
	s29 =	sadd.s32 $0x7080, s1;
	[dreg:$0x7] =	wrdreg s26  }
0x20: {  	s17 =	simm.s32 $0xD;
	s31 =	sadd.s32 $0xBB80, s1;
	[dreg:$0x8] =	wrdreg s29  }
0x21: {  	s19 =	simm.s32 $0xE;
	s1 =	sadd.s32 $0x6400, s1;
	[dreg:$0x9] =	wrdreg s31  }
0x22: {  	s21 =	simm.s32 $0xF;
	[dreg:$0xa] =	wrdreg s1;
	s24 =	simm.s32 $0xC8  }
0x23: {  	s18 =	simm.s32 $0x7;
	s20 =	simm.s32 $0x8;
	s22 =	simm.s32 $0x10  }
.LBB2_1:
0x24: {  	[dreg:$0x1e] =	wrdreg s0  }
0x25: {  	s4 =	simm.s32 $0x0;
	s5 =	rddreg [dreg:$0xd];
	s30 =	simm.s32 $0x11  }
0x26: {  	[tilespmem:s4], [sflag:$0x11] =	stream.linear.gather [hbm4b:s5+s4], $0x6400, $0x38;
	[tilespmem:$0x1F400] =	vst v63  }
0x27: {  	_ =	swait.ge [sflag:s30], $0x6400  }
0x28: {  	[sflag:s30] =	ssyncset.done $0x0  }
0x29: {  	s23 =	simm.s32 $0x6400;
	[sflag:s30] =	ssyncadd.s32 $0xFFFF9C00  }
0x2a: {  	[tilespmem:s23], [sflag:$0x1] =	stream.indirect.gather [hbm4b:s3+s24], $0x40, s4, s24, $0xb8;
	[tilespmem:$0x1F400] =	vst v63  }
0x2b: {  	s25 =	simm.s32 $0x9600  }
0x2c: {  	[tilespmem:s25], [sflag:$0x2] =	stream.indirect.gather [hbm4b:s3+s24], $0x40, s24, s24, $0xb8;
	[tilespmem:$0x1F400] =	vst v63  }
0x2d: {  	s31 =	simm.s32 $0x190;
	s26 =	simm.s32 $0xC800  }
0x2e: {  	[tilespmem:s26], [sflag:$0x3] =	stream.indirect.gather [hbm4b:s3+s24], $0x40, s31, s24, $0xb8;
	[tilespmem:$0x1F400] =	vst v63  }
0x2f: {  	s1 =	simm.s32 $0x258;
	s29 =	simm.s32 $0xFA00  }
0x30: {  	[tilespmem:s29], [sflag:$0x4] =	stream.indirect.gather [hbm4b:s3+s24], $0x40, s1, s24, $0xb8;
	[tilespmem:$0x1F400] =	vst v63  }
0x31: {  	s0 =	simm.s32 $0x320;
	s30 =	simm.s32 $0x12C00  }
0x32: {  	[tilespmem:s30], [sflag:$0x5] =	stream.indirect.gather [hbm4b:s3+s24], $0x40, s0, s24, $0xb8;
	[tilespmem:$0x1F400] =	vst v63  }
0x33: {  	s28 =	simm.s32 $0x15E00;
	s4 =	simm.s32 $0x3E8  }
0x34: {  	[tilespmem:s28], [sflag:$0x6] =	stream.indirect.gather [hbm4b:s3+s24], $0x40, s4, s24, $0xb8;
	[tilespmem:$0x1F400] =	vst v63  }
0x35: {  	s5 =	simm.s32 $0x4B0;
	s1 =	simm.s32 $0x1;
	s0 =	simm.s32 $0x19000  }
0x36: {  	[tilespmem:s0], [sflag:$0x7] =	stream.indirect.gather [hbm4b:s3+s24], $0x40, s5, s24, $0xb8;
	[tilespmem:$0x1F400] =	vst v63  }
0x37: {  	_ =	swait.ge [sflag:s1], $0x3200  }
0x38: {  	[sflag:s1] =	ssyncset.done $0x0  }
0x39: {  	s7 =	rddreg [dreg:$0xc];
	[sflag:s1] =	ssyncadd.s32 $0xFFFFCE00  }
0x3a: {  	[hbm4b:s7+s2] =	stream.strided.scatter [tilespmem:s23], [sflag:$0x9], $0x3200, s6, s2, $0x38;
	[tilespmem:$0x1F400] =	vst v63  }
0x3b: {  	s8 =	simm.s32 $0x578;
	s7 =	simm.s32 $0x1C200  }
0x3c: {  	[tilespmem:s7], [sflag:$0x8] =	stream.indirect.gather [hbm4b:s3+s24], $0x40, s8, s24, $0xb8;
	[tilespmem:$0x1F400] =	vst v63  }
0x3d: {  	s8 =	simm.s32 $0x2  }
0x3e: {  	_ =	swait.ge [sflag:s8], $0x3200  }
0x3f: {  	[sflag:s8] =	ssyncset.done $0x0  }
0x40: {  	s31 =	rddreg [dreg:$0xe];
	[sflag:s8] =	ssyncadd.s32 $0xFFFFCE00  }
0x41: {  	[hbm4b:s31+s2] =	stream.strided.scatter [tilespmem:s25], [sflag:$0xA], $0x3200, s6, s2, $0x38;
	[tilespmem:$0x1F400] =	vst v63  }
0x42: {  	_ =	swait.ge [sflag:s9], $0x3200  }
0x43: {  	[sflag:s9] =	ssyncset.done $0x0  }
0x44: {  	s5 =	simm.s32 $0x640;
	[sflag:s9] =	ssyncadd.s32 $0xFFFFCE00  }
0x45: {  	[tilespmem:s23], [sflag:$0x1] =	stream.indirect.gather [hbm4b:s3+s24], $0x40, s5, s24, $0xb8;
	[tilespmem:$0x1F400] =	vst v63  }
0x46: {  	_ =	swait.ge [sflag:s10], $0x3200  }
0x47: {  	[sflag:s10] =	ssyncset.done $0x0  }
0x48: {  	s31 =	rddreg [dreg:$0xf];
	[sflag:s10] =	ssyncadd.s32 $0xFFFFCE00  }
0x49: {  	[hbm4b:s31+s2] =	stream.strided.scatter [tilespmem:s26], [sflag:$0xB], $0x3200, s6, s2, $0x38;
	[tilespmem:$0x1F400] =	vst v63  }
0x4a: {  	_ =	swait.ge [sflag:s11], $0x3200  }
0x4b: {  	[sflag:s11] =	ssyncset.done $0x0  }
0x4c: {  	s5 =	simm.s32 $0x708;
	[sflag:s11] =	ssyncadd.s32 $0xFFFFCE00  }
0x4d: {  	[tilespmem:s25], [sflag:$0x2] =	stream.indirect.gather [hbm4b:s3+s24], $0x40, s5, s24, $0xb8;
	[tilespmem:$0x1F400] =	vst v63  }
0x4e: {  	_ =	swait.ge [sflag:s12], $0x3200  }
0x4f: {  	[sflag:s12] =	ssyncset.done $0x0  }
0x50: {  	s31 =	rddreg [dreg:$0x10];
	[sflag:s12] =	ssyncadd.s32 $0xFFFFCE00  }
0x51: {  	[hbm4b:s31+s2] =	stream.strided.scatter [tilespmem:s29], [sflag:$0xC], $0x3200, s6, s2, $0x38;
	[tilespmem:$0x1F400] =	vst v63  }
0x52: {  	_ =	swait.ge [sflag:s13], $0x3200  }
0x53: {  	[sflag:s13] =	ssyncset.done $0x0  }
0x54: {  	s5 =	simm.s32 $0x7D0;
	[sflag:s13] =	ssyncadd.s32 $0xFFFFCE00  }
0x55: {  	[tilespmem:s26], [sflag:$0x3] =	stream.indirect.gather [hbm4b:s3+s24], $0x40, s5, s24, $0xb8;
	[tilespmem:$0x1F400] =	vst v63  }
0x56: {  	_ =	swait.ge [sflag:s14], $0x3200  }
0x57: {  	[sflag:s14] =	ssyncset.done $0x0  }
0x58: {  	s31 =	rddreg [dreg:$0x11];
	[sflag:s14] =	ssyncadd.s32 $0xFFFFCE00  }
0x59: {  	[hbm4b:s31+s2] =	stream.strided.scatter [tilespmem:s30], [sflag:$0xD], $0x3200, s6, s2, $0x38;
	[tilespmem:$0x1F400] =	vst v63  }
0x5a: {  	_ =	swait.ge [sflag:s15], $0x3200  }
0x5b: {  	[sflag:s15] =	ssyncset.done $0x0  }
0x5c: {  	s5 =	simm.s32 $0x898;
	[sflag:s15] =	ssyncadd.s32 $0xFFFFCE00  }
0x5d: {  	[tilespmem:s29], [sflag:$0x4] =	stream.indirect.gather [hbm4b:s3+s24], $0x40, s5, s24, $0xb8;
	[tilespmem:$0x1F400] =	vst v63  }
0x5e: {  	_ =	swait.ge [sflag:s16], $0x3200  }
0x5f: {  	[sflag:s16] =	ssyncset.done $0x0  }
0x60: {  	s31 =	rddreg [dreg:$0x12];
	[sflag:s16] =	ssyncadd.s32 $0xFFFFCE00  }
0x61: {  	[hbm4b:s31+s2] =	stream.strided.scatter [tilespmem:s28], [sflag:$0xE], $0x3200, s6, s2, $0x38;
	[tilespmem:$0x1F400] =	vst v63  }
0x62: {  	_ =	swait.ge [sflag:s17], $0x3200  }
0x63: {  	[sflag:s17] =	ssyncset.done $0x0  }
0x64: {  	s5 =	simm.s32 $0x960;
	[sflag:s17] =	ssyncadd.s32 $0xFFFFCE00  }
0x65: {  	[tilespmem:s30], [sflag:$0x5] =	stream.indirect.gather [hbm4b:s3+s24], $0x40, s5, s24, $0xb8;
	[tilespmem:$0x1F400] =	vst v63  }
0x66: {  	_ =	swait.ge [sflag:s18], $0x3200  }
0x67: {  	[sflag:s18] =	ssyncset.done $0x0  }
0x68: {  	s31 =	rddreg [dreg:$0x13];
	[sflag:s18] =	ssyncadd.s32 $0xFFFFCE00  }
0x69: {  	[hbm4b:s31+s2] =	stream.strided.scatter [tilespmem:s0], [sflag:$0xF], $0x3200, s6, s2, $0x38;
	[tilespmem:$0x1F400] =	vst v63  }
0x6a: {  	_ =	swait.ge [sflag:s19], $0x3200  }
0x6b: {  	[sflag:s19] =	ssyncset.done $0x0  }
0x6c: {  	s5 =	simm.s32 $0xA28;
	[sflag:s19] =	ssyncadd.s32 $0xFFFFCE00  }
0x6d: {  	[tilespmem:s28], [sflag:$0x6] =	stream.indirect.gather [hbm4b:s3+s24], $0x40, s5, s24, $0xb8;
	[tilespmem:$0x1F400] =	vst v63  }
0x6e: {  	_ =	swait.ge [sflag:s20], $0x3200  }
0x6f: {  	[sflag:s20] =	ssyncset.done $0x0  }
0x70: {  	s31 =	rddreg [dreg:$0x14];
	[sflag:s20] =	ssyncadd.s32 $0xFFFFCE00  }
0x71: {  	[hbm4b:s31+s2] =	stream.strided.scatter [tilespmem:s7], [sflag:$0x10], $0x3200, s6, s2, $0x38;
	[tilespmem:$0x1F400] =	vst v63  }
0x72: {  	_ =	swait.ge [sflag:s21], $0x3200  }
0x73: {  	[sflag:s21] =	ssyncset.done $0x0  }
0x74: {  	s5 =	simm.s32 $0xAF0;
	[sflag:s21] =	ssyncadd.s32 $0xFFFFCE00  }
0x75: {  	[tilespmem:s0], [sflag:$0x7] =	stream.indirect.gather [hbm4b:s3+s24], $0x40, s5, s24, $0xb8;
	[tilespmem:$0x1F400] =	vst v63  }
0x76: {  	_ =	swait.ge [sflag:s1], $0x3200  }
0x77: {  	s31 =	rddreg [dreg:$0xa]  }
0x78: {  	[sflag:s1] =	ssyncset.done $0x0;
	s5 =	rddreg [dreg:$0xb]  }
0x79: {  	[sflag:s1] =	ssyncadd.s32 $0xFFFFCE00;
	s4 =	sadd.s32 s5, s31  }
0x7a: {  	[hbm4b:s4+s2] =	stream.strided.scatter [tilespmem:s23], [sflag:$0x9], $0x3200, s6, s2, $0x38;
	[tilespmem:$0x1F400] =	vst v63  }
0x7b: {  	_ =	swait.ge [sflag:s22], $0x3200  }
0x7c: {  	[sflag:s22] =	ssyncset.done $0x0  }
0x7d: {  	s1 =	simm.s32 $0xBB8;
	[sflag:s22] =	ssyncadd.s32 $0xFFFFCE00  }
0x7e: {  	[tilespmem:s7], [sflag:$0x8] =	stream.indirect.gather [hbm4b:s3+s24], $0x40, s1, s24, $0xb8;
	[tilespmem:$0x1F400] =	vst v63  }
0x7f: {  	_ =	swait.ge [sflag:s8], $0x3200  }
0x80: {  	s31 =	rddreg [dreg:$0x8];
	[sflag:s8] =	ssyncset.done $0x0  }
0x81: {  	[sflag:s8] =	ssyncadd.s32 $0xFFFFCE00;
	s4 =	sadd.s32 s5, s31  }
0x82: {  	[hbm4b:s4+s2] =	stream.strided.scatter [tilespmem:s25], [sflag:$0xA], $0x3200, s6, s2, $0x38;
	[tilespmem:$0x1F400] =	vst v63  }
0x83: {  	_ =	swait.ge [sflag:s9], $0x3200  }
0x84: {  	[sflag:s9] =	ssyncset.done $0x0  }
0x85: {  	s1 =	simm.s32 $0xC80;
	[sflag:s9] =	ssyncadd.s32 $0xFFFFCE00  }
0x86: {  	[tilespmem:s23], [sflag:$0x1] =	stream.indirect.gather [hbm4b:s3+s24], $0x40, s1, s24, $0xb8;
	[tilespmem:$0x1F400] =	vst v63  }
0x87: {  	_ =	swait.ge [sflag:s10], $0x3200  }
0x88: {  	s8 =	rddreg [dreg:$0x7];
	[sflag:s10] =	ssyncset.done $0x0  }
0x89: {  	[sflag:s10] =	ssyncadd.s32 $0xFFFFCE00;
	s4 =	sadd.s32 s5, s8  }
0x8a: {  	[hbm4b:s4+s2] =	stream.strided.scatter [tilespmem:s26], [sflag:$0xB], $0x3200, s6, s2, $0x38;
	[tilespmem:$0x1F400] =	vst v63  }
0x8b: {  	_ =	swait.ge [sflag:s11], $0x3200  }
0x8c: {  	[sflag:s11] =	ssyncset.done $0x0  }
0x8d: {  	s23 =	simm.s32 $0xD48;
	[sflag:s11] =	ssyncadd.s32 $0xFFFFCE00  }
0x8e: {  	[tilespmem:s25], [sflag:$0x2] =	stream.indirect.gather [hbm4b:s3+s24], $0x40, s23, s24, $0xb8;
	[tilespmem:$0x1F400] =	vst v63  }
0x8f: {  	_ =	swait.ge [sflag:s12], $0x3200  }
0x90: {  	s31 =	rddreg [dreg:$0x6];
	[sflag:s12] =	ssyncset.done $0x0  }
0x91: {  	[sflag:s12] =	ssyncadd.s32 $0xFFFFCE00;
	s4 =	sadd.s32 s5, s31  }
0x92: {  	[hbm4b:s4+s2] =	stream.strided.scatter [tilespmem:s29], [sflag:$0xC], $0x3200, s6, s2, $0x38;
	[tilespmem:$0x1F400] =	vst v63  }
0x93: {  	_ =	swait.ge [sflag:s13], $0x3200  }
0x94: {  	[sflag:s13] =	ssyncset.done $0x0  }
0x95: {  	s1 =	simm.s32 $0xE10;
	[sflag:s13] =	ssyncadd.s32 $0xFFFFCE00  }
0x96: {  	[tilespmem:s26], [sflag:$0x3] =	stream.indirect.gather [hbm4b:s3+s24], $0x40, s1, s24, $0xb8;
	[tilespmem:$0x1F400] =	vst v63  }
0x97: {  	_ =	swait.ge [sflag:s14], $0x3200  }
0x98: {  	s8 =	rddreg [dreg:$0x5];
	[sflag:s14] =	ssyncset.done $0x0  }
0x99: {  	[sflag:s14] =	ssyncadd.s32 $0xFFFFCE00;
	s4 =	sadd.s32 s5, s8  }
0x9a: {  	[hbm4b:s4+s2] =	stream.strided.scatter [tilespmem:s30], [sflag:$0xD], $0x3200, s6, s2, $0x38;
	[tilespmem:$0x1F400] =	vst v63  }
0x9b: {  	_ =	swait.ge [sflag:s15], $0x3200  }
0x9c: {  	[sflag:s15] =	ssyncset.done $0x0  }
0x9d: {  	s23 =	simm.s32 $0xED8;
	[sflag:s15] =	ssyncadd.s32 $0xFFFFCE00  }
0x9e: {  	[tilespmem:s29], [sflag:$0x4] =	stream.indirect.gather [hbm4b:s3+s24], $0x40, s23, s24, $0xb8;
	[tilespmem:$0x1F400] =	vst v63  }
0x9f: {  	_ =	swait.ge [sflag:s16], $0x3200  }
0xa0: {  	s25 =	rddreg [dreg:$0x4];
	[sflag:s16] =	ssyncset.done $0x0  }
0xa1: {  	[sflag:s16] =	ssyncadd.s32 $0xFFFFCE00;
	s4 =	sadd.s32 s5, s25  }
0xa2: {  	[hbm4b:s4+s2] =	stream.strided.scatter [tilespmem:s28], [sflag:$0xE], $0x3200, s6, s2, $0x38;
	[tilespmem:$0x1F400] =	vst v63  }
0xa3: {  	_ =	swait.ge [sflag:s17], $0x3200  }
0xa4: {  	[sflag:s17] =	ssyncset.done $0x0  }
0xa5: {  	s26 =	simm.s32 $0xFA0;
	[sflag:s17] =	ssyncadd.s32 $0xFFFFCE00  }
0xa6: {  	[tilespmem:s30], [sflag:$0x5] =	stream.indirect.gather [hbm4b:s3+s24], $0x40, s26, s24, $0xb8;
	[tilespmem:$0x1F400] =	vst v63  }
0xa7: {  	_ =	swait.ge [sflag:s18], $0x3200  }
0xa8: {  	s29 =	rddreg [dreg:$0x3];
	[sflag:s18] =	ssyncset.done $0x0  }
0xa9: {  	[sflag:s18] =	ssyncadd.s32 $0xFFFFCE00;
	s4 =	sadd.s32 s5, s29  }
0xaa: {  	[hbm4b:s4+s2] =	stream.strided.scatter [tilespmem:s0], [sflag:$0xF], $0x3200, s6, s2, $0x38;
	[tilespmem:$0x1F400] =	vst v63  }
0xab: {  	_ =	swait.ge [sflag:s19], $0x3200  }
0xac: {  	[sflag:s19] =	ssyncset.done $0x0  }
0xad: {  	s30 =	simm.s32 $0x1068;
	[sflag:s19] =	ssyncadd.s32 $0xFFFFCE00  }
0xae: {  	[tilespmem:s28], [sflag:$0x6] =	stream.indirect.gather [hbm4b:s3+s24], $0x40, s30, s24, $0xb8;
	[tilespmem:$0x1F400] =	vst v63  }
0xaf: {  	_ =	swait.ge [sflag:s20], $0x3200  }
0xb0: {  	s31 =	rddreg [dreg:$0x9];
	[sflag:s20] =	ssyncset.done $0x0  }
0xb1: {  	[sflag:s20] =	ssyncadd.s32 $0xFFFFCE00;
	s4 =	sadd.s32 s5, s31  }
0xb2: {  	[hbm4b:s4+s2] =	stream.strided.scatter [tilespmem:s7], [sflag:$0x10], $0x3200, s6, s2, $0x38;
	[tilespmem:$0x1F400] =	vst v63  }
0xb3: {  	_ =	swait.ge [sflag:s21], $0x3200  }
0xb4: {  	s23 =	simm.s32 $0x1900;
	[sflag:s21] =	ssyncset.done $0x0  }
0xb5: {  	s5 =	sadd.s32 $0x6400, s5;
	s4 =	simm.s32 $0x1130;
	[sflag:s21] =	ssyncadd.s32 $0xFFFFCE00  }
.LBB2_2:
0xb6: {  	s0 =	simm.s32 $0x19000;
	s1 =	simm.s32 $0x1  }
0xb7: {  	[tilespmem:s0], [sflag:$0x7] =	stream.indirect.gather [hbm4b:s3+s24], $0x40, s4, s24, $0xb8;
	[tilespmem:$0x1F400] =	vst v63  }
0xb8: {  	_ =	swait.ge [sflag:s1], $0x3200  }
0xb9: {  	s25 =	rddreg [dreg:$0xa];
	[sflag:s1] =	ssyncset.done $0x0  }
0xba: {  	s29 =	simm.s32 $0x6400;
	[sflag:s1] =	ssyncadd.s32 $0xFFFFCE00;
	s25 =	sadd.s32 s5, s25  }
0xbb: {  	[hbm4b:s25+s2] =	stream.strided.scatter [tilespmem:s29], [sflag:$0x9], $0x3200, s6, s2, $0x38;
	[tilespmem:$0x1F400] =	vst v63  }
0xbc: {  	s26 =	smov.u32 s23;
	_ =	swait.ge [sflag:s22], $0x3200  }
0xbd: {  	s8 =	simm.s32 $0x1C200;
	s4 =	sshra.s32 s26, $0x2;
	[sflag:s22] =	ssyncset.done $0x0  }
0xbe: {  	s7 =	sadd.s32 $0xBB8, s4;
	s25 =	simm.s32 $0x2;
	[sflag:s22] =	ssyncadd.s32 $0xFFFFCE00  }
0xbf: {  	[tilespmem:s8], [sflag:$0x8] =	stream.indirect.gather [hbm4b:s3+s24], $0x40, s7, s24, $0xb8;
	[tilespmem:$0x1F400] =	vst v63  }
0xc0: {  	_ =	swait.ge [sflag:s25], $0x3200  }
0xc1: {  	s26 =	rddreg [dreg:$0x8];
	[sflag:s25] =	ssyncset.done $0x0  }
0xc2: {  	s31 =	simm.s32 $0x9600;
	[sflag:s25] =	ssyncadd.s32 $0xFFFFCE00;
	s25 =	sadd.s32 s5, s26  }
0xc3: {  	[hbm4b:s25+s2] =	stream.strided.scatter [tilespmem:s31], [sflag:$0xA], $0x3200, s6, s2, $0x38;
	[tilespmem:$0x1F400] =	vst v63  }
0xc4: {  	_ =	swait.ge [sflag:s9], $0x3200  }
0xc5: {  	[sflag:s9] =	ssyncset.done $0x0  }
0xc6: {  	s7 =	sadd.s32 $0xC80, s4;
	[sflag:s9] =	ssyncadd.s32 $0xFFFFCE00  }
0xc7: {  	[tilespmem:s29], [sflag:$0x1] =	stream.indirect.gather [hbm4b:s3+s24], $0x40, s7, s24, $0xb8;
	[tilespmem:$0x1F400] =	vst v63  }
0xc8: {  	_ =	swait.ge [sflag:s10], $0x3200  }
0xc9: {  	s1 =	rddreg [dreg:$0x7];
	[sflag:s10] =	ssyncset.done $0x0  }
0xca: {  	[sflag:s10] =	ssyncadd.s32 $0xFFFFCE00;
	s25 =	sadd.s32 s5, s1;
	s1 =	simm.s32 $0xC800  }
0xcb: {  	[hbm4b:s25+s2] =	stream.strided.scatter [tilespmem:s1], [sflag:$0xB], $0x3200, s6, s2, $0x38;
	[tilespmem:$0x1F400] =	vst v63  }
0xcc: {  	_ =	swait.ge [sflag:s11], $0x3200  }
0xcd: {  	[sflag:s11] =	ssyncset.done $0x0  }
0xce: {  	s7 =	sadd.s32 $0xD48, s4;
	[sflag:s11] =	ssyncadd.s32 $0xFFFFCE00  }
0xcf: {  	[tilespmem:s31], [sflag:$0x2] =	stream.indirect.gather [hbm4b:s3+s24], $0x40, s7, s24, $0xb8;
	[tilespmem:$0x1F400] =	vst v63  }
0xd0: {  	_ =	swait.ge [sflag:s12], $0x3200  }
0xd1: {  	s7 =	rddreg [dreg:$0x6];
	[sflag:s12] =	ssyncset.done $0x0  }
0xd2: {  	s30 =	simm.s32 $0xFA00;
	[sflag:s12] =	ssyncadd.s32 $0xFFFFCE00;
	s25 =	sadd.s32 s5, s7  }
0xd3: {  	[hbm4b:s25+s2] =	stream.strided.scatter [tilespmem:s30], [sflag:$0xC], $0x3200, s6, s2, $0x38;
	[tilespmem:$0x1F400] =	vst v63  }
0xd4: {  	_ =	swait.ge [sflag:s13], $0x3200  }
0xd5: {  	[sflag:s13] =	ssyncset.done $0x0  }
0xd6: {  	s7 =	sadd.s32 $0xE10, s4;
	[sflag:s13] =	ssyncadd.s32 $0xFFFFCE00  }
0xd7: {  	[tilespmem:s1], [sflag:$0x3] =	stream.indirect.gather [hbm4b:s3+s24], $0x40, s7, s24, $0xb8;
	[tilespmem:$0x1F400] =	vst v63  }
0xd8: {  	_ =	swait.ge [sflag:s14], $0x3200  }
0xd9: {  	s1 =	rddreg [dreg:$0x5];
	[sflag:s14] =	ssyncset.done $0x0  }
0xda: {  	s28 =	simm.s32 $0x12C00;
	[sflag:s14] =	ssyncadd.s32 $0xFFFFCE00;
	s25 =	sadd.s32 s5, s1  }
0xdb: {  	[hbm4b:s25+s2] =	stream.strided.scatter [tilespmem:s28], [sflag:$0xD], $0x3200, s6, s2, $0x38;
	[tilespmem:$0x1F400] =	vst v63  }
0xdc: {  	_ =	swait.ge [sflag:s15], $0x3200  }
0xdd: {  	[sflag:s15] =	ssyncset.done $0x0  }
0xde: {  	s7 =	sadd.s32 $0xED8, s4;
	[sflag:s15] =	ssyncadd.s32 $0xFFFFCE00  }
0xdf: {  	[tilespmem:s30], [sflag:$0x4] =	stream.indirect.gather [hbm4b:s3+s24], $0x40, s7, s24, $0xb8;
	[tilespmem:$0x1F400] =	vst v63  }
0xe0: {  	_ =	swait.ge [sflag:s16], $0x3200  }
0xe1: {  	s7 =	rddreg [dreg:$0x4];
	[sflag:s16] =	ssyncset.done $0x0  }
0xe2: {  	[sflag:s16] =	ssyncadd.s32 $0xFFFFCE00;
	s25 =	sadd.s32 s5, s7;
	s7 =	simm.s32 $0x15E00  }
0xe3: {  	[hbm4b:s25+s2] =	stream.strided.scatter [tilespmem:s7], [sflag:$0xE], $0x3200, s6, s2, $0x38;
	[tilespmem:$0x1F400] =	vst v63  }
0xe4: {  	_ =	swait.ge [sflag:s17], $0x3200  }
0xe5: {  	[sflag:s17] =	ssyncset.done $0x0  }
0xe6: {  	s25 =	sadd.s32 $0xFA0, s4;
	[sflag:s17] =	ssyncadd.s32 $0xFFFFCE00  }
0xe7: {  	[tilespmem:s28], [sflag:$0x5] =	stream.indirect.gather [hbm4b:s3+s24], $0x40, s25, s24, $0xb8;
	[tilespmem:$0x1F400] =	vst v63  }
0xe8: {  	_ =	swait.ge [sflag:s18], $0x3200  }
0xe9: {  	s25 =	rddreg [dreg:$0x3];
	[sflag:s18] =	ssyncset.done $0x0  }
0xea: {  	[sflag:s18] =	ssyncadd.s32 $0xFFFFCE00;
	s25 =	sadd.s32 s5, s25  }
0xeb: {  	[hbm4b:s25+s2] =	stream.strided.scatter [tilespmem:s0], [sflag:$0xF], $0x3200, s6, s2, $0x38;
	[tilespmem:$0x1F400] =	vst v63  }
0xec: {  	_ =	swait.ge [sflag:s19], $0x3200  }
0xed: {  	[sflag:s19] =	ssyncset.done $0x0  }
0xee: {  	p0 =	sne.s32 s23, $0x14500;
	s0 =	sadd.s32 $0x1068, s4;
	[sflag:s19] =	ssyncadd.s32 $0xFFFFCE00  }
0xef: {  	[tilespmem:s7], [sflag:$0x6] =	stream.indirect.gather [hbm4b:s3+s24], $0x40, s0, s24, $0xb8;
	[tilespmem:$0x1F400] =	vst v63  }
0xf0: {  	s23 =	sadd.s32 $0x1900, s23;
	s26 =	simm.s32 $0x6400;
	_ =	swait.ge [sflag:s20], $0x3200  }
0xf1: {  	s29 =	simm.s32 $0x9600;
	s7 =	rddreg [dreg:$0x9];
	[sflag:s20] =	ssyncset.done $0x0  }
.Ltmp0:
0xf2: {  	[sflag:s20] =	ssyncadd.s32 $0xFFFFCE00;
	s25 =	sadd.s32 s5, s7;
	(pc) =	sbr.rel @p0 .LBB2_2-.Ltmp0, $4  }
0xf3: {  	[hbm4b:s25+s2] =	stream.strided.scatter [tilespmem:s8], [sflag:$0x10], $0x3200, s6, s2, $0x38;
	[tilespmem:$0x1F400] =	vst v63  }
0xf4: {  	s31 =	simm.s32 $0xC800;
	s1 =	simm.s32 $0xFA00;
	_ =	swait.ge [sflag:s21], $0x3200  }
0xf5: {  	s30 =	simm.s32 $0x12C00;
	s28 =	simm.s32 $0x15E00;
	[sflag:s21] =	ssyncset.done $0x0  }
0xf6: {  	s4 =	sadd.s32 $0x1130, s4;
	s5 =	sadd.s32 $0x6400, s5;
	[sflag:s21] =	ssyncadd.s32 $0xFFFFCE00  }
0xf7: {  	s0 =	simm.s32 $0x19000;
	s8 =	simm.s32 $0x1  }
0xf8: {  	[tilespmem:s0], [sflag:$0x7] =	stream.indirect.gather [hbm4b:s3+s24], $0x40, s4, s24, $0xb8;
	[tilespmem:$0x1F400] =	vst v63  }
0xf9: {  	_ =	swait.ge [sflag:s8], $0x3200  }
0xfa: {  	[sflag:s8] =	ssyncset.done $0x0  }
0xfb: {  	s23 =	rddreg [dreg:$0x15];
	[sflag:s8] =	ssyncadd.s32 $0xFFFFCE00  }
0xfc: {  	[hbm4b:s23+s2] =	stream.strided.scatter [tilespmem:s26], [sflag:$0x9], $0x3200, s6, s2, $0x38;
	[tilespmem:$0x1F400] =	vst v63  }
0xfd: {  	_ =	swait.ge [sflag:s22], $0x3200  }
0xfe: {  	s5 =	simm.s32 $0x1C200;
	[sflag:s22] =	ssyncset.done $0x0  }
0xff: {  	s25 =	simm.s32 $0x6338;
	s26 =	simm.s32 $0x2;
	[sflag:s22] =	ssyncadd.s32 $0xFFFFCE00  }
0x100: {  	[tilespmem:s5], [sflag:$0x8] =	stream.indirect.gather [hbm4b:s3+s24], $0x40, s25, s24, $0xb8;
	[tilespmem:$0x1F400] =	vst v63  }
0x101: {  	_ =	swait.ge [sflag:s26], $0x3200  }
0x102: {  	[sflag:s26] =	ssyncset.done $0x0  }
0x103: {  	s7 =	rddreg [dreg:$0x16];
	[sflag:s26] =	ssyncadd.s32 $0xFFFFCE00  }
0x104: {  	[hbm4b:s7+s2] =	stream.strided.scatter [tilespmem:s29], [sflag:$0xA], $0x3200, s6, s2, $0x38;
	[tilespmem:$0x1F400] =	vst v63  }
0x105: {  	_ =	swait.ge [sflag:s10], $0x3200  }
0x106: {  	[sflag:s10] =	ssyncset.done $0x0  }
0x107: {  	s8 =	rddreg [dreg:$0x17];
	[sflag:s10] =	ssyncadd.s32 $0xFFFFCE00  }
0x108: {  	[hbm4b:s8+s2] =	stream.strided.scatter [tilespmem:s31], [sflag:$0xB], $0x3200, s6, s2, $0x38;
	[tilespmem:$0x1F400] =	vst v63  }
0x109: {  	_ =	swait.ge [sflag:s12], $0x3200  }
0x10a: {  	[sflag:s12] =	ssyncset.done $0x0  }
0x10b: {  	s23 =	rddreg [dreg:$0x18];
	[sflag:s12] =	ssyncadd.s32 $0xFFFFCE00  }
0x10c: {  	[hbm4b:s23+s2] =	stream.strided.scatter [tilespmem:s1], [sflag:$0xC], $0x3200, s6, s2, $0x38;
	[tilespmem:$0x1F400] =	vst v63  }
0x10d: {  	_ =	swait.ge [sflag:s14], $0x3200  }
0x10e: {  	[sflag:s14] =	ssyncset.done $0x0  }
0x10f: {  	s25 =	rddreg [dreg:$0x19];
	[sflag:s14] =	ssyncadd.s32 $0xFFFFCE00  }
0x110: {  	[hbm4b:s25+s2] =	stream.strided.scatter [tilespmem:s30], [sflag:$0xD], $0x3200, s6, s2, $0x38;
	[tilespmem:$0x1F400] =	vst v63  }
0x111: {  	_ =	swait.ge [sflag:s16], $0x3200  }
0x112: {  	[sflag:s16] =	ssyncset.done $0x0  }
0x113: {  	s26 =	rddreg [dreg:$0x1a];
	[sflag:s16] =	ssyncadd.s32 $0xFFFFCE00  }
0x114: {  	[hbm4b:s26+s2] =	stream.strided.scatter [tilespmem:s28], [sflag:$0xE], $0x3200, s6, s2, $0x38;
	[tilespmem:$0x1F400] =	vst v63  }
0x115: {  	_ =	swait.ge [sflag:s18], $0x3200  }
0x116: {  	[sflag:s18] =	ssyncset.done $0x0  }
0x117: {  	s28 =	rddreg [dreg:$0x1b];
	[sflag:s18] =	ssyncadd.s32 $0xFFFFCE00  }
0x118: {  	[hbm4b:s28+s2] =	stream.strided.scatter [tilespmem:s0], [sflag:$0xF], $0x3200, s6, s2, $0x38;
	[tilespmem:$0x1F400] =	vst v63  }
0x119: {  	_ =	swait.ge [sflag:s20], $0x3200  }
0x11a: {  	[sflag:s20] =	ssyncset.done $0x0  }
0x11b: {  	s29 =	rddreg [dreg:$0x1c];
	[sflag:s20] =	ssyncadd.s32 $0xFFFFCE00  }
0x11c: {  	[hbm4b:s29+s2] =	stream.strided.scatter [tilespmem:s5], [sflag:$0x10], $0x3200, s6, s2, $0x38;
	[tilespmem:$0x1F400] =	vst v63  }
0x11d: {  	_ =	swait.ge [sflag:s9], $0x3200  }
0x11e: {  	[sflag:s9] =	ssyncset.done $0x0  }
0x11f: {  	[sflag:s9] =	ssyncadd.s32 $0xFFFFCE00  }
0x120: {  	_ =	swait.ge [sflag:s11], $0x3200  }
0x121: {  	[sflag:s11] =	ssyncset.done $0x0  }
0x122: {  	[sflag:s11] =	ssyncadd.s32 $0xFFFFCE00  }
0x123: {  	_ =	swait.ge [sflag:s13], $0x3200  }
0x124: {  	[sflag:s13] =	ssyncset.done $0x0  }
0x125: {  	[sflag:s13] =	ssyncadd.s32 $0xFFFFCE00  }
0x126: {  	_ =	swait.ge [sflag:s15], $0x3200  }
0x127: {  	[sflag:s15] =	ssyncset.done $0x0  }
0x128: {  	[sflag:s15] =	ssyncadd.s32 $0xFFFFCE00  }
0x129: {  	_ =	swait.ge [sflag:s17], $0x3200  }
0x12a: {  	[sflag:s17] =	ssyncset.done $0x0  }
0x12b: {  	[sflag:s17] =	ssyncadd.s32 $0xFFFFCE00  }
0x12c: {  	_ =	swait.ge [sflag:s19], $0x3200  }
0x12d: {  	[sflag:s19] =	ssyncset.done $0x0  }
0x12e: {  	[sflag:s19] =	ssyncadd.s32 $0xFFFFCE00  }
0x12f: {  	_ =	swait.ge [sflag:s21], $0x3200  }
0x130: {  	[sflag:s21] =	ssyncset.done $0x0  }
0x131: {  	[sflag:s21] =	ssyncadd.s32 $0xFFFFCE00  }
0x132: {  	_ =	swait.ge [sflag:s22], $0x3200  }
0x133: {  	s30 =	rddreg [dreg:$0x1e]  }
0x134: {  	s31 =	rddreg [dreg:$0x1d];
	s0 =	sadd.s32 $0x1, s30  }
0x135: {  	p0 =	sne.s32 s0, s31  }
.Ltmp1:
0x136: {  	_ = 	snop;
	(pc) =	sbr.rel @p0 .LBB2_1-.Ltmp1, $3  }
0x137: {  	_ =	sdelay $0x1  }
0x138: {  	[sflag:s22] =	ssyncset.done $0x0  }
0x139: {  	[sflag:s22] =	ssyncadd.s32 $0xFFFFCE00  }
0x13a: {  	_ =	sfence.sel $0x180000  }
0x13b: {  	[bflag:$0x0] =	sbarrier.arrive $0xFFFF  }
0x13c: {  	_ =	strace $0x90000047  }
0x13d: {  	s0 =	stileid.u32;
	[bflag:$0x2] =	sbarrier.arrive $0xFFFF  }
0x13e: {  	p0 =	sne.s32 s0, $0x0;
	s0 =	rddreg [dreg:$0x2]  }
0x13f: {  	s0 =	sadd.s32 @!p0 $0x100000, s0  }
0x140: {  	[sflag:s0] =	ssyncadd.tile.s32 @!p0 $0x1;
	_ =	shalt  }
.Lfunc_end2:
_tile_overlayer_lowered:
.L_overlay_start_2:
0x141: {  	(tag) =	ssettag $0x2  }
0x142: {  	s0 =	rddreg [dreg:$0x0];
	s2 =	stileid.u32  }
0x143: {  	s1 =	rddreg [dreg:$0x1];
	p0 =	sne.s32 s2, $0x0  }
0x144: {  	s3 =	rddreg [dreg:$0x2];
	[bflag:$0x3] =	sbarrier.arrive $0xFFFF;
	s2 =	simm.s32 @!p0 $0x1C11  }
0x145: {  	[timem:s3], [sflag:s2] =	dma.local @!p0 [hbm:s0], s1  }
0x146: {  	s0 =	simm.s32 @!p0 $0x11  }
0x147: {  	_ =	swait.ge @!p0 [sflag:s0], s1  }
0x148: {  	s1 =	ssub.s32 @!p0 $0x0, s1;
	[sflag:s0] =	ssyncset.done @!p0 $0x0  }
0x149: {  	[sflag:s0] =	ssyncadd.s32 @!p0 s1  }
0x14a: {  	[bflag:$0x3] =	sbarrier.arrive $0xFFFF  }
0x14b: {  	_ =	shalt  }

// kernel: sparse-core-data-format-call.cloned.1.call-start
scs
called_computation_lowered:
.L_overlay_start_0:
0x0: {  	s2 =	sld [smem:$0x3FD9]  }
0x1: {  	s3 =	sld [smem:$0x3FFE];
	_ =	sdelay $0x1  }
0x2: {  	s1 =	srdreg.scid  }
0x3: {  	s0 =	sand.u32 $0x1, s1  }
0x4: {  	s18 =	sshll.u32 s0, $0xA;
	s2 =	sadd.s32 s3, s2  }
0x5: {  	s2 =	sadd.s32 s2, s18  }
0x6: {  	[smem:$0x3FC6] =	sst s2  }
0x7: {  	_ = 	snop  }
0x8: {  	s2 =	sld [smem:$0x3FD0];
	(tm) =	ssettm $0x1  }
0x9: {  	s19 =	sld [smem:$0x3FFB];
	_ =	sdelay $0x3  }
0xa: {  	_ =	strace s19  }
0xb: {  	s3 =	sld [smem:$0x3FFC];
	_ =	sdelay $0x3  }
0xc: {  	_ =	strace s3  }
0xd: {  	s3 =	sld [smem:$0x3FFD];
	_ =	sdelay $0x3  }
0xe: {  	_ =	strace s3  }
0xf: {  	_ =	strace $0x8FFFFFFF  }
0x10: {  	s20 =	sld [smem:$0x3FDB];
	_ =	sdelay $0x1  }
0x11: {  	s4 =	simm.s32 $_scs_section_size  }
0x12: {  	s5 =	simm.s32 $_size__tile_overlayer_lowered;
	s6 =	simm.s32 $_tile_overlayer_lowered  }
0x13: {  	s23 =	simm.s32 $0x1BFF;
	s22 =	sshll.u32 s6, $0x1;
	s3 =	sadd.s32 s4, s20  }
0x14: {  	s7 =	simm.s32 $0x0;
	s21 =	sshll.u32 s5, $0x1;
	s5 =	sadd.s32 s22, s3  }
0x15: {  	[timem:s7], [sflag:s23] =	dma.local [hbm:s5], s21  }
0x16: {  	_ =	swait.ge [sflag:s23], s21  }
0x17: {  	s4 =	ssub.s32 $0x0, s21;
	[sflag:s23] =	ssyncset.done $0x0  }
0x18: {  	[sflag:s23] =	ssyncadd.s32 s4;
	_ =	sdelay $0x1  }
0x19: {  	s24 =	simm.s32 $0x1B8B  }
0x1a: {  	_ =	swait.ge [sflag:s24], $0x1  }
0x1b: {  	[sflag:s24] =	ssyncset.done $0x0  }
0x1c: {  	s26 =	simm.s32 $0x1B8E;
	s25 =	sld [smem:$0x3FFE];
	[sflag:s24] =	ssyncadd.s32 $0xFFFFFFFF  }
0x1d: {  	s27 =	simm.s32 $execute0_lowered;
	[smem:$0x3FD2] =	sst s26  }
0x1e: {  	s5 =	sshll.u32 s27, $0x1;
	_ =	strace $0x80000049;
	[dreg:$0x1] =	wrdreg $0xFFFFFFFF  }
0x1f: {  	s28 =	simm.s32 $_size_execute0_lowered;
	s3 =	sadd.s32 s3, s5;
	[dreg:$0x0] =	wrdreg $0x0  }
0x20: {  	s5 =	sshll.u32 s28, $0x1;
	[dreg:$0x2] =	wrdreg s3  }
0x21: {  	[dreg:$0x3] =	wrdreg s5  }
0x22: {  	[dreg:$0x4] =	wrdreg $0xC0  }
0x23: {  	_ =	task [dreg:s7], $0x5FFFF  }
0x24: {  	[dreg:$0x1] =	wrdreg $0xFFFFFFFF  }
0x25: {  	[dreg:$0x0] =	wrdreg $0x60  }
0x26: {  	[dreg:$0x2] =	wrdreg s25  }
0x27: {  	[dreg:$0x3] =	wrdreg s2  }
0x28: {  	[dreg:$0x4] =	wrdreg $0x9  }
0x29: {  	_ =	task.clear_ibuf [dreg:s7], $0x5FFFF;
	_ =	strace $0x90000049  }
0x2a: {  	s29 =	simm.s32 $0x9;
	_ =	strace $0x8000004B  }
0x2b: {  	_ =	swait.ge [sflag:s29], $0x1  }
0x2c: {  	[sflag:s29] =	ssyncadd.s32 $0xFFFFFFFF  }
0x2d: {  	_ =	strace $0x9000004B  }
0x2e: {  	_ =	sfence  }
0x2f: {  	s30 =	sld [smem:$0x0];
	_ =	sdelay $0x2  }
0x30: {  	s31 =	sshll.u32 s1, $0xD;
	s1 =	sshrl.u32 s1, $0x2  }
0x31: {  	s3 =	sand.u32 $0x4000, s31;
	s1 =	sadd.s32 s1, s30  }
0x32: {  	s0 =	sor.u32 s3, s0;
	s1 =	sshll.u32 s1, $0x11  }
0x33: {  	s0 =	sor.u32 s1, s0  }
0x34: {  	s0 =	sadd.s32 $0x8F2B, s0  }
0x35: {  	[sflag:s0] =	ssyncadd.remote.s32 $0x1  }
0x36: {  	_ =	sfence.sel $0xFFFF  }
0x37: {  	[dreg:$0x0] =	wrdreg $0xFFFFFFFF;
	(pc) =	sbr.abs _section_cstart, $3  }
0x38: {  	[dreg:$0x1] =	wrdreg $0xFFFFFFFF  }
0x39: {  	_ =	task.clear_ibuf [dreg:s7], $0x2FFFF;
	_ =	strace $0x9FFFFFFF  }
0x3a: {  	(tm) =	ssettm $0x7FFFFFFF  }
0x3b: {  	_ =	shalt  }
tec
execute0_lowered:
.L_overlay_start_1:
0x0: {  	(tag) =	ssettag $0x1  }
0x1: {  	s0 =	srdreg.scid  }
0x2: {  	s1 =	sshll.u32 s0, $0x4  }
0x3: {  	s0 =	stileid.u32;
	s1 =	sand.u32 $0x10, s1  }
0x4: {  	s1 =	sor.u32 s0, s1  }
0x5: {  	s6 =	rddreg [dreg:$0x0];
	s4 =	simm.s32 $0x1;
	s2 =	sshll.u32 s1, $0x7  }
0x6: {  	s7 =	simm.s32 $0x2;
	s12 =	simm.s32 $0x0;
	s1 =	ssub.s32 $0x1000, s2  }
0x7: {  	s8 =	simm.s32 $0x8000;
	s13 =	simm.s32 $0x0;
	s3 =	sand.u32 $0xF80, s1  }
0x8: {  	s9 =	simm.s32 $0x0;
	s5 =	sshrl.u32 s1, $0xC;
	p0 =	sne.s32 s3, $0x0  }
.Ltmp0:
0x9: {  	s1 =	rddreg [dreg:$0x2];
	s4 =	simm.s32 @!p0 $0x0;
	(pc) =	sbr.rel .LBB1_1-.Ltmp0, $4  }
0xa: {  	s11 =	simm.s32 $0x0;
	s3 =	rddreg [dreg:$0x1];
	s5 =	sadd.s32 s4, s5  }
0xb: {  	_ =	strace $0x8000004A;
	s4 =	simm.s32 $0x1;
	s5 =	smul.u32 $0xC8, s5  }
0xc: {  	s6 =	sadd.s32 $0xA00, s6;
	s10 =	smov.u32 s2;
	[sflag:s4] =	ssyncpa.u1 $0x0  }
0xd: {  	p0 =	por $0x0, $0x0;
	[sflag:s7] =	ssyncpa.u1 $0x0;
	s7 =	sor.u32 $0x1, s5  }
.LBB1_4:
0xe: {  	s16 =	sshll.u32 s13, $0x3;
	s17 =	sand.u32 $0x78, s13  }
0xf: {  	s30 =	sand.u32 $0x7E00, s13;
	s12 =	sshll.u32 s12, $0xF;
	s16 =	sand.u32 $0xC00, s16  }
0x10: {  	[tilespmem:s15+$0x810 ss:$0x81] =	vst.msk $0xffff, v2;
	s31 =	sand.u32 $0x7, s13;
	s16 =	sor.u32 s17, s16;
	s17 =	sadd.s32 s3, s30  }
0x11: {  	[tilespmem:s15+$0x1020 ss:$0x81] =	vst.msk $0xffff, v0;
	s13 =	sshll.u32 s31, $0x12;
	s12 =	sadd.s32 s12, s17;
	s16 =	sshrl.u32 s16, $0x3  }
0x12: {  	[tilespmem:s15+$0x0 ss:$0x81] =	vst.msk $0xffff, v1;
	s13 =	sor.u32 $0x400, s13;
	s12 =	sadd.s32 s16, s12  }
0x13: {  	[hbm4b:s12+s13] =	stream.strided.scatter [tilespmem:s14], [sflag:$0x2], $0x2000, s8, s13, $0x20;
	[tilespmem:$0x8080] =	vst v63  }
.LBB1_5:
0x14: {  	s14 =	sadd.s32 $0x1, s9  }
0x15: {  	s12 =	sadd.s32 $0x1000, s10;
	s16 =	smov.u32 s10;
	p2 =	sgt.s32 s14, $0xC7  }
0x16: {  	s16 =	smov.u32 @p2 s12  }
0x17: {  	s14 =	simm.s32 @p2 $0x0;
	p2 =	sgt.s32 s16, $0xFFF  }
0x18: {  	s16 =	smov.u32 @p2 s2;
	p2 =	sne.s32 s11, s7  }
.Ltmp1:
0x19: {  	p1 =	slt.u32 s11, $0x2;
	(pc) =	sbr.rel @!p2 .LBB1_6-.Ltmp1, $4  }
0x1a: {  	s15 =	simm.s32 @!p1 $0x2  }
0x1b: {  	s13 =	smov.u32 s10;
	p0 =	por !p0, !p0;
	_ =	swait.ge @!p1 [sflag:s15], $0x2000  }
0x1c: {  	s12 =	smov.u32 s9;
	[sflag:s15] =	ssyncset.done @!p1 $0x0;
	s9 =	smov.u32 s14  }
0x1d: {  	s11 =	sadd.s32 $0x1, s11;
	[sflag:s15] =	ssyncadd.s32 @!p1 $0xFFFFE000;
	s10 =	smov.u32 s16  }
.LBB1_1:
0x1e: {  	p1 =	sge.u32 s11, s5  }
0x1f: {  	s14 =	sand.u32 @!p1 $0x1FFFFFF, s9  }
0x20: {  	s15 =	smulhi.u32 @!p1 $0x147AE15, s14;
	_ =	sdelay $0x1  }
0x21: {  	s15 =	smul.u32 @!p1 $0xC8, s15  }
0x22: {  	s16 =	sxor.u32 @!p1 $0xFFFFFFFF, s11;
	s17 =	smul.u32 @!p1 $0xC80, s10  }
0x23: {  	s31 =	sadd.s32 $0xFFFFFFFF, s11;
	s16 =	sshll.u32 @!p1 s16, $0xD;
	s14 =	ssub.s32 @!p1 s14, s15  }
0x24: {  	s15 =	sand.u32 @!p1 $0x2000, s16;
	s16 =	sadd.s32 @!p1 s6, s17;
	s14 =	sshll.u32 @!p1 s14, $0x4  }
0x25: {  	s17 =	simm.s32 @!p1 $0x6400;
	s14 =	sadd.s32 @!p1 s14, s16;
	s16 =	simm.s32 @!p1 $0x40  }
0x26: {  	[tilespmem:s15], [sflag:$0x1] =	stream.strided.gather @!p1 [hbm4b:s14+s16], $0x2000, s17, s16, $0x38;
	[tilespmem:$0x8080] =	vst v63  }
0x27: {  	p1 =	sge.u32 s31, s5  }
.Ltmp2:
0x28: {  	_ = 	snop;
	(pc) =	sbr.rel @p1 .LBB1_5-.Ltmp2, $1  }
0x29: {  	_ =	sdelay $0x3  }
0x2a: {  	s14 =	simm.s32 $0x1  }
0x2b: {  	_ =	swait.ge [sflag:s4], $0x2000;
	s14 =	simm.s32 @!p0 $0x0  }
0x2c: {  	[sflag:s4] =	ssyncset.done $0x0;
	s15 =	sshll.u32 s14, $0xD  }
0x2d: {  	[sflag:s4] =	ssyncadd.s32 $0xFFFFE000;
	s18 =	sor.u32 $0x20, s15  }
0x2e: {  	s14 =	smul.u32 $0x8100, s14;
	v3 =	vld [tilespmem:s18+$0x10]  }
0x2f: {  	s30 =	sand.u32 $0x1, s11;
	v2 =	vld [tilespmem:s18+$0xFFFFFFF0]  }
0x30: {  	s15 =	smul.u32 $0x8100, s30;
	s14 =	sshrl.u32 s14, $0x2;
	v0 =	vld [tilespmem:s18+$0x0]  }
0x31: {  	v1 =	vld [tilespmem:s18+$0xFFFFFFE0];
	s16 =	sor.u32 $0x4000, s14  }
0x32: {  	s31 =	sshrl.u32 s15, $0x2;
	s15 =	sadd.s32 $0x0, s16  }
0x33: {  	s17 =	simm.s32 $0x4;
	s18 =	sadd.s32 $0x40, s18;
	s14 =	sor.u32 $0x4000, s31;
	[tilespmem:s15+$0x1830 ss:$0x81] =	vst.msk $0xffff, v3  }
.LBB1_3:
0x34: {  	v3 =	vld [tilespmem:s18+$0x10];
	p1 =	sne.s32 s17, $0x1FC;
	[tilespmem:s15+$0x810 ss:$0x81] =	vst.msk $0xffff, v2;
	s19 =	smov.u32 s17;
	s17 =	sadd.s32 $0x4, s17  }
.Ltmp3:
0x35: {  	v2 =	vld [tilespmem:s18+$0xFFFFFFF0];
	[tilespmem:s15+$0x1020 ss:$0x81] =	vst.msk $0xffff, v0;
	(pc) =	sbr.rel @p1 .LBB1_3-.Ltmp3, $4  }
0x36: {  	v0 =	vld [tilespmem:s18+$0x0];
	[tilespmem:s15+$0x0 ss:$0x81] =	vst.msk $0xffff, v1  }
0x37: {  	s15 =	sshra.s32 s19, $0x2;
	v1 =	vld [tilespmem:s18+$0xFFFFFFE0]  }
0x38: {  	s15 =	sadd.s32 s15, s16  }
0x39: {  	s18 =	sadd.s32 $0x40, s18;
	[tilespmem:s15+$0x1830 ss:$0x81] =	vst.msk $0xffff, v3  }
.Ltmp4:
0x3a: {  	_ = 	snop;
	(pc) =	sbr.rel .LBB1_4-.Ltmp4, $1  }
0x3b: {  	_ =	sdelay $0x3  }
.LBB1_6:
0x3c: {  	_ =	sfence.sel $0x180000  }
0x3d: {  	s2 =	simm.s32 $0x1;
	[bflag:$0x0] =	sbarrier.arrive $0xFFFF  }
0x3e: {  	s31 =	simm.s32 $0x2;
	[sflag:s2] =	ssyncpa.u1 $0x1  }
0x3f: {  	[sflag:s31] =	ssyncpa.u1 $0x1  }
0x40: {  	p0 =	sne.s32 s0, $0x0;
	_ =	strace $0x9000004A  }
0x41: {  	s0 =	sadd.s32 @!p0 $0x100000, s1;
	[bflag:$0x2] =	sbarrier.arrive $0xFFFF  }
0x42: {  	[sflag:s0] =	ssyncadd.tile.s32 @!p0 $0x1;
	_ =	shalt  }
.Lfunc_end1:
_tile_overlayer_lowered:
.L_overlay_start_2:
0x43: {  	(tag) =	ssettag $0x2  }
0x44: {  	s0 =	rddreg [dreg:$0x0];
	s2 =	stileid.u32  }
0x45: {  	s1 =	rddreg [dreg:$0x1];
	p0 =	sne.s32 s2, $0x0  }
0x46: {  	s3 =	rddreg [dreg:$0x2];
	[bflag:$0x3] =	sbarrier.arrive $0xFFFF;
	s2 =	simm.s32 @!p0 $0x1C01  }
0x47: {  	[timem:s3], [sflag:s2] =	dma.local @!p0 [hbm:s0], s1  }
0x48: {  	s0 =	simm.s32 @!p0 $0x1  }
0x49: {  	_ =	swait.ge @!p0 [sflag:s0], s1  }
0x4a: {  	s1 =	ssub.s32 @!p0 $0x0, s1;
	[sflag:s0] =	ssyncset.done @!p0 $0x0  }
0x4b: {  	[sflag:s0] =	ssyncadd.s32 @!p0 s1  }
0x4c: {  	[bflag:$0x3] =	sbarrier.arrive $0xFFFF  }
0x4d: {  	_ =	shalt  }

</sc_bundles>
